<compile_context>
chip_gen: v7x
topology: tpu7x:2x2x1
jax: 0.10.2.dev20260603
libtpu: 0.0.44.dev20260713+nightly
codegen_flags: <defaults>
</compile_context>

<pallas_src>
import jax
import jax.numpy as jnp
from jax import lax
from jax.experimental import pallas as pl
from jax.experimental.pallas import tpu as pltpu
from jax.experimental.pallas import tpu_sc as plsc

N = 10000
E = 320000
D = 128
L = 16
NC = 2
NS = 16
NW = NC * NS
C = 64
NCHUNK = 160
EW = NCHUNK * C
EP = NW * EW
NBUF = 4
AHEAD = NBUF - 1
NSEG = 2
SEGCH = NCHUNK // NSEG
SEGE = SEGCH * C
J = D // L
G = C // L

ZROWS = 64
FULL_ZCHUNKS = 10
LAST_ZCHUNKS = 6


def _lane_bcast(vec, lane):
    idx = jnp.full((L, 1), lane, jnp.int32)
    dn = lax.GatherDimensionNumbers(
        offset_dims=(), collapsed_slice_dims=(0,), start_index_map=(0,))
    return lax.gather(vec, idx, dn, (1,),
                      mode=lax.GatherScatterMode.PROMISE_IN_BOUNDS)


def _sc_body(x_hbm, src_hbm, dst_hbm, ew_hbm, wmp_hbm, partial_hbm,
             src_v, dst_v, w_v, rows, wmp_v, acc, gsem, ssem):
    cid = lax.axis_index("c")
    sid = lax.axis_index("s")
    wid = cid * NS + sid

    zero = jnp.zeros((L,), jnp.float32)
    def zfill(i, _):
        for j in range(J):
            rows[i, pl.ds(j * L, L)] = zero
        return 0
    lax.fori_loop(0, ZROWS, zfill, 0)
    nz = jnp.where(sid == NS - 1, LAST_ZCHUNKS, FULL_ZCHUNKS)
    zbase = sid * (FULL_ZCHUNKS * ZROWS)
    def zcopy(k, _):
        pltpu.sync_copy(rows.at[pl.ds(0, ZROWS)],
                        acc.at[pl.ds(zbase + k * ZROWS, ZROWS)])
        return 0
    lax.fori_loop(0, nz, zcopy, 0)
    @pl.when(sid == NS - 1)
    def _():
        pltpu.sync_copy(rows.at[pl.ds(0, 16)], acc.at[pl.ds(N - 16, 16)])
    plsc.subcore_barrier()

    pltpu.sync_copy(wmp_hbm, wmp_v)
    wmp = wmp_v[...]

    def stage(s):
        ebase = wid * EW + s * SEGE
        pltpu.sync_copy(src_hbm.at[pl.ds(ebase, SEGE)], src_v)
        pltpu.sync_copy(dst_hbm.at[pl.ds(ebase, SEGE)], dst_v)
        pltpu.sync_copy(ew_hbm.at[pl.ds(ebase, SEGE)], w_v)

    def g_issue(cl):
        boff = (cl % NBUF) * C
        pltpu.async_copy(x_hbm.at[src_v.at[pl.ds(cl * C, C)]],
                         rows.at[pl.ds(boff, C)], gsem)

    def g_wait(cl):
        boff = (cl % NBUF) * C
        pltpu.make_async_copy(x_hbm.at[src_v.at[pl.ds(cl * C, C)]],
                              rows.at[pl.ds(boff, C)], gsem).wait()

    def s_issue(cl):
        boff = (cl % NBUF) * C
        pltpu.async_copy(rows.at[pl.ds(boff, C)],
                         acc.at[dst_v.at[pl.ds(cl * C, C)]], ssem, add=True)

    def s_wait(cl):
        boff = (cl % NBUF) * C
        pltpu.make_async_copy(rows.at[pl.ds(boff, C)],
                              acc.at[dst_v.at[pl.ds(cl * C, C)]], ssem).wait()

    for s in range(NSEG):
        if s > 0:
            s_wait(SEGCH - 1)
        stage(s)
        for b in range(AHEAD):
            g_issue(b)

        def chunk_body(cl, _):
            boff = (cl % NBUF) * C
            g_wait(cl)
            for g in range(G):
                wvec = w_v[pl.ds(cl * C + g * L, L)] * wmp
                def rowfn(r2, _):
                    for u in range(2):
                        r = r2 * 2 + u
                        i = boff + g * L + r
                        wb = _lane_bcast(wvec, r)
                        for j in range(J):
                            rows[i, pl.ds(j * L, L)] = (
                                rows[i, pl.ds(j * L, L)] * wb)
                    return 0
                lax.fori_loop(0, L // 2, rowfn, 0)
            s_issue(cl)
            @pl.when(cl > 0)
            def _():
                s_wait(cl - 1)
            @pl.when(cl < SEGCH - AHEAD)
            def _():
                g_issue(cl + AHEAD)
            return 0
        lax.fori_loop(0, SEGCH, chunk_body, 0)
    s_wait(SEGCH - 1)
    plsc.subcore_barrier()

    def ocopy(k, _):
        pltpu.sync_copy(acc.at[pl.ds(zbase + k * ZROWS, ZROWS)],
                        partial_hbm.at[cid, pl.ds(zbase + k * ZROWS, ZROWS)])
        return 0
    lax.fori_loop(0, nz, ocopy, 0)
    @pl.when(sid == NS - 1)
    def _():
        pltpu.sync_copy(acc.at[pl.ds(N - 16, 16)],
                        partial_hbm.at[cid, pl.ds(N - 16, 16)])


@jax.jit
def _sc_scatter(x, srcp, dstp, ewp, wmp_vec):
    mesh = plsc.VectorSubcoreMesh(
        core_axis_name="c", subcore_axis_name="s", num_cores=NC,
        num_subcores=NS)
    return pl.kernel(
        _sc_body,
        out_type=jax.ShapeDtypeStruct((NC, N, D), jnp.float32),
        mesh=mesh,
        scratch_types=[
            pltpu.VMEM((SEGE,), jnp.int32),
            pltpu.VMEM((SEGE,), jnp.int32),
            pltpu.VMEM((SEGE,), jnp.float32),
            pltpu.VMEM((NBUF * C, D), jnp.float32),
            pltpu.VMEM((L,), jnp.float32),
            pltpu.VMEM_SHARED((N, D), jnp.float32),
            pltpu.SemaphoreType.DMA,
            pltpu.SemaphoreType.DMA,
        ],
    )(x, srcp, dstp, ewp, wmp_vec)


def _tc_add_body(p_ref, o_ref):
    o_ref[...] = p_ref[0] + p_ref[1]


@jax.jit
def _tc_add(partial):
    blk = 1000
    return pl.pallas_call(
        _tc_add_body,
        grid=(N // blk,),
        in_specs=[pl.BlockSpec((NC, blk, D), lambda i: (0, i, 0))],
        out_specs=pl.BlockSpec((blk, D), lambda i: (i, 0)),
        out_shape=jax.ShapeDtypeStruct((N, D), jnp.float32),
    )(partial)


def kernel(x, edge_index, edge_weight, halo_info, mask_send, mask_recv,
           buffer_send, buffer_recv, neighboring_procs, SIZE, w_mp):
    pad = EP - E
    spread = jnp.arange(pad, dtype=jnp.int32) * 7 % N
    srcp = jnp.concatenate([edge_index[0], spread])
    dstp = jnp.concatenate([edge_index[1], spread])
    ewp = jnp.concatenate([edge_weight, jnp.zeros((pad,), jnp.float32)])
    wmp_vec = jnp.broadcast_to(w_mp.astype(jnp.float32), (L,))
    partial = _sc_scatter(x, srcp, dstp, ewp, wmp_vec)
    return _tc_add(partial)

# --- scband reference (transcript-rebuilt; emitter-appended) ---
"""Pipeline reference for scband-toy-gnn-distributed-39943195852845 (READ-ONLY COPY).

The authoritative reference and input builder live on the scoring server;
editing this copy changes nothing except your own understanding.
"""

import jax, jax.numpy as jnp
import numpy as np

N = 10000
E = 320000
D = 128


def setup_inputs(seed: int = 0) -> dict:
    key = jax.random.key(seed)
    k1, k2, k3 = jax.random.split(key, 3)
    x = jax.random.normal(k1, (N, D), dtype=jnp.float32)
    edge_index = jax.random.randint(k2, (2, E), 0, N, dtype=jnp.int32)
    edge_weight = jax.random.uniform(k3, (E,), dtype=jnp.float32)
    halo_info = jnp.zeros((1, 2), dtype=jnp.int32)
    mask_send = jnp.zeros((1,), dtype=jnp.int32)
    mask_recv = jnp.zeros((1,), dtype=jnp.int32)
    buffer_send = jnp.zeros((1, D), dtype=jnp.float32)
    buffer_recv = jnp.zeros((1, D), dtype=jnp.float32)
    neighboring_procs = jnp.zeros((1,), dtype=jnp.int32)
    SIZE = 1
    w_mp = jnp.full((1,), 0.5, dtype=jnp.float32)  # learned scalar parameter
    return {
        "x": x,
        "edge_index": edge_index,
        "edge_weight": edge_weight,
        "halo_info": halo_info,
        "mask_send": mask_send,
        "mask_recv": mask_recv,
        "buffer_send": buffer_send,
        "buffer_recv": buffer_recv,
        "neighboring_procs": neighboring_procs,
        "SIZE": SIZE,
        "w_mp": w_mp,
    }


def reference(x, edge_index, edge_weight, halo_info, mask_send, mask_recv,
              buffer_send, buffer_recv, neighboring_procs, SIZE, w_mp):
    # gather source-node features along edges
    x_nei = jnp.take(x, edge_index[0], axis=0)            # [E, D]
    ea = w_mp * x_nei                                      # scalar edge weight param
    ea = ea * edge_weight[:, None]                         # per-edge weight
    # EdgeAggregation with aggr='add': scatter-add messages (edge_attr) to dst nodes
    edge_agg = jax.ops.segment_sum(ea, edge_index[1], num_segments=x.shape[0])
    # SIZE == 1 -> halo swap / index_add path is skipped (single-process)
    return edge_agg

if __name__ == "__main__":
    import jax
    _d = setup_inputs()
    print(jax.jit(kernel)(*tuple(_d.values())))

</pallas_src>

<mosaic_0001>
#map = affine_map<(d0, d1) -> (0, 0)>
#map1 = affine_map<(d0, d1) -> (0)>
#map2 = affine_map<(d0, d1) -> (0, 0, 0)>
module attributes {stable_mosaic.version = 14 : i64} {
  func.func @_sc_body(%arg0: i32, %arg1: i32, %arg2: memref<10000x128xf32, #tpu.memory_space<hbm>>, %arg3: memref<327680xi32, #tpu.memory_space<hbm>>, %arg4: memref<327680xi32, #tpu.memory_space<hbm>>, %arg5: memref<327680xf32, #tpu.memory_space<hbm>>, %arg6: memref<16xf32, #tpu.memory_space<hbm>>, %arg7: memref<2x10000x128xf32, #tpu.memory_space<hbm>>, %arg8: memref<5120xi32, #tpu.memory_space<vmem>>, %arg9: memref<5120xi32, #tpu.memory_space<vmem>>, %arg10: memref<5120xf32, #tpu.memory_space<vmem>>, %arg11: memref<256x128xf32, #tpu.memory_space<vmem>>, %arg12: memref<16xf32, #tpu.memory_space<vmem>>, %arg13: memref<10000x128xf32, #tpu.memory_space<vmem_shared>>, %arg14: memref<!tpu.dma_semaphore, #tpu.memory_space<semaphore_mem>>, %arg15: memref<!tpu.dma_semaphore, #tpu.memory_space<semaphore_mem>>) attributes {dimension_semantics = [#tpu.dimension_semantics<core_parallel>, #tpu.dimension_semantics<subcore_parallel>], iteration_bounds = array<i64: 2, 16>, scalar_prefetch = 0 : i64, scratch_operands = 8 : i64, tpu.core_type = #tpu.core_type<sc_vector_subcore>, window_params = [{transform_indices = #map}, {transform_indices = #map1}, {transform_indices = #map1}, {transform_indices = #map1}, {transform_indices = #map1}, {transform_indices = #map2}]} {
    %mul3A = arith.constant 16 : i32
    %mul3A_0 = arith.muli %arg0, %mul3A : i32
    %add3A = arith.addi %mul3A_0, %arg1 : i32
    %broadcast_in_dim3A = arith.constant 0.000000e+00 : f32
    %broadcast_in_dim3A_1 = vector.broadcast %broadcast_in_dim3A : f32 to vector<16xf32>
    %scan3A = arith.constant 0 : i32
    %scan3A_2 = arith.constant 0 : i32
    %scan3A_3 = arith.constant 64 : i32
    %scan3A_4 = arith.addi %scan3A_2, %scan3A_3 : i32
    %scan3A_5 = arith.constant 1 : i32
    %scan3A_6 = scf.for %scan3A_130 = %scan3A_2 to %scan3A_4 step %scan3A_5 iter_args(%scan3A_131 = %scan3A) -> (i32)  : i32 {
      %swap3A = arith.index_cast %scan3A_130 : i32 to index
      %swap3A_132 = arith.constant 0 : index
      %swap3A_133 = tpu.vector_load %arg11[%swap3A, %swap3A_132] {strides = array<i32>} : memref<256x128xf32, #tpu.memory_space<vmem>>, vector<1x16xf32>,
      %swap3A_134 = vector.shape_cast %swap3A_133 : vector<1x16xf32> to vector<16xf32>
      %swap3A_135 = vector.shape_cast %broadcast_in_dim3A_1 : vector<16xf32> to vector<1x16xf32>
      tpu.vector_store %arg11[%swap3A, %swap3A_132], %swap3A_135 {strides = array<i32>} : memref<256x128xf32, #tpu.memory_space<vmem>>, vector<1x16xf32>,
      %swap3A_136 = arith.index_cast %scan3A_130 : i32 to index
      %swap3A_137 = arith.constant 16 : index
      %swap3A_138 = tpu.vector_load %arg11[%swap3A_136, %swap3A_137] {strides = array<i32>} : memref<256x128xf32, #tpu.memory_space<vmem>>, vector<1x16xf32>,
      %swap3A_139 = vector.shape_cast %swap3A_138 : vector<1x16xf32> to vector<16xf32>
      %swap3A_140 = vector.shape_cast %broadcast_in_dim3A_1 : vector<16xf32> to vector<1x16xf32>
      tpu.vector_store %arg11[%swap3A_136, %swap3A_137], %swap3A_140 {strides = array<i32>} : memref<256x128xf32, #tpu.memory_space<vmem>>, vector<1x16xf32>,
      %swap3A_141 = arith.index_cast %scan3A_130 : i32 to index
      %swap3A_142 = arith.constant 32 : index
      %swap3A_143 = tpu.vector_load %arg11[%swap3A_141, %swap3A_142] {strides = array<i32>} : memref<256x128xf32, #tpu.memory_space<vmem>>, vector<1x16xf32>,
      %swap3A_144 = vector.shape_cast %swap3A_143 : vector<1x16xf32> to vector<16xf32>
      %swap3A_145 = vector.shape_cast %broadcast_in_dim3A_1 : vector<16xf32> to vector<1x16xf32>
      tpu.vector_store %arg11[%swap3A_141, %swap3A_142], %swap3A_145 {strides = array<i32>} : memref<256x128xf32, #tpu.memory_space<vmem>>, vector<1x16xf32>,
      %swap3A_146 = arith.index_cast %scan3A_130 : i32 to index
      %swap3A_147 = arith.constant 48 : index
      %swap3A_148 = tpu.vector_load %arg11[%swap3A_146, %swap3A_147] {strides = array<i32>} : memref<256x128xf32, #tpu.memory_space<vmem>>, vector<1x16xf32>,
      %swap3A_149 = vector.shape_cast %swap3A_148 : vector<1x16xf32> to vector<16xf32>
      %swap3A_150 = vector.shape_cast %broadcast_in_dim3A_1 : vector<16xf32> to vector<1x16xf32>
      tpu.vector_store %arg11[%swap3A_146, %swap3A_147], %swap3A_150 {strides = array<i32>} : memref<256x128xf32, #tpu.memory_space<vmem>>, vector<1x16xf32>,
      %swap3A_151 = arith.index_cast %scan3A_130 : i32 to index
      %swap3A_152 = arith.constant 64 : index
      %swap3A_153 = tpu.vector_load %arg11[%swap3A_151, %swap3A_152] {strides = array<i32>} : memref<256x128xf32, #tpu.memory_space<vmem>>, vector<1x16xf32>,
      %swap3A_154 = vector.shape_cast %swap3A_153 : vector<1x16xf32> to vector<16xf32>
      %swap3A_155 = vector.shape_cast %broadcast_in_dim3A_1 : vector<16xf32> to vector<1x16xf32>
      tpu.vector_store %arg11[%swap3A_151, %swap3A_152], %swap3A_155 {strides = array<i32>} : memref<256x128xf32, #tpu.memory_space<vmem>>, vector<1x16xf32>,
      %swap3A_156 = arith.index_cast %scan3A_130 : i32 to index
      %swap3A_157 = arith.constant 80 : index
      %swap3A_158 = tpu.vector_load %arg11[%swap3A_156, %swap3A_157] {strides = array<i32>} : memref<256x128xf32, #tpu.memory_space<vmem>>, vector<1x16xf32>,
      %swap3A_159 = vector.shape_cast %swap3A_158 : vector<1x16xf32> to vector<16xf32>
      %swap3A_160 = vector.shape_cast %broadcast_in_dim3A_1 : vector<16xf32> to vector<1x16xf32>
      tpu.vector_store %arg11[%swap3A_156, %swap3A_157], %swap3A_160 {strides = array<i32>} : memref<256x128xf32, #tpu.memory_space<vmem>>, vector<1x16xf32>,
      %swap3A_161 = arith.index_cast %scan3A_130 : i32 to index
      %swap3A_162 = arith.constant 96 : index
      %swap3A_163 = tpu.vector_load %arg11[%swap3A_161, %swap3A_162] {strides = array<i32>} : memref<256x128xf32, #tpu.memory_space<vmem>>, vector<1x16xf32>,
      %swap3A_164 = vector.shape_cast %swap3A_163 : vector<1x16xf32> to vector<16xf32>
      %swap3A_165 = vector.shape_cast %broadcast_in_dim3A_1 : vector<16xf32> to vector<1x16xf32>
      tpu.vector_store %arg11[%swap3A_161, %swap3A_162], %swap3A_165 {strides = array<i32>} : memref<256x128xf32, #tpu.memory_space<vmem>>, vector<1x16xf32>,
      %swap3A_166 = arith.index_cast %scan3A_130 : i32 to index
      %swap3A_167 = arith.constant 112 : index
      %swap3A_168 = tpu.vector_load %arg11[%swap3A_166, %swap3A_167] {strides = array<i32>} : memref<256x128xf32, #tpu.memory_space<vmem>>, vector<1x16xf32>,
      %swap3A_169 = vector.shape_cast %swap3A_168 : vector<1x16xf32> to vector<16xf32>
      %swap3A_170 = vector.shape_cast %broadcast_in_dim3A_1 : vector<16xf32> to vector<1x16xf32>
      tpu.vector_store %arg11[%swap3A_166, %swap3A_167], %swap3A_170 {strides = array<i32>} : memref<256x128xf32, #tpu.memory_space<vmem>>, vector<1x16xf32>,
      %scan3A_171 = arith.constant 0 : i32
      scf.yield %scan3A_171 : i32
    }
    %scan3A_7 = arith.constant 64 : i32
    %eq3A = arith.constant 15 : i32
    %eq3A_8 = arith.cmpi eq, %arg1, %eq3A : i32
    %jit3A = arith.constant 6 : i32
    %jit3A_9 = arith.constant 10 : i32
    %select_n3A = arith.select %eq3A_8, %jit3A, %jit3A_9 : i32
    %mul3A_10 = arith.constant 640 : i32
    %mul3A_11 = arith.muli %arg1, %mul3A_10 : i32
    %while3A = arith.constant 0 : i32
    %while3A_12 = arith.constant 0 : i32
    %while3A_13 = arith.subi %select_n3A, %while3A : i32
    %while3A_14 = arith.addi %while3A, %while3A_13 : i32
    %while3A_15 = arith.constant 1 : i32
    %while3A_16 = arith.divsi %while3A_13, %while3A_15 : i32
    %while3A_17 = arith.muli %while3A_16, %while3A_15 : i32
    %while3A_18 = arith.addi %while3A, %while3A_17 : i32
    %while3A_19 = arith.constant 1 : i32
    %while3A_20 = scf.for %while3A_130 = %while3A to %while3A_18 step %while3A_19 iter_args(%while3A_131 = %while3A_12) -> (i32)  : i32 {
      %mul3A_132 = arith.constant 64 : i32
      %mul3A_133 = arith.muli %while3A_130, %mul3A_132 : i32
      %add3A_134 = arith.addi %mul3A_11, %mul3A_133 : i32
      "tpu.region"() ({
        %run_scoped3A = tpu.sem_alloc : memref<!tpu.dma_semaphore, #tpu.memory_space<semaphore_mem>>
        %dma_start3A_136 = arith.constant 0 : i32
        %dma_start3A_137 = arith.constant 0 : i32
        %dma_start3A_138 = tpu.memref_slice %arg11[%dma_start3A_136, %dma_start3A_137] : memref<256x128xf32, #tpu.memory_space<vmem>> -> memref<64x128xf32, #tpu.memory_space<vmem>>
        %dma_start3A_139 = arith.constant 0 : i32
        %dma_start3A_140 = tpu.memref_slice %arg13[%add3A_134, %dma_start3A_139] : memref<10000x128xf32, #tpu.memory_space<vmem_shared>> -> memref<64x128xf32, #tpu.memory_space<vmem_shared>>
        %dma_start3A_141 = arith.constant 0 : i32
        %dma_start3A_142 = tpu.memref_slice %arg13[%add3A_134, %dma_start3A_141] : memref<10000x128xf32, #tpu.memory_space<vmem_shared>> -> memref<64x128xf32, #tpu.memory_space<vmem_shared>>
        %dma_start3A_143 = arith.constant 0 : i32
        %dma_start3A_144 = arith.constant 0 : i32
        %dma_start3A_145 = tpu.memref_slice %arg11[%dma_start3A_143, %dma_start3A_144] : memref<256x128xf32, #tpu.memory_space<vmem>> -> memref<64x128xf32, #tpu.memory_space<vmem>>
        tpu.enqueue_dma source(%dma_start3A_145 : memref<64x128xf32, #tpu.memory_space<vmem>>) target(%dma_start3A_142 : memref<64x128xf32, #tpu.memory_space<vmem_shared>>) target_semaphore(%run_scoped3A : memref<!tpu.dma_semaphore, #tpu.memory_space<semaphore_mem>>)
        %dma_wait3A_146 = arith.constant 0 : i32
        %dma_wait3A_147 = arith.constant 0 : i32
        %dma_wait3A_148 = tpu.memref_slice %arg11[%dma_wait3A_146, %dma_wait3A_147] : memref<256x128xf32, #tpu.memory_space<vmem>> -> memref<64x128xf32, #tpu.memory_space<vmem>>
        %dma_wait3A_149 = arith.constant 0 : i32
        %dma_wait3A_150 = tpu.memref_slice %arg13[%add3A_134, %dma_wait3A_149] : memref<10000x128xf32, #tpu.memory_space<vmem_shared>> -> memref<64x128xf32, #tpu.memory_space<vmem_shared>>
        %dma_wait3A_151 = arith.constant 0 : i32
        %dma_wait3A_152 = tpu.memref_slice %arg13[%add3A_134, %dma_wait3A_151] : memref<10000x128xf32, #tpu.memory_space<vmem_shared>> -> memref<64x128xf32, #tpu.memory_space<vmem_shared>>
        %dma_wait3A_153 = arith.constant 0 : i32
        %dma_wait3A_154 = arith.constant 0 : i32
        %dma_wait3A_155 = tpu.memref_slice %arg11[%dma_wait3A_153, %dma_wait3A_154] : memref<256x128xf32, #tpu.memory_space<vmem>> -> memref<64x128xf32, #tpu.memory_space<vmem>>
        tpu.wait_dma2 semaphore(%run_scoped3A : memref<!tpu.dma_semaphore, #tpu.memory_space<semaphore_mem>>) src(%dma_wait3A_155 : memref<64x128xf32, #tpu.memory_space<vmem>>) dst(%dma_wait3A_152 : memref<64x128xf32, #tpu.memory_space<vmem_shared>>)
        tpu.yield
      }) : () -> ()
      %while3A_135 = arith.constant 0 : i32
      scf.yield %while3A_135 : i32
    }
    %while3A_21 = arith.constant 1 : i32
    %while3A_22 = scf.for %while3A_130 = %while3A_18 to %while3A_14 step %while3A_21 iter_args(%while3A_131 = %while3A_20) -> (i32)  : i32 {
      %mul3A_132 = arith.constant 64 : i32
      %mul3A_133 = arith.muli %while3A_130, %mul3A_132 : i32
      %add3A_134 = arith.addi %mul3A_11, %mul3A_133 : i32
      "tpu.region"() ({
        %run_scoped3A = tpu.sem_alloc : memref<!tpu.dma_semaphore, #tpu.memory_space<semaphore_mem>>
        %dma_start3A_136 = arith.constant 0 : i32
        %dma_start3A_137 = arith.constant 0 : i32
        %dma_start3A_138 = tpu.memref_slice %arg11[%dma_start3A_136, %dma_start3A_137] : memref<256x128xf32, #tpu.memory_space<vmem>> -> memref<64x128xf32, #tpu.memory_space<vmem>>
        %dma_start3A_139 = arith.constant 0 : i32
        %dma_start3A_140 = tpu.memref_slice %arg13[%add3A_134, %dma_start3A_139] : memref<10000x128xf32, #tpu.memory_space<vmem_shared>> -> memref<64x128xf32, #tpu.memory_space<vmem_shared>>
        %dma_start3A_141 = arith.constant 0 : i32
        %dma_start3A_142 = tpu.memref_slice %arg13[%add3A_134, %dma_start3A_141] : memref<10000x128xf32, #tpu.memory_space<vmem_shared>> -> memref<64x128xf32, #tpu.memory_space<vmem_shared>>
        %dma_start3A_143 = arith.constant 0 : i32
        %dma_start3A_144 = arith.constant 0 : i32
        %dma_start3A_145 = tpu.memref_slice %arg11[%dma_start3A_143, %dma_start3A_144] : memref<256x128xf32, #tpu.memory_space<vmem>> -> memref<64x128xf32, #tpu.memory_space<vmem>>
        tpu.enqueue_dma source(%dma_start3A_145 : memref<64x128xf32, #tpu.memory_space<vmem>>) target(%dma_start3A_142 : memref<64x128xf32, #tpu.memory_space<vmem_shared>>) target_semaphore(%run_scoped3A : memref<!tpu.dma_semaphore, #tpu.memory_space<semaphore_mem>>)
        %dma_wait3A_146 = arith.constant 0 : i32
        %dma_wait3A_147 = arith.constant 0 : i32
        %dma_wait3A_148 = tpu.memref_slice %arg11[%dma_wait3A_146, %dma_wait3A_147] : memref<256x128xf32, #tpu.memory_space<vmem>> -> memref<64x128xf32, #tpu.memory_space<vmem>>
        %dma_wait3A_149 = arith.constant 0 : i32
        %dma_wait3A_150 = tpu.memref_slice %arg13[%add3A_134, %dma_wait3A_149] : memref<10000x128xf32, #tpu.memory_space<vmem_shared>> -> memref<64x128xf32, #tpu.memory_space<vmem_shared>>
        %dma_wait3A_151 = arith.constant 0 : i32
        %dma_wait3A_152 = tpu.memref_slice %arg13[%add3A_134, %dma_wait3A_151] : memref<10000x128xf32, #tpu.memory_space<vmem_shared>> -> memref<64x128xf32, #tpu.memory_space<vmem_shared>>
        %dma_wait3A_153 = arith.constant 0 : i32
        %dma_wait3A_154 = arith.constant 0 : i32
        %dma_wait3A_155 = tpu.memref_slice %arg11[%dma_wait3A_153, %dma_wait3A_154] : memref<256x128xf32, #tpu.memory_space<vmem>> -> memref<64x128xf32, #tpu.memory_space<vmem>>
        tpu.wait_dma2 semaphore(%run_scoped3A : memref<!tpu.dma_semaphore, #tpu.memory_space<semaphore_mem>>) src(%dma_wait3A_155 : memref<64x128xf32, #tpu.memory_space<vmem>>) dst(%dma_wait3A_152 : memref<64x128xf32, #tpu.memory_space<vmem_shared>>)
        tpu.yield
      }) : () -> ()
      %while3A_135 = arith.constant 0 : i32
      scf.yield %while3A_135 : i32
    }
    %eq3A_23 = arith.constant 15 : i32
    %eq3A_24 = arith.cmpi eq, %arg1, %eq3A_23 : i32
    %convert_element_type3A = arith.extui %eq3A_24 : i1 to i32
    %cond3A = arith.constant 0 : i32
    %cond3A_25 = arith.cmpi ne, %convert_element_type3A, %cond3A : i32
    scf.if %cond3A_25 {
      "tpu.region"() ({
        %run_scoped3A = tpu.sem_alloc : memref<!tpu.dma_semaphore, #tpu.memory_space<semaphore_mem>>
        %dma_start3A_130 = arith.constant 0 : i32
        %dma_start3A_131 = arith.constant 0 : i32
        %dma_start3A_132 = tpu.memref_slice %arg11[%dma_start3A_130, %dma_start3A_131] : memref<256x128xf32, #tpu.memory_space<vmem>> -> memref<16x128xf32, #tpu.memory_space<vmem>>
        %dma_start3A_133 = arith.constant 9984 : i32
        %dma_start3A_134 = arith.constant 0 : i32
        %dma_start3A_135 = tpu.memref_slice %arg13[%dma_start3A_133, %dma_start3A_134] : memref<10000x128xf32, #tpu.memory_space<vmem_shared>> -> memref<16x128xf32, #tpu.memory_space<vmem_shared>>
        %dma_start3A_136 = arith.constant 9984 : i32
        %dma_start3A_137 = arith.constant 0 : i32
        %dma_start3A_138 = tpu.memref_slice %arg13[%dma_start3A_136, %dma_start3A_137] : memref<10000x128xf32, #tpu.memory_space<vmem_shared>> -> memref<16x128xf32, #tpu.memory_space<vmem_shared>>
        %dma_start3A_139 = arith.constant 0 : i32
        %dma_start3A_140 = arith.constant 0 : i32
        %dma_start3A_141 = tpu.memref_slice %arg11[%dma_start3A_139, %dma_start3A_140] : memref<256x128xf32, #tpu.memory_space<vmem>> -> memref<16x128xf32, #tpu.memory_space<vmem>>
        tpu.enqueue_dma source(%dma_start3A_141 : memref<16x128xf32, #tpu.memory_space<vmem>>) target(%dma_start3A_138 : memref<16x128xf32, #tpu.memory_space<vmem_shared>>) target_semaphore(%run_scoped3A : memref<!tpu.dma_semaphore, #tpu.memory_space<semaphore_mem>>)
        %dma_wait3A_142 = arith.constant 0 : i32
        %dma_wait3A_143 = arith.constant 0 : i32
        %dma_wait3A_144 = tpu.memref_slice %arg11[%dma_wait3A_142, %dma_wait3A_143] : memref<256x128xf32, #tpu.memory_space<vmem>> -> memref<16x128xf32, #tpu.memory_space<vmem>>
        %dma_wait3A_145 = arith.constant 9984 : i32
        %dma_wait3A_146 = arith.constant 0 : i32
        %dma_wait3A_147 = tpu.memref_slice %arg13[%dma_wait3A_145, %dma_wait3A_146] : memref<10000x128xf32, #tpu.memory_space<vmem_shared>> -> memref<16x128xf32, #tpu.memory_space<vmem_shared>>
        %dma_wait3A_148 = arith.constant 9984 : i32
        %dma_wait3A_149 = arith.constant 0 : i32
        %dma_wait3A_150 = tpu.memref_slice %arg13[%dma_wait3A_148, %dma_wait3A_149] : memref<10000x128xf32, #tpu.memory_space<vmem_shared>> -> memref<16x128xf32, #tpu.memory_space<vmem_shared>>
        %dma_wait3A_151 = arith.constant 0 : i32
        %dma_wait3A_152 = arith.constant 0 : i32
        %dma_wait3A_153 = tpu.memref_slice %arg11[%dma_wait3A_151, %dma_wait3A_152] : memref<256x128xf32, #tpu.memory_space<vmem>> -> memref<16x128xf32, #tpu.memory_space<vmem>>
        tpu.wait_dma2 semaphore(%run_scoped3A : memref<!tpu.dma_semaphore, #tpu.memory_space<semaphore_mem>>) src(%dma_wait3A_153 : memref<16x128xf32, #tpu.memory_space<vmem>>) dst(%dma_wait3A_150 : memref<16x128xf32, #tpu.memory_space<vmem_shared>>)
        tpu.yield
      }) : () -> ()
    } else {
    }
    %barrier3A = arith.constant 0 : index
    tpu.barrier barrier_id(%barrier3A)
    "tpu.region"() ({
      %run_scoped3A = tpu.sem_alloc : memref<!tpu.dma_semaphore, #tpu.memory_space<semaphore_mem>>
      tpu.enqueue_dma source(%arg6 : memref<16xf32, #tpu.memory_space<hbm>>) target(%arg12 : memref<16xf32, #tpu.memory_space<vmem>>) target_semaphore(%run_scoped3A : memref<!tpu.dma_semaphore, #tpu.memory_space<semaphore_mem>>)
      tpu.wait_dma2 semaphore(%run_scoped3A : memref<!tpu.dma_semaphore, #tpu.memory_space<semaphore_mem>>) src(%arg6 : memref<16xf32, #tpu.memory_space<hbm>>) dst(%arg12 : memref<16xf32, #tpu.memory_space<vmem>>)
      tpu.yield
    }) : () -> ()
    %get3A = arith.constant 0 : index
    %get3A_26 = tpu.vector_load %arg12[%get3A] {strides = array<i32>} : memref<16xf32, #tpu.memory_space<vmem>>, vector<16xf32>,
    %get3A_27 = vector.shape_cast %get3A_26 : vector<16xf32> to vector<16xf32>
    %mul3A_28 = arith.constant 10240 : i32
    %mul3A_29 = arith.muli %add3A, %mul3A_28 : i32
    %add3A_30 = arith.constant 0 : i32
    %add3A_31 = arith.addi %mul3A_29, %add3A_30 : i32
    "tpu.region"() ({
      %run_scoped3A = tpu.sem_alloc : memref<!tpu.dma_semaphore, #tpu.memory_space<semaphore_mem>>
      %dma_start3A_130 = tpu.memref_slice %arg3[%add3A_31] : memref<327680xi32, #tpu.memory_space<hbm>> -> memref<5120xi32, #tpu.memory_space<hbm>>
      %dma_start3A_131 = tpu.memref_slice %arg3[%add3A_31] : memref<327680xi32, #tpu.memory_space<hbm>> -> memref<5120xi32, #tpu.memory_space<hbm>>
      tpu.enqueue_dma source(%dma_start3A_131 : memref<5120xi32, #tpu.memory_space<hbm>>) target(%arg8 : memref<5120xi32, #tpu.memory_space<vmem>>) target_semaphore(%run_scoped3A : memref<!tpu.dma_semaphore, #tpu.memory_space<semaphore_mem>>)
      %dma_wait3A_132 = tpu.memref_slice %arg3[%add3A_31] : memref<327680xi32, #tpu.memory_space<hbm>> -> memref<5120xi32, #tpu.memory_space<hbm>>
      %dma_wait3A_133 = tpu.memref_slice %arg3[%add3A_31] : memref<327680xi32, #tpu.memory_space<hbm>> -> memref<5120xi32, #tpu.memory_space<hbm>>
      tpu.wait_dma2 semaphore(%run_scoped3A : memref<!tpu.dma_semaphore, #tpu.memory_space<semaphore_mem>>) src(%dma_wait3A_133 : memref<5120xi32, #tpu.memory_space<hbm>>) dst(%arg8 : memref<5120xi32, #tpu.memory_space<vmem>>)
      tpu.yield
    }) : () -> ()
    "tpu.region"() ({
      %run_scoped3A = tpu.sem_alloc : memref<!tpu.dma_semaphore, #tpu.memory_space<semaphore_mem>>
      %dma_start3A_130 = tpu.memref_slice %arg4[%add3A_31] : memref<327680xi32, #tpu.memory_space<hbm>> -> memref<5120xi32, #tpu.memory_space<hbm>>
      %dma_start3A_131 = tpu.memref_slice %arg4[%add3A_31] : memref<327680xi32, #tpu.memory_space<hbm>> -> memref<5120xi32, #tpu.memory_space<hbm>>
      tpu.enqueue_dma source(%dma_start3A_131 : memref<5120xi32, #tpu.memory_space<hbm>>) target(%arg9 : memref<5120xi32, #tpu.memory_space<vmem>>) target_semaphore(%run_scoped3A : memref<!tpu.dma_semaphore, #tpu.memory_space<semaphore_mem>>)
      %dma_wait3A_132 = tpu.memref_slice %arg4[%add3A_31] : memref<327680xi32, #tpu.memory_space<hbm>> -> memref<5120xi32, #tpu.memory_space<hbm>>
      %dma_wait3A_133 = tpu.memref_slice %arg4[%add3A_31] : memref<327680xi32, #tpu.memory_space<hbm>> -> memref<5120xi32, #tpu.memory_space<hbm>>
      tpu.wait_dma2 semaphore(%run_scoped3A : memref<!tpu.dma_semaphore, #tpu.memory_space<semaphore_mem>>) src(%dma_wait3A_133 : memref<5120xi32, #tpu.memory_space<hbm>>) dst(%arg9 : memref<5120xi32, #tpu.memory_space<vmem>>)
      tpu.yield
    }) : () -> ()
    "tpu.region"() ({
      %run_scoped3A = tpu.sem_alloc : memref<!tpu.dma_semaphore, #tpu.memory_space<semaphore_mem>>
      %dma_start3A_130 = tpu.memref_slice %arg5[%add3A_31] : memref<327680xf32, #tpu.memory_space<hbm>> -> memref<5120xf32, #tpu.memory_space<hbm>>
      %dma_start3A_131 = tpu.memref_slice %arg5[%add3A_31] : memref<327680xf32, #tpu.memory_space<hbm>> -> memref<5120xf32, #tpu.memory_space<hbm>>
      tpu.enqueue_dma source(%dma_start3A_131 : memref<5120xf32, #tpu.memory_space<hbm>>) target(%arg10 : memref<5120xf32, #tpu.memory_space<vmem>>) target_semaphore(%run_scoped3A : memref<!tpu.dma_semaphore, #tpu.memory_space<semaphore_mem>>)
      %dma_wait3A_132 = tpu.memref_slice %arg5[%add3A_31] : memref<327680xf32, #tpu.memory_space<hbm>> -> memref<5120xf32, #tpu.memory_space<hbm>>
      %dma_wait3A_133 = tpu.memref_slice %arg5[%add3A_31] : memref<327680xf32, #tpu.memory_space<hbm>> -> memref<5120xf32, #tpu.memory_space<hbm>>
      tpu.wait_dma2 semaphore(%run_scoped3A : memref<!tpu.dma_semaphore, #tpu.memory_space<semaphore_mem>>) src(%dma_wait3A_133 : memref<5120xf32, #tpu.memory_space<hbm>>) dst(%arg10 : memref<5120xf32, #tpu.memory_space<vmem>>)
      tpu.yield
    }) : () -> ()
    %dma_start3A = arith.constant 0 : i32
    %dma_start3A_32 = arith.constant 0 : i32
    %dma_start3A_33 = tpu.memref_slice %arg11[%dma_start3A, %dma_start3A_32] : memref<256x128xf32, #tpu.memory_space<vmem>> -> memref<64x128xf32, #tpu.memory_space<vmem>>
    %dma_start3A_34 = arith.constant 0 : i32
    %dma_start3A_35 = tpu.memref_slice %arg8[%dma_start3A_34] : memref<5120xi32, #tpu.memory_space<vmem>> -> memref<64xi32, #tpu.memory_space<vmem>>
    %dma_start3A_36 = arith.constant 0 : i32
    %dma_start3A_37 = arith.constant 0 : i32
    %dma_start3A_38 = tpu.memref_slice %arg2[%dma_start3A_36, %dma_start3A_37] : memref<10000x128xf32, #tpu.memory_space<hbm>> -> memref<10000x128xf32, #tpu.memory_space<hbm>>
    tpu.enqueue_indirect_dma source(%dma_start3A_38 : memref<10000x128xf32, #tpu.memory_space<hbm>>) target(%dma_start3A_33 : memref<64x128xf32, #tpu.memory_space<vmem>>) offsets(%dma_start3A_35 : memref<64xi32, #tpu.memory_space<vmem>>) semaphore(%arg14 : memref<!tpu.dma_semaphore, #tpu.memory_space<semaphore_mem>>)
    %dma_start3A_39 = arith.constant 64 : i32
    %dma_start3A_40 = arith.constant 0 : i32
    %dma_start3A_41 = tpu.memref_slice %arg11[%dma_start3A_39, %dma_start3A_40] : memref<256x128xf32, #tpu.memory_space<vmem>> -> memref<64x128xf32, #tpu.memory_space<vmem>>
    %dma_start3A_42 = arith.constant 64 : i32
    %dma_start3A_43 = tpu.memref_slice %arg8[%dma_start3A_42] : memref<5120xi32, #tpu.memory_space<vmem>> -> memref<64xi32, #tpu.memory_space<vmem>>
    %dma_start3A_44 = arith.constant 0 : i32
    %dma_start3A_45 = arith.constant 0 : i32
    %dma_start3A_46 = tpu.memref_slice %arg2[%dma_start3A_44, %dma_start3A_45] : memref<10000x128xf32, #tpu.memory_space<hbm>> -> memref<10000x128xf32, #tpu.memory_space<hbm>>
    tpu.enqueue_indirect_dma source(%dma_start3A_46 : memref<10000x128xf32, #tpu.memory_space<hbm>>) target(%dma_start3A_41 : memref<64x128xf32, #tpu.memory_space<vmem>>) offsets(%dma_start3A_43 : memref<64xi32, #tpu.memory_space<vmem>>) semaphore(%arg14 : memref<!tpu.dma_semaphore, #tpu.memory_space<semaphore_mem>>)
    %dma_start3A_47 = arith.constant 128 : i32
    %dma_start3A_48 = arith.constant 0 : i32
    %dma_start3A_49 = tpu.memref_slice %arg11[%dma_start3A_47, %dma_start3A_48] : memref<256x128xf32, #tpu.memory_space<vmem>> -> memref<64x128xf32, #tpu.memory_space<vmem>>
    %dma_start3A_50 = arith.constant 128 : i32
    %dma_start3A_51 = tpu.memref_slice %arg8[%dma_start3A_50] : memref<5120xi32, #tpu.memory_space<vmem>> -> memref<64xi32, #tpu.memory_space<vmem>>
    %dma_start3A_52 = arith.constant 0 : i32
    %dma_start3A_53 = arith.constant 0 : i32
    %dma_start3A_54 = tpu.memref_slice %arg2[%dma_start3A_52, %dma_start3A_53] : memref<10000x128xf32, #tpu.memory_space<hbm>> -> memref<10000x128xf32, #tpu.memory_space<hbm>>
    tpu.enqueue_indirect_dma source(%dma_start3A_54 : memref<10000x128xf32, #tpu.memory_space<hbm>>) target(%dma_start3A_49 : memref<64x128xf32, #tpu.memory_space<vmem>>) offsets(%dma_start3A_51 : memref<64xi32, #tpu.memory_space<vmem>>) semaphore(%arg14 : memref<!tpu.dma_semaphore, #tpu.memory_space<semaphore_mem>>)
    %scan3A_55 = arith.constant 0 : i32
    %scan3A_56 = arith.constant 0 : i32
    %scan3A_57 = arith.constant 80 : i32
    %scan3A_58 = arith.addi %scan3A_56, %scan3A_57 : i32
    %scan3A_59 = arith.constant 1 : i32
    %scan3A_60 = scf.for %scan3A_130 = %scan3A_56 to %scan3A_58 step %scan3A_59 iter_args(%scan3A_131 = %scan3A_55) -> (i32)  : i32 {
      %jit3A_132 = arith.constant 4 : i32
      %eq3A_133 = arith.constant 0 : i32
      %eq3A_134 = arith.cmpi eq, %jit3A_132, %eq3A_133 : i32
      %jit3A_135 = arith.constant 1 : i32
      %select_n3A_136 = arith.select %eq3A_134, %jit3A_135, %jit3A_132 : i32
      %rem3A = arith.remsi %scan3A_130, %select_n3A_136 : i32
      %ne3A = arith.constant 0 : i32
      %ne3A_137 = arith.cmpi ne, %rem3A, %ne3A : i32
      %lt3A = arith.constant 0 : i32
      %lt3A_138 = arith.cmpi slt, %rem3A, %lt3A : i32
      %lt3A_139 = arith.constant 0 : i32
      %lt3A_140 = arith.cmpi slt, %select_n3A_136, %lt3A_139 : i32
      %ne3A_141 = arith.xori %lt3A_138, %lt3A_140 : i1
      %and3A = arith.andi %ne3A_141, %ne3A_137 : i1
      %add3A_142 = arith.addi %rem3A, %select_n3A_136 : i32
      %select_n3A_143 = arith.select %and3A, %add3A_142, %rem3A : i32
      %mul3A_144 = arith.constant 64 : i32
      %mul3A_145 = arith.muli %select_n3A_143, %mul3A_144 : i32
      %jit3A_146 = arith.constant 4 : i32
      %eq3A_147 = arith.constant 0 : i32
      %eq3A_148 = arith.cmpi eq, %jit3A_146, %eq3A_147 : i32
      %jit3A_149 = arith.constant 1 : i32
      %select_n3A_150 = arith.select %eq3A_148, %jit3A_149, %jit3A_146 : i32
      %rem3A_151 = arith.remsi %scan3A_130, %select_n3A_150 : i32
      %ne3A_152 = arith.constant 0 : i32
      %ne3A_153 = arith.cmpi ne, %rem3A_151, %ne3A_152 : i32
      %lt3A_154 = arith.constant 0 : i32
      %lt3A_155 = arith.cmpi slt, %rem3A_151, %lt3A_154 : i32
      %lt3A_156 = arith.constant 0 : i32
      %lt3A_157 = arith.cmpi slt, %select_n3A_150, %lt3A_156 : i32
      %ne3A_158 = arith.xori %lt3A_155, %lt3A_157 : i1
      %and3A_159 = arith.andi %ne3A_158, %ne3A_153 : i1
      %add3A_160 = arith.addi %rem3A_151, %select_n3A_150 : i32
      %select_n3A_161 = arith.select %and3A_159, %add3A_160, %rem3A_151 : i32
      %mul3A_162 = arith.constant 64 : i32
      %mul3A_163 = arith.muli %select_n3A_161, %mul3A_162 : i32
      %mul3A_164 = arith.constant 64 : i32
      %mul3A_165 = arith.muli %scan3A_130, %mul3A_164 : i32
      %dma_wait3A_166 = arith.constant 0 : i32
      %dma_wait3A_167 = tpu.memref_slice %arg11[%mul3A_163, %dma_wait3A_166] : memref<256x128xf32, #tpu.memory_space<vmem>> -> memref<64x128xf32, #tpu.memory_space<vmem>>
      %dma_wait3A_168 = tpu.memref_slice %arg8[%mul3A_165] : memref<5120xi32, #tpu.memory_space<vmem>> -> memref<64xi32, #tpu.memory_space<vmem>>
      %dma_wait3A_169 = arith.constant 0 : i32
      %dma_wait3A_170 = arith.constant 0 : i32
      %dma_wait3A_171 = tpu.memref_slice %arg2[%dma_wait3A_169, %dma_wait3A_170] : memref<10000x128xf32, #tpu.memory_space<hbm>> -> memref<10000x128xf32, #tpu.memory_space<hbm>>
      tpu.wait_indirect_dma semaphore(%arg14 : memref<!tpu.dma_semaphore, #tpu.memory_space<semaphore_mem>>) src(%dma_wait3A_171 : memref<10000x128xf32, #tpu.memory_space<hbm>>) dst(%dma_wait3A_167 : memref<64x128xf32, #tpu.memory_space<vmem>>)
      %mul3A_172 = arith.constant 64 : i32
      %mul3A_173 = arith.muli %scan3A_130, %mul3A_172 : i32
      %add3A_174 = arith.constant 0 : i32
      %add3A_175 = arith.addi %mul3A_173, %add3A_174 : i32
      %get3A_176 = arith.index_cast %add3A_175 : i32 to index
      %get3A_177 = tpu.vector_load %arg10[%get3A_176] {strides = array<i32>} : memref<5120xf32, #tpu.memory_space<vmem>>, vector<16xf32>,
      %get3A_178 = vector.shape_cast %get3A_177 : vector<16xf32> to vector<16xf32>
      %mul3A_179 = arith.mulf %get3A_178, %get3A_27 : vector<16xf32>
      %scan3A_180 = arith.constant 0 : i32
      %scan3A_181 = arith.constant 0 : i32
      %scan3A_182 = arith.constant 8 : i32
      %scan3A_183 = arith.addi %scan3A_181, %scan3A_182 : i32
      %scan3A_184 = arith.constant 1 : i32
      %scan3A_185 = scf.for %scan3A_268 = %scan3A_181 to %scan3A_183 step %scan3A_184 iter_args(%scan3A_269 = %scan3A_180) -> (i32)  : i32 {
        %mul3A_270 = arith.constant 2 : i32
        %mul3A_271 = arith.muli %scan3A_268, %mul3A_270 : i32
        %add3A_272 = arith.constant 0 : i32
        %add3A_273 = arith.addi %mul3A_271, %add3A_272 : i32
        %add3A_274 = arith.constant 0 : i32
        %add3A_275 = arith.addi %mul3A_145, %add3A_274 : i32
        %add3A_276 = arith.addi %add3A_275, %add3A_273 : i32
        %broadcast_in_dim3A_277 = vector.broadcast %add3A_273 : i32 to vector<16x1xi32>
        %gather3A = vector.shape_cast %broadcast_in_dim3A_277 : vector<16x1xi32> to vector<16xi32>
        %gather3A_278 = tpu.dynamic_gather %mul3A_179[%gather3A] in [0] : vector<16xf32>, vector<16xi32> -> vector<16xf32>
        %get3A_279 = arith.index_cast %add3A_276 : i32 to index
        %get3A_280 = arith.constant 0 : index
        %get3A_281 = tpu.vector_load %arg11[%get3A_279, %get3A_280] {strides = array<i32>} : memref<256x128xf32, #tpu.memory_space<vmem>>, vector<1x16xf32>,
        %get3A_282 = vector.shape_cast %get3A_281 : vector<1x16xf32> to vector<16xf32>
        %mul3A_283 = arith.mulf %get3A_282, %gather3A_278 : vector<16xf32>
        %swap3A = arith.index_cast %add3A_276 : i32 to index
        %swap3A_284 = arith.constant 0 : index
        %swap3A_285 = tpu.vector_load %arg11[%swap3A, %swap3A_284] {strides = array<i32>} : memref<256x128xf32, #tpu.memory_space<vmem>>, vector<1x16xf32>,
        %swap3A_286 = vector.shape_cast %swap3A_285 : vector<1x16xf32> to vector<16xf32>
        %swap3A_287 = vector.shape_cast %mul3A_283 : vector<16xf32> to vector<1x16xf32>
        tpu.vector_store %arg11[%swap3A, %swap3A_284], %swap3A_287 {strides = array<i32>} : memref<256x128xf32, #tpu.memory_space<vmem>>, vector<1x16xf32>,
        %get3A_288 = arith.index_cast %add3A_276 : i32 to index
        %get3A_289 = arith.constant 16 : index
        %get3A_290 = tpu.vector_load %arg11[%get3A_288, %get3A_289] {strides = array<i32>} : memref<256x128xf32, #tpu.memory_space<vmem>>, vector<1x16xf32>,
        %get3A_291 = vector.shape_cast %get3A_290 : vector<1x16xf32> to vector<16xf32>
        %mul3A_292 = arith.mulf %get3A_291, %gather3A_278 : vector<16xf32>
        %swap3A_293 = arith.index_cast %add3A_276 : i32 to index
        %swap3A_294 = arith.constant 16 : index
        %swap3A_295 = tpu.vector_load %arg11[%swap3A_293, %swap3A_294] {strides = array<i32>} : memref<256x128xf32, #tpu.memory_space<vmem>>, vector<1x16xf32>,
        %swap3A_296 = vector.shape_cast %swap3A_295 : vector<1x16xf32> to vector<16xf32>
        %swap3A_297 = vector.shape_cast %mul3A_292 : vector<16xf32> to vector<1x16xf32>
        tpu.vector_store %arg11[%swap3A_293, %swap3A_294], %swap3A_297 {strides = array<i32>} : memref<256x128xf32, #tpu.memory_space<vmem>>, vector<1x16xf32>,
        %get3A_298 = arith.index_cast %add3A_276 : i32 to index
        %get3A_299 = arith.constant 32 : index
        %get3A_300 = tpu.vector_load %arg11[%get3A_298, %get3A_299] {strides = array<i32>} : memref<256x128xf32, #tpu.memory_space<vmem>>, vector<1x16xf32>,
        %get3A_301 = vector.shape_cast %get3A_300 : vector<1x16xf32> to vector<16xf32>
        %mul3A_302 = arith.mulf %get3A_301, %gather3A_278 : vector<16xf32>
        %swap3A_303 = arith.index_cast %add3A_276 : i32 to index
        %swap3A_304 = arith.constant 32 : index
        %swap3A_305 = tpu.vector_load %arg11[%swap3A_303, %swap3A_304] {strides = array<i32>} : memref<256x128xf32, #tpu.memory_space<vmem>>, vector<1x16xf32>,
        %swap3A_306 = vector.shape_cast %swap3A_305 : vector<1x16xf32> to vector<16xf32>
        %swap3A_307 = vector.shape_cast %mul3A_302 : vector<16xf32> to vector<1x16xf32>
        tpu.vector_store %arg11[%swap3A_303, %swap3A_304], %swap3A_307 {strides = array<i32>} : memref<256x128xf32, #tpu.memory_space<vmem>>, vector<1x16xf32>,
        %get3A_308 = arith.index_cast %add3A_276 : i32 to index
        %get3A_309 = arith.constant 48 : index
        %get3A_310 = tpu.vector_load %arg11[%get3A_308, %get3A_309] {strides = array<i32>} : memref<256x128xf32, #tpu.memory_space<vmem>>, vector<1x16xf32>,
        %get3A_311 = vector.shape_cast %get3A_310 : vector<1x16xf32> to vector<16xf32>
        %mul3A_312 = arith.mulf %get3A_311, %gather3A_278 : vector<16xf32>
        %swap3A_313 = arith.index_cast %add3A_276 : i32 to index
        %swap3A_314 = arith.constant 48 : index
        %swap3A_315 = tpu.vector_load %arg11[%swap3A_313, %swap3A_314] {strides = array<i32>} : memref<256x128xf32, #tpu.memory_space<vmem>>, vector<1x16xf32>,
        %swap3A_316 = vector.shape_cast %swap3A_315 : vector<1x16xf32> to vector<16xf32>
        %swap3A_317 = vector.shape_cast %mul3A_312 : vector<16xf32> to vector<1x16xf32>
        tpu.vector_store %arg11[%swap3A_313, %swap3A_314], %swap3A_317 {strides = array<i32>} : memref<256x128xf32, #tpu.memory_space<vmem>>, vector<1x16xf32>,
        %get3A_318 = arith.index_cast %add3A_276 : i32 to index
        %get3A_319 = arith.constant 64 : index
        %get3A_320 = tpu.vector_load %arg11[%get3A_318, %get3A_319] {strides = array<i32>} : memref<256x128xf32, #tpu.memory_space<vmem>>, vector<1x16xf32>,
        %get3A_321 = vector.shape_cast %get3A_320 : vector<1x16xf32> to vector<16xf32>
        %mul3A_322 = arith.mulf %get3A_321, %gather3A_278 : vector<16xf32>
        %swap3A_323 = arith.index_cast %add3A_276 : i32 to index
        %swap3A_324 = arith.constant 64 : index
        %swap3A_325 = tpu.vector_load %arg11[%swap3A_323, %swap3A_324] {strides = array<i32>} : memref<256x128xf32, #tpu.memory_space<vmem>>, vector<1x16xf32>,
        %swap3A_326 = vector.shape_cast %swap3A_325 : vector<1x16xf32> to vector<16xf32>
        %swap3A_327 = vector.shape_cast %mul3A_322 : vector<16xf32> to vector<1x16xf32>
        tpu.vector_store %arg11[%swap3A_323, %swap3A_324], %swap3A_327 {strides = array<i32>} : memref<256x128xf32, #tpu.memory_space<vmem>>, vector<1x16xf32>,
        %get3A_328 = arith.index_cast %add3A_276 : i32 to index
        %get3A_329 = arith.constant 80 : index
        %get3A_330 = tpu.vector_load %arg11[%get3A_328, %get3A_329] {strides = array<i32>} : memref<256x128xf32, #tpu.memory_space<vmem>>, vector<1x16xf32>,
        %get3A_331 = vector.shape_cast %get3A_330 : vector<1x16xf32> to vector<16xf32>
        %mul3A_332 = arith.mulf %get3A_331, %gather3A_278 : vector<16xf32>
        %swap3A_333 = arith.index_cast %add3A_276 : i32 to index
        %swap3A_334 = arith.constant 80 : index
        %swap3A_335 = tpu.vector_load %arg11[%swap3A_333, %swap3A_334] {strides = array<i32>} : memref<256x128xf32, #tpu.memory_space<vmem>>, vector<1x16xf32>,
        %swap3A_336 = vector.shape_cast %swap3A_335 : vector<1x16xf32> to vector<16xf32>
        %swap3A_337 = vector.shape_cast %mul3A_332 : vector<16xf32> to vector<1x16xf32>
        tpu.vector_store %arg11[%swap3A_333, %swap3A_334], %swap3A_337 {strides = array<i32>} : memref<256x128xf32, #tpu.memory_space<vmem>>, vector<1x16xf32>,
        %get3A_338 = arith.index_cast %add3A_276 : i32 to index
        %get3A_339 = arith.constant 96 : index
        %get3A_340 = tpu.vector_load %arg11[%get3A_338, %get3A_339] {strides = array<i32>} : memref<256x128xf32, #tpu.memory_space<vmem>>, vector<1x16xf32>,
        %get3A_341 = vector.shape_cast %get3A_340 : vector<1x16xf32> to vector<16xf32>
        %mul3A_342 = arith.mulf %get3A_341, %gather3A_278 : vector<16xf32>
        %swap3A_343 = arith.index_cast %add3A_276 : i32 to index
        %swap3A_344 = arith.constant 96 : index
        %swap3A_345 = tpu.vector_load %arg11[%swap3A_343, %swap3A_344] {strides = array<i32>} : memref<256x128xf32, #tpu.memory_space<vmem>>, vector<1x16xf32>,
        %swap3A_346 = vector.shape_cast %swap3A_345 : vector<1x16xf32> to vector<16xf32>
        %swap3A_347 = vector.shape_cast %mul3A_342 : vector<16xf32> to vector<1x16xf32>
        tpu.vector_store %arg11[%swap3A_343, %swap3A_344], %swap3A_347 {strides = array<i32>} : memref<256x128xf32, #tpu.memory_space<vmem>>, vector<1x16xf32>,
        %get3A_348 = arith.index_cast %add3A_276 : i32 to index
        %get3A_349 = arith.constant 112 : index
        %get3A_350 = tpu.vector_load %arg11[%get3A_348, %get3A_349] {strides = array<i32>} : memref<256x128xf32, #tpu.memory_space<vmem>>, vector<1x16xf32>,
        %get3A_351 = vector.shape_cast %get3A_350 : vector<1x16xf32> to vector<16xf32>
        %mul3A_352 = arith.mulf %get3A_351, %gather3A_278 : vector<16xf32>
        %swap3A_353 = arith.index_cast %add3A_276 : i32 to index
        %swap3A_354 = arith.constant 112 : index
        %swap3A_355 = tpu.vector_load %arg11[%swap3A_353, %swap3A_354] {strides = array<i32>} : memref<256x128xf32, #tpu.memory_space<vmem>>, vector<1x16xf32>,
        %swap3A_356 = vector.shape_cast %swap3A_355 : vector<1x16xf32> to vector<16xf32>
        %swap3A_357 = vector.shape_cast %mul3A_352 : vector<16xf32> to vector<1x16xf32>
        tpu.vector_store %arg11[%swap3A_353, %swap3A_354], %swap3A_357 {strides = array<i32>} : memref<256x128xf32, #tpu.memory_space<vmem>>, vector<1x16xf32>,
        %mul3A_358 = arith.constant 2 : i32
        %mul3A_359 = arith.muli %scan3A_268, %mul3A_358 : i32
        %add3A_360 = arith.constant 1 : i32
        %add3A_361 = arith.addi %mul3A_359, %add3A_360 : i32
        %add3A_362 = arith.constant 0 : i32
        %add3A_363 = arith.addi %mul3A_145, %add3A_362 : i32
        %add3A_364 = arith.addi %add3A_363, %add3A_361 : i32
        %broadcast_in_dim3A_365 = vector.broadcast %add3A_361 : i32 to vector<16x1xi32>
        %gather3A_366 = vector.shape_cast %broadcast_in_dim3A_365 : vector<16x1xi32> to vector<16xi32>
        %gather3A_367 = tpu.dynamic_gather %mul3A_179[%gather3A_366] in [0] : vector<16xf32>, vector<16xi32> -> vector<16xf32>
        %get3A_368 = arith.index_cast %add3A_364 : i32 to index
        %get3A_369 = arith.constant 0 : index
        %get3A_370 = tpu.vector_load %arg11[%get3A_368, %get3A_369] {strides = array<i32>} : memref<256x128xf32, #tpu.memory_space<vmem>>, vector<1x16xf32>,
        %get3A_371 = vector.shape_cast %get3A_370 : vector<1x16xf32> to vector<16xf32>
        %mul3A_372 = arith.mulf %get3A_371, %gather3A_367 : vector<16xf32>
        %swap3A_373 = arith.index_cast %add3A_364 : i32 to index
        %swap3A_374 = arith.constant 0 : index
        %swap3A_375 = tpu.vector_load %arg11[%swap3A_373, %swap3A_374] {strides = array<i32>} : memref<256x128xf32, #tpu.memory_space<vmem>>, vector<1x16xf32>,
        %swap3A_376 = vector.shape_cast %swap3A_375 : vector<1x16xf32> to vector<16xf32>
        %swap3A_377 = vector.shape_cast %mul3A_372 : vector<16xf32> to vector<1x16xf32>
        tpu.vector_store %arg11[%swap3A_373, %swap3A_374], %swap3A_377 {strides = array<i32>} : memref<256x128xf32, #tpu.memory_space<vmem>>, vector<1x16xf32>,
        %get3A_378 = arith.index_cast %add3A_364 : i32 to index
        %get3A_379 = arith.constant 16 : index
        %get3A_380 = tpu.vector_load %arg11[%get3A_378, %get3A_379] {strides = array<i32>} : memref<256x128xf32, #tpu.memory_space<vmem>>, vector<1x16xf32>,
        %get3A_381 = vector.shape_cast %get3A_380 : vector<1x16xf32> to vector<16xf32>
        %mul3A_382 = arith.mulf %get3A_381, %gather3A_367 : vector<16xf32>
        %swap3A_383 = arith.index_cast %add3A_364 : i32 to index
        %swap3A_384 = arith.constant 16 : index
        %swap3A_385 = tpu.vector_load %arg11[%swap3A_383, %swap3A_384] {strides = array<i32>} : memref<256x128xf32, #tpu.memory_space<vmem>>, vector<1x16xf32>,
        %swap3A_386 = vector.shape_cast %swap3A_385 : vector<1x16xf32> to vector<16xf32>
        %swap3A_387 = vector.shape_cast %mul3A_382 : vector<16xf32> to vector<1x16xf32>
        tpu.vector_store %arg11[%swap3A_383, %swap3A_384], %swap3A_387 {strides = array<i32>} : memref<256x128xf32, #tpu.memory_space<vmem>>, vector<1x16xf32>,
        %get3A_388 = arith.index_cast %add3A_364 : i32 to index
        %get3A_389 = arith.constant 32 : index
        %get3A_390 = tpu.vector_load %arg11[%get3A_388, %get3A_389] {strides = array<i32>} : memref<256x128xf32, #tpu.memory_space<vmem>>, vector<1x16xf32>,
        %get3A_391 = vector.shape_cast %get3A_390 : vector<1x16xf32> to vector<16xf32>
        %mul3A_392 = arith.mulf %get3A_391, %gather3A_367 : vector<16xf32>
        %swap3A_393 = arith.index_cast %add3A_364 : i32 to index
        %swap3A_394 = arith.constant 32 : index
        %swap3A_395 = tpu.vector_load %arg11[%swap3A_393, %swap3A_394] {strides = array<i32>} : memref<256x128xf32, #tpu.memory_space<vmem>>, vector<1x16xf32>,
        %swap3A_396 = vector.shape_cast %swap3A_395 : vector<1x16xf32> to vector<16xf32>
        %swap3A_397 = vector.shape_cast %mul3A_392 : vector<16xf32> to vector<1x16xf32>
        tpu.vector_store %arg11[%swap3A_393, %swap3A_394], %swap3A_397 {strides = array<i32>} : memref<256x128xf32, #tpu.memory_space<vmem>>, vector<1x16xf32>,
        %get3A_398 = arith.index_cast %add3A_364 : i32 to index
        %get3A_399 = arith.constant 48 : index
        %get3A_400 = tpu.vector_load %arg11[%get3A_398, %get3A_399] {strides = array<i32>} : memref<256x128xf32, #tpu.memory_space<vmem>>, vector<1x16xf32>,
        %get3A_401 = vector.shape_cast %get3A_400 : vector<1x16xf32> to vector<16xf32>
        %mul3A_402 = arith.mulf %get3A_401, %gather3A_367 : vector<16xf32>
        %swap3A_403 = arith.index_cast %add3A_364 : i32 to index
        %swap3A_404 = arith.constant 48 : index
        %swap3A_405 = tpu.vector_load %arg11[%swap3A_403, %swap3A_404] {strides = array<i32>} : memref<256x128xf32, #tpu.memory_space<vmem>>, vector<1x16xf32>,
        %swap3A_406 = vector.shape_cast %swap3A_405 : vector<1x16xf32> to vector<16xf32>
        %swap3A_407 = vector.shape_cast %mul3A_402 : vector<16xf32> to vector<1x16xf32>
        tpu.vector_store %arg11[%swap3A_403, %swap3A_404], %swap3A_407 {strides = array<i32>} : memref<256x128xf32, #tpu.memory_space<vmem>>, vector<1x16xf32>,
        %get3A_408 = arith.index_cast %add3A_364 : i32 to index
        %get3A_409 = arith.constant 64 : index
        %get3A_410 = tpu.vector_load %arg11[%get3A_408, %get3A_409] {strides = array<i32>} : memref<256x128xf32, #tpu.memory_space<vmem>>, vector<1x16xf32>,
        %get3A_411 = vector.shape_cast %get3A_410 : vector<1x16xf32> to vector<16xf32>
        %mul3A_412 = arith.mulf %get3A_411, %gather3A_367 : vector<16xf32>
        %swap3A_413 = arith.index_cast %add3A_364 : i32 to index
        %swap3A_414 = arith.constant 64 : index
        %swap3A_415 = tpu.vector_load %arg11[%swap3A_413, %swap3A_414] {strides = array<i32>} : memref<256x128xf32, #tpu.memory_space<vmem>>, vector<1x16xf32>,
        %swap3A_416 = vector.shape_cast %swap3A_415 : vector<1x16xf32> to vector<16xf32>
        %swap3A_417 = vector.shape_cast %mul3A_412 : vector<16xf32> to vector<1x16xf32>
        tpu.vector_store %arg11[%swap3A_413, %swap3A_414], %swap3A_417 {strides = array<i32>} : memref<256x128xf32, #tpu.memory_space<vmem>>, vector<1x16xf32>,
        %get3A_418 = arith.index_cast %add3A_364 : i32 to index
        %get3A_419 = arith.constant 80 : index
        %get3A_420 = tpu.vector_load %arg11[%get3A_418, %get3A_419] {strides = array<i32>} : memref<256x128xf32, #tpu.memory_space<vmem>>, vector<1x16xf32>,
        %get3A_421 = vector.shape_cast %get3A_420 : vector<1x16xf32> to vector<16xf32>
        %mul3A_422 = arith.mulf %get3A_421, %gather3A_367 : vector<16xf32>
        %swap3A_423 = arith.index_cast %add3A_364 : i32 to index
        %swap3A_424 = arith.constant 80 : index
        %swap3A_425 = tpu.vector_load %arg11[%swap3A_423, %swap3A_424] {strides = array<i32>} : memref<256x128xf32, #tpu.memory_space<vmem>>, vector<1x16xf32>,
        %swap3A_426 = vector.shape_cast %swap3A_425 : vector<1x16xf32> to vector<16xf32>
        %swap3A_427 = vector.shape_cast %mul3A_422 : vector<16xf32> to vector<1x16xf32>
        tpu.vector_store %arg11[%swap3A_423, %swap3A_424], %swap3A_427 {strides = array<i32>} : memref<256x128xf32, #tpu.memory_space<vmem>>, vector<1x16xf32>,
        %get3A_428 = arith.index_cast %add3A_364 : i32 to index
        %get3A_429 = arith.constant 96 : index
        %get3A_430 = tpu.vector_load %arg11[%get3A_428, %get3A_429] {strides = array<i32>} : memref<256x128xf32, #tpu.memory_space<vmem>>, vector<1x16xf32>,
        %get3A_431 = vector.shape_cast %get3A_430 : vector<1x16xf32> to vector<16xf32>
        %mul3A_432 = arith.mulf %get3A_431, %gather3A_367 : vector<16xf32>
        %swap3A_433 = arith.index_cast %add3A_364 : i32 to index
        %swap3A_434 = arith.constant 96 : index
        %swap3A_435 = tpu.vector_load %arg11[%swap3A_433, %swap3A_434] {strides = array<i32>} : memref<256x128xf32, #tpu.memory_space<vmem>>, vector<1x16xf32>,
        %swap3A_436 = vector.shape_cast %swap3A_435 : vector<1x16xf32> to vector<16xf32>
        %swap3A_437 = vector.shape_cast %mul3A_432 : vector<16xf32> to vector<1x16xf32>
        tpu.vector_store %arg11[%swap3A_433, %swap3A_434], %swap3A_437 {strides = array<i32>} : memref<256x128xf32, #tpu.memory_space<vmem>>, vector<1x16xf32>,
        %get3A_438 = arith.index_cast %add3A_364 : i32 to index
        %get3A_439 = arith.constant 112 : index
        %get3A_440 = tpu.vector_load %arg11[%get3A_438, %get3A_439] {strides = array<i32>} : memref<256x128xf32, #tpu.memory_space<vmem>>, vector<1x16xf32>,
        %get3A_441 = vector.shape_cast %get3A_440 : vector<1x16xf32> to vector<16xf32>
        %mul3A_442 = arith.mulf %get3A_441, %gather3A_367 : vector<16xf32>
        %swap3A_443 = arith.index_cast %add3A_364 : i32 to index
        %swap3A_444 = arith.constant 112 : index
        %swap3A_445 = tpu.vector_load %arg11[%swap3A_443, %swap3A_444] {strides = array<i32>} : memref<256x128xf32, #tpu.memory_space<vmem>>, vector<1x16xf32>,
        %swap3A_446 = vector.shape_cast %swap3A_445 : vector<1x16xf32> to vector<16xf32>
        %swap3A_447 = vector.shape_cast %mul3A_442 : vector<16xf32> to vector<1x16xf32>
        tpu.vector_store %arg11[%swap3A_443, %swap3A_444], %swap3A_447 {strides = array<i32>} : memref<256x128xf32, #tpu.memory_space<vmem>>, vector<1x16xf32>,
        %scan3A_448 = arith.constant 0 : i32
        scf.yield %scan3A_448 : i32
      }
      %scan3A_186 = arith.constant 8 : i32
      %mul3A_187 = arith.constant 64 : i32
      %mul3A_188 = arith.muli %scan3A_130, %mul3A_187 : i32
      %add3A_189 = arith.constant 16 : i32
      %add3A_190 = arith.addi %mul3A_188, %add3A_189 : i32
      %get3A_191 = arith.index_cast %add3A_190 : i32 to index
      %get3A_192 = tpu.vector_load %arg10[%get3A_191] {strides = array<i32>} : memref<5120xf32, #tpu.memory_space<vmem>>, vector<16xf32>,
      %get3A_193 = vector.shape_cast %get3A_192 : vector<16xf32> to vector<16xf32>
      %mul3A_194 = arith.mulf %get3A_193, %get3A_27 : vector<16xf32>
      %scan3A_195 = arith.constant 0 : i32
      %scan3A_196 = arith.constant 0 : i32
      %scan3A_197 = arith.constant 8 : i32
      %scan3A_198 = arith.addi %scan3A_196, %scan3A_197 : i32
      %scan3A_199 = arith.constant 1 : i32
      %scan3A_200 = scf.for %scan3A_268 = %scan3A_196 to %scan3A_198 step %scan3A_199 iter_args(%scan3A_269 = %scan3A_195) -> (i32)  : i32 {
        %mul3A_270 = arith.constant 2 : i32
        %mul3A_271 = arith.muli %scan3A_268, %mul3A_270 : i32
        %add3A_272 = arith.constant 0 : i32
        %add3A_273 = arith.addi %mul3A_271, %add3A_272 : i32
        %add3A_274 = arith.constant 16 : i32
        %add3A_275 = arith.addi %mul3A_145, %add3A_274 : i32
        %add3A_276 = arith.addi %add3A_275, %add3A_273 : i32
        %broadcast_in_dim3A_277 = vector.broadcast %add3A_273 : i32 to vector<16x1xi32>
        %gather3A = vector.shape_cast %broadcast_in_dim3A_277 : vector<16x1xi32> to vector<16xi32>
        %gather3A_278 = tpu.dynamic_gather %mul3A_194[%gather3A] in [0] : vector<16xf32>, vector<16xi32> -> vector<16xf32>
        %get3A_279 = arith.index_cast %add3A_276 : i32 to index
        %get3A_280 = arith.constant 0 : index
        %get3A_281 = tpu.vector_load %arg11[%get3A_279, %get3A_280] {strides = array<i32>} : memref<256x128xf32, #tpu.memory_space<vmem>>, vector<1x16xf32>,
        %get3A_282 = vector.shape_cast %get3A_281 : vector<1x16xf32> to vector<16xf32>
        %mul3A_283 = arith.mulf %get3A_282, %gather3A_278 : vector<16xf32>
        %swap3A = arith.index_cast %add3A_276 : i32 to index
        %swap3A_284 = arith.constant 0 : index
        %swap3A_285 = tpu.vector_load %arg11[%swap3A, %swap3A_284] {strides = array<i32>} : memref<256x128xf32, #tpu.memory_space<vmem>>, vector<1x16xf32>,
        %swap3A_286 = vector.shape_cast %swap3A_285 : vector<1x16xf32> to vector<16xf32>
        %swap3A_287 = vector.shape_cast %mul3A_283 : vector<16xf32> to vector<1x16xf32>
        tpu.vector_store %arg11[%swap3A, %swap3A_284], %swap3A_287 {strides = array<i32>} : memref<256x128xf32, #tpu.memory_space<vmem>>, vector<1x16xf32>,
        %get3A_288 = arith.index_cast %add3A_276 : i32 to index
        %get3A_289 = arith.constant 16 : index
        %get3A_290 = tpu.vector_load %arg11[%get3A_288, %get3A_289] {strides = array<i32>} : memref<256x128xf32, #tpu.memory_space<vmem>>, vector<1x16xf32>,
        %get3A_291 = vector.shape_cast %get3A_290 : vector<1x16xf32> to vector<16xf32>
        %mul3A_292 = arith.mulf %get3A_291, %gather3A_278 : vector<16xf32>
        %swap3A_293 = arith.index_cast %add3A_276 : i32 to index
        %swap3A_294 = arith.constant 16 : index
        %swap3A_295 = tpu.vector_load %arg11[%swap3A_293, %swap3A_294] {strides = array<i32>} : memref<256x128xf32, #tpu.memory_space<vmem>>, vector<1x16xf32>,
        %swap3A_296 = vector.shape_cast %swap3A_295 : vector<1x16xf32> to vector<16xf32>
        %swap3A_297 = vector.shape_cast %mul3A_292 : vector<16xf32> to vector<1x16xf32>
        tpu.vector_store %arg11[%swap3A_293, %swap3A_294], %swap3A_297 {strides = array<i32>} : memref<256x128xf32, #tpu.memory_space<vmem>>, vector<1x16xf32>,
        %get3A_298 = arith.index_cast %add3A_276 : i32 to index
        %get3A_299 = arith.constant 32 : index
        %get3A_300 = tpu.vector_load %arg11[%get3A_298, %get3A_299] {strides = array<i32>} : memref<256x128xf32, #tpu.memory_space<vmem>>, vector<1x16xf32>,
        %get3A_301 = vector.shape_cast %get3A_300 : vector<1x16xf32> to vector<16xf32>
        %mul3A_302 = arith.mulf %get3A_301, %gather3A_278 : vector<16xf32>
        %swap3A_303 = arith.index_cast %add3A_276 : i32 to index
        %swap3A_304 = arith.constant 32 : index
        %swap3A_305 = tpu.vector_load %arg11[%swap3A_303, %swap3A_304] {strides = array<i32>} : memref<256x128xf32, #tpu.memory_space<vmem>>, vector<1x16xf32>,
        %swap3A_306 = vector.shape_cast %swap3A_305 : vector<1x16xf32> to vector<16xf32>
        %swap3A_307 = vector.shape_cast %mul3A_302 : vector<16xf32> to vector<1x16xf32>
        tpu.vector_store %arg11[%swap3A_303, %swap3A_304], %swap3A_307 {strides = array<i32>} : memref<256x128xf32, #tpu.memory_space<vmem>>, vector<1x16xf32>,
        %get3A_308 = arith.index_cast %add3A_276 : i32 to index
        %get3A_309 = arith.constant 48 : index
        %get3A_310 = tpu.vector_load %arg11[%get3A_308, %get3A_309] {strides = array<i32>} : memref<256x128xf32, #tpu.memory_space<vmem>>, vector<1x16xf32>,
        %get3A_311 = vector.shape_cast %get3A_310 : vector<1x16xf32> to vector<16xf32>
        %mul3A_312 = arith.mulf %get3A_311, %gather3A_278 : vector<16xf32>
        %swap3A_313 = arith.index_cast %add3A_276 : i32 to index
        %swap3A_314 = arith.constant 48 : index
        %swap3A_315 = tpu.vector_load %arg11[%swap3A_313, %swap3A_314] {strides = array<i32>} : memref<256x128xf32, #tpu.memory_space<vmem>>, vector<1x16xf32>,
        %swap3A_316 = vector.shape_cast %swap3A_315 : vector<1x16xf32> to vector<16xf32>
        %swap3A_317 = vector.shape_cast %mul3A_312 : vector<16xf32> to vector<1x16xf32>
        tpu.vector_store %arg11[%swap3A_313, %swap3A_314], %swap3A_317 {strides = array<i32>} : memref<256x128xf32, #tpu.memory_space<vmem>>, vector<1x16xf32>,
        %get3A_318 = arith.index_cast %add3A_276 : i32 to index
        %get3A_319 = arith.constant 64 : index
        %get3A_320 = tpu.vector_load %arg11[%get3A_318, %get3A_319] {strides = array<i32>} : memref<256x128xf32, #tpu.memory_space<vmem>>, vector<1x16xf32>,
        %get3A_321 = vector.shape_cast %get3A_320 : vector<1x16xf32> to vector<16xf32>
        %mul3A_322 = arith.mulf %get3A_321, %gather3A_278 : vector<16xf32>
        %swap3A_323 = arith.index_cast %add3A_276 : i32 to index
        %swap3A_324 = arith.constant 64 : index
        %swap3A_325 = tpu.vector_load %arg11[%swap3A_323, %swap3A_324] {strides = array<i32>} : memref<256x128xf32, #tpu.memory_space<vmem>>, vector<1x16xf32>,
        %swap3A_326 = vector.shape_cast %swap3A_325 : vector<1x16xf32> to vector<16xf32>
        %swap3A_327 = vector.shape_cast %mul3A_322 : vector<16xf32> to vector<1x16xf32>
        tpu.vector_store %arg11[%swap3A_323, %swap3A_324], %swap3A_327 {strides = array<i32>} : memref<256x128xf32, #tpu.memory_space<vmem>>, vector<1x16xf32>,
        %get3A_328 = arith.index_cast %add3A_276 : i32 to index
        %get3A_329 = arith.constant 80 : index
        %get3A_330 = tpu.vector_load %arg11[%get3A_328, %get3A_329] {strides = array<i32>} : memref<256x128xf32, #tpu.memory_space<vmem>>, vector<1x16xf32>,
        %get3A_331 = vector.shape_cast %get3A_330 : vector<1x16xf32> to vector<16xf32>
        %mul3A_332 = arith.mulf %get3A_331, %gather3A_278 : vector<16xf32>
        %swap3A_333 = arith.index_cast %add3A_276 : i32 to index
        %swap3A_334 = arith.constant 80 : index
        %swap3A_335 = tpu.vector_load %arg11[%swap3A_333, %swap3A_334] {strides = array<i32>} : memref<256x128xf32, #tpu.memory_space<vmem>>, vector<1x16xf32>,
        %swap3A_336 = vector.shape_cast %swap3A_335 : vector<1x16xf32> to vector<16xf32>
        %swap3A_337 = vector.shape_cast %mul3A_332 : vector<16xf32> to vector<1x16xf32>
        tpu.vector_store %arg11[%swap3A_333, %swap3A_334], %swap3A_337 {strides = array<i32>} : memref<256x128xf32, #tpu.memory_space<vmem>>, vector<1x16xf32>,
        %get3A_338 = arith.index_cast %add3A_276 : i32 to index
        %get3A_339 = arith.constant 96 : index
        %get3A_340 = tpu.vector_load %arg11[%get3A_338, %get3A_339] {strides = array<i32>} : memref<256x128xf32, #tpu.memory_space<vmem>>, vector<1x16xf32>,
        %get3A_341 = vector.shape_cast %get3A_340 : vector<1x16xf32> to vector<16xf32>
        %mul3A_342 = arith.mulf %get3A_341, %gather3A_278 : vector<16xf32>
        %swap3A_343 = arith.index_cast %add3A_276 : i32 to index
        %swap3A_344 = arith.constant 96 : index
        %swap3A_345 = tpu.vector_load %arg11[%swap3A_343, %swap3A_344] {strides = array<i32>} : memref<256x128xf32, #tpu.memory_space<vmem>>, vector<1x16xf32>,
        %swap3A_346 = vector.shape_cast %swap3A_345 : vector<1x16xf32> to vector<16xf32>
        %swap3A_347 = vector.shape_cast %mul3A_342 : vector<16xf32> to vector<1x16xf32>
        tpu.vector_store %arg11[%swap3A_343, %swap3A_344], %swap3A_347 {strides = array<i32>} : memref<256x128xf32, #tpu.memory_space<vmem>>, vector<1x16xf32>,
        %get3A_348 = arith.index_cast %add3A_276 : i32 to index
        %get3A_349 = arith.constant 112 : index
        %get3A_350 = tpu.vector_load %arg11[%get3A_348, %get3A_349] {strides = array<i32>} : memref<256x128xf32, #tpu.memory_space<vmem>>, vector<1x16xf32>,
        %get3A_351 = vector.shape_cast %get3A_350 : vector<1x16xf32> to vector<16xf32>
        %mul3A_352 = arith.mulf %get3A_351, %gather3A_278 : vector<16xf32>
        %swap3A_353 = arith.index_cast %add3A_276 : i32 to index
        %swap3A_354 = arith.constant 112 : index
        %swap3A_355 = tpu.vector_load %arg11[%swap3A_353, %swap3A_354] {strides = array<i32>} : memref<256x128xf32, #tpu.memory_space<vmem>>, vector<1x16xf32>,
        %swap3A_356 = vector.shape_cast %swap3A_355 : vector<1x16xf32> to vector<16xf32>
        %swap3A_357 = vector.shape_cast %mul3A_352 : vector<16xf32> to vector<1x16xf32>
        tpu.vector_store %arg11[%swap3A_353, %swap3A_354], %swap3A_357 {strides = array<i32>} : memref<256x128xf32, #tpu.memory_space<vmem>>, vector<1x16xf32>,
        %mul3A_358 = arith.constant 2 : i32
        %mul3A_359 = arith.muli %scan3A_268, %mul3A_358 : i32
        %add3A_360 = arith.constant 1 : i32
        %add3A_361 = arith.addi %mul3A_359, %add3A_360 : i32
        %add3A_362 = arith.constant 16 : i32
        %add3A_363 = arith.addi %mul3A_145, %add3A_362 : i32
        %add3A_364 = arith.addi %add3A_363, %add3A_361 : i32
        %broadcast_in_dim3A_365 = vector.broadcast %add3A_361 : i32 to vector<16x1xi32>
        %gather3A_366 = vector.shape_cast %broadcast_in_dim3A_365 : vector<16x1xi32> to vector<16xi32>
        %gather3A_367 = tpu.dynamic_gather %mul3A_194[%gather3A_366] in [0] : vector<16xf32>, vector<16xi32> -> vector<16xf32>
        %get3A_368 = arith.index_cast %add3A_364 : i32 to index
        %get3A_369 = arith.constant 0 : index
        %get3A_370 = tpu.vector_load %arg11[%get3A_368, %get3A_369] {strides = array<i32>} : memref<256x128xf32, #tpu.memory_space<vmem>>, vector<1x16xf32>,
        %get3A_371 = vector.shape_cast %get3A_370 : vector<1x16xf32> to vector<16xf32>
        %mul3A_372 = arith.mulf %get3A_371, %gather3A_367 : vector<16xf32>
        %swap3A_373 = arith.index_cast %add3A_364 : i32 to index
        %swap3A_374 = arith.constant 0 : index
        %swap3A_375 = tpu.vector_load %arg11[%swap3A_373, %swap3A_374] {strides = array<i32>} : memref<256x128xf32, #tpu.memory_space<vmem>>, vector<1x16xf32>,
        %swap3A_376 = vector.shape_cast %swap3A_375 : vector<1x16xf32> to vector<16xf32>
        %swap3A_377 = vector.shape_cast %mul3A_372 : vector<16xf32> to vector<1x16xf32>
        tpu.vector_store %arg11[%swap3A_373, %swap3A_374], %swap3A_377 {strides = array<i32>} : memref<256x128xf32, #tpu.memory_space<vmem>>, vector<1x16xf32>,
        %get3A_378 = arith.index_cast %add3A_364 : i32 to index
        %get3A_379 = arith.constant 16 : index
        %get3A_380 = tpu.vector_load %arg11[%get3A_378, %get3A_379] {strides = array<i32>} : memref<256x128xf32, #tpu.memory_space<vmem>>, vector<1x16xf32>,
        %get3A_381 = vector.shape_cast %get3A_380 : vector<1x16xf32> to vector<16xf32>
        %mul3A_382 = arith.mulf %get3A_381, %gather3A_367 : vector<16xf32>
        %swap3A_383 = arith.index_cast %add3A_364 : i32 to index
        %swap3A_384 = arith.constant 16 : index
        %swap3A_385 = tpu.vector_load %arg11[%swap3A_383, %swap3A_384] {strides = array<i32>} : memref<256x128xf32, #tpu.memory_space<vmem>>, vector<1x16xf32>,
        %swap3A_386 = vector.shape_cast %swap3A_385 : vector<1x16xf32> to vector<16xf32>
        %swap3A_387 = vector.shape_cast %mul3A_382 : vector<16xf32> to vector<1x16xf32>
        tpu.vector_store %arg11[%swap3A_383, %swap3A_384], %swap3A_387 {strides = array<i32>} : memref<256x128xf32, #tpu.memory_space<vmem>>, vector<1x16xf32>,
        %get3A_388 = arith.index_cast %add3A_364 : i32 to index
        %get3A_389 = arith.constant 32 : index
        %get3A_390 = tpu.vector_load %arg11[%get3A_388, %get3A_389] {strides = array<i32>} : memref<256x128xf32, #tpu.memory_space<vmem>>, vector<1x16xf32>,
        %get3A_391 = vector.shape_cast %get3A_390 : vector<1x16xf32> to vector<16xf32>
        %mul3A_392 = arith.mulf %get3A_391, %gather3A_367 : vector<16xf32>
        %swap3A_393 = arith.index_cast %add3A_364 : i32 to index
        %swap3A_394 = arith.constant 32 : index
        %swap3A_395 = tpu.vector_load %arg11[%swap3A_393, %swap3A_394] {strides = array<i32>} : memref<256x128xf32, #tpu.memory_space<vmem>>, vector<1x16xf32>,
        %swap3A_396 = vector.shape_cast %swap3A_395 : vector<1x16xf32> to vector<16xf32>
        %swap3A_397 = vector.shape_cast %mul3A_392 : vector<16xf32> to vector<1x16xf32>
        tpu.vector_store %arg11[%swap3A_393, %swap3A_394], %swap3A_397 {strides = array<i32>} : memref<256x128xf32, #tpu.memory_space<vmem>>, vector<1x16xf32>,
        %get3A_398 = arith.index_cast %add3A_364 : i32 to index
        %get3A_399 = arith.constant 48 : index
        %get3A_400 = tpu.vector_load %arg11[%get3A_398, %get3A_399] {strides = array<i32>} : memref<256x128xf32, #tpu.memory_space<vmem>>, vector<1x16xf32>,
        %get3A_401 = vector.shape_cast %get3A_400 : vector<1x16xf32> to vector<16xf32>
        %mul3A_402 = arith.mulf %get3A_401, %gather3A_367 : vector<16xf32>
        %swap3A_403 = arith.index_cast %add3A_364 : i32 to index
        %swap3A_404 = arith.constant 48 : index
        %swap3A_405 = tpu.vector_load %arg11[%swap3A_403, %swap3A_404] {strides = array<i32>} : memref<256x128xf32, #tpu.memory_space<vmem>>, vector<1x16xf32>,
        %swap3A_406 = vector.shape_cast %swap3A_405 : vector<1x16xf32> to vector<16xf32>
        %swap3A_407 = vector.shape_cast %mul3A_402 : vector<16xf32> to vector<1x16xf32>
        tpu.vector_store %arg11[%swap3A_403, %swap3A_404], %swap3A_407 {strides = array<i32>} : memref<256x128xf32, #tpu.memory_space<vmem>>, vector<1x16xf32>,
        %get3A_408 = arith.index_cast %add3A_364 : i32 to index
        %get3A_409 = arith.constant 64 : index
        %get3A_410 = tpu.vector_load %arg11[%get3A_408, %get3A_409] {strides = array<i32>} : memref<256x128xf32, #tpu.memory_space<vmem>>, vector<1x16xf32>,
        %get3A_411 = vector.shape_cast %get3A_410 : vector<1x16xf32> to vector<16xf32>
        %mul3A_412 = arith.mulf %get3A_411, %gather3A_367 : vector<16xf32>
        %swap3A_413 = arith.index_cast %add3A_364 : i32 to index
        %swap3A_414 = arith.constant 64 : index
        %swap3A_415 = tpu.vector_load %arg11[%swap3A_413, %swap3A_414] {strides = array<i32>} : memref<256x128xf32, #tpu.memory_space<vmem>>, vector<1x16xf32>,
        %swap3A_416 = vector.shape_cast %swap3A_415 : vector<1x16xf32> to vector<16xf32>
        %swap3A_417 = vector.shape_cast %mul3A_412 : vector<16xf32> to vector<1x16xf32>
        tpu.vector_store %arg11[%swap3A_413, %swap3A_414], %swap3A_417 {strides = array<i32>} : memref<256x128xf32, #tpu.memory_space<vmem>>, vector<1x16xf32>,
        %get3A_418 = arith.index_cast %add3A_364 : i32 to index
        %get3A_419 = arith.constant 80 : index
        %get3A_420 = tpu.vector_load %arg11[%get3A_418, %get3A_419] {strides = array<i32>} : memref<256x128xf32, #tpu.memory_space<vmem>>, vector<1x16xf32>,
        %get3A_421 = vector.shape_cast %get3A_420 : vector<1x16xf32> to vector<16xf32>
        %mul3A_422 = arith.mulf %get3A_421, %gather3A_367 : vector<16xf32>
        %swap3A_423 = arith.index_cast %add3A_364 : i32 to index
        %swap3A_424 = arith.constant 80 : index
        %swap3A_425 = tpu.vector_load %arg11[%swap3A_423, %swap3A_424] {strides = array<i32>} : memref<256x128xf32, #tpu.memory_space<vmem>>, vector<1x16xf32>,
        %swap3A_426 = vector.shape_cast %swap3A_425 : vector<1x16xf32> to vector<16xf32>
        %swap3A_427 = vector.shape_cast %mul3A_422 : vector<16xf32> to vector<1x16xf32>
        tpu.vector_store %arg11[%swap3A_423, %swap3A_424], %swap3A_427 {strides = array<i32>} : memref<256x128xf32, #tpu.memory_space<vmem>>, vector<1x16xf32>,
        %get3A_428 = arith.index_cast %add3A_364 : i32 to index
        %get3A_429 = arith.constant 96 : index
        %get3A_430 = tpu.vector_load %arg11[%get3A_428, %get3A_429] {strides = array<i32>} : memref<256x128xf32, #tpu.memory_space<vmem>>, vector<1x16xf32>,
        %get3A_431 = vector.shape_cast %get3A_430 : vector<1x16xf32> to vector<16xf32>
        %mul3A_432 = arith.mulf %get3A_431, %gather3A_367 : vector<16xf32>
        %swap3A_433 = arith.index_cast %add3A_364 : i32 to index
        %swap3A_434 = arith.constant 96 : index
        %swap3A_435 = tpu.vector_load %arg11[%swap3A_433, %swap3A_434] {strides = array<i32>} : memref<256x128xf32, #tpu.memory_space<vmem>>, vector<1x16xf32>,
        %swap3A_436 = vector.shape_cast %swap3A_435 : vector<1x16xf32> to vector<16xf32>
        %swap3A_437 = vector.shape_cast %mul3A_432 : vector<16xf32> to vector<1x16xf32>
        tpu.vector_store %arg11[%swap3A_433, %swap3A_434], %swap3A_437 {strides = array<i32>} : memref<256x128xf32, #tpu.memory_space<vmem>>, vector<1x16xf32>,
        %get3A_438 = arith.index_cast %add3A_364 : i32 to index
        %get3A_439 = arith.constant 112 : index
        %get3A_440 = tpu.vector_load %arg11[%get3A_438, %get3A_439] {strides = array<i32>} : memref<256x128xf32, #tpu.memory_space<vmem>>, vector<1x16xf32>,
        %get3A_441 = vector.shape_cast %get3A_440 : vector<1x16xf32> to vector<16xf32>
        %mul3A_442 = arith.mulf %get3A_441, %gather3A_367 : vector<16xf32>
        %swap3A_443 = arith.index_cast %add3A_364 : i32 to index
        %swap3A_444 = arith.constant 112 : index
        %swap3A_445 = tpu.vector_load %arg11[%swap3A_443, %swap3A_444] {strides = array<i32>} : memref<256x128xf32, #tpu.memory_space<vmem>>, vector<1x16xf32>,
        %swap3A_446 = vector.shape_cast %swap3A_445 : vector<1x16xf32> to vector<16xf32>
        %swap3A_447 = vector.shape_cast %mul3A_442 : vector<16xf32> to vector<1x16xf32>
        tpu.vector_store %arg11[%swap3A_443, %swap3A_444], %swap3A_447 {strides = array<i32>} : memref<256x128xf32, #tpu.memory_space<vmem>>, vector<1x16xf32>,
        %scan3A_448 = arith.constant 0 : i32
        scf.yield %scan3A_448 : i32
      }
      %scan3A_201 = arith.constant 8 : i32
      %mul3A_202 = arith.constant 64 : i32
      %mul3A_203 = arith.muli %scan3A_130, %mul3A_202 : i32
      %add3A_204 = arith.constant 32 : i32
      %add3A_205 = arith.addi %mul3A_203, %add3A_204 : i32
      %get3A_206 = arith.index_cast %add3A_205 : i32 to index
      %get3A_207 = tpu.vector_load %arg10[%get3A_206] {strides = array<i32>} : memref<5120xf32, #tpu.memory_space<vmem>>, vector<16xf32>,
      %get3A_208 = vector.shape_cast %get3A_207 : vector<16xf32> to vector<16xf32>
      %mul3A_209 = arith.mulf %get3A_208, %get3A_27 : vector<16xf32>
      %scan3A_210 = arith.constant 0 : i32
      %scan3A_211 = arith.constant 0 : i32
      %scan3A_212 = arith.constant 8 : i32
      %scan3A_213 = arith.addi %scan3A_211, %scan3A_212 : i32
      %scan3A_214 = arith.constant 1 : i32
      %scan3A_215 = scf.for %scan3A_268 = %scan3A_211 to %scan3A_213 step %scan3A_214 iter_args(%scan3A_269 = %scan3A_210) -> (i32)  : i32 {
        %mul3A_270 = arith.constant 2 : i32
        %mul3A_271 = arith.muli %scan3A_268, %mul3A_270 : i32
        %add3A_272 = arith.constant 0 : i32
        %add3A_273 = arith.addi %mul3A_271, %add3A_272 : i32
        %add3A_274 = arith.constant 32 : i32
        %add3A_275 = arith.addi %mul3A_145, %add3A_274 : i32
        %add3A_276 = arith.addi %add3A_275, %add3A_273 : i32
        %broadcast_in_dim3A_277 = vector.broadcast %add3A_273 : i32 to vector<16x1xi32>
        %gather3A = vector.shape_cast %broadcast_in_dim3A_277 : vector<16x1xi32> to vector<16xi32>
        %gather3A_278 = tpu.dynamic_gather %mul3A_209[%gather3A] in [0] : vector<16xf32>, vector<16xi32> -> vector<16xf32>
        %get3A_279 = arith.index_cast %add3A_276 : i32 to index
        %get3A_280 = arith.constant 0 : index
        %get3A_281 = tpu.vector_load %arg11[%get3A_279, %get3A_280] {strides = array<i32>} : memref<256x128xf32, #tpu.memory_space<vmem>>, vector<1x16xf32>,
        %get3A_282 = vector.shape_cast %get3A_281 : vector<1x16xf32> to vector<16xf32>
        %mul3A_283 = arith.mulf %get3A_282, %gather3A_278 : vector<16xf32>
        %swap3A = arith.index_cast %add3A_276 : i32 to index
        %swap3A_284 = arith.constant 0 : index
        %swap3A_285 = tpu.vector_load %arg11[%swap3A, %swap3A_284] {strides = array<i32>} : memref<256x128xf32, #tpu.memory_space<vmem>>, vector<1x16xf32>,
        %swap3A_286 = vector.shape_cast %swap3A_285 : vector<1x16xf32> to vector<16xf32>
        %swap3A_287 = vector.shape_cast %mul3A_283 : vector<16xf32> to vector<1x16xf32>
        tpu.vector_store %arg11[%swap3A, %swap3A_284], %swap3A_287 {strides = array<i32>} : memref<256x128xf32, #tpu.memory_space<vmem>>, vector<1x16xf32>,
        %get3A_288 = arith.index_cast %add3A_276 : i32 to index
        %get3A_289 = arith.constant 16 : index
        %get3A_290 = tpu.vector_load %arg11[%get3A_288, %get3A_289] {strides = array<i32>} : memref<256x128xf32, #tpu.memory_space<vmem>>, vector<1x16xf32>,
        %get3A_291 = vector.shape_cast %get3A_290 : vector<1x16xf32> to vector<16xf32>
        %mul3A_292 = arith.mulf %get3A_291, %gather3A_278 : vector<16xf32>
        %swap3A_293 = arith.index_cast %add3A_276 : i32 to index
        %swap3A_294 = arith.constant 16 : index
        %swap3A_295 = tpu.vector_load %arg11[%swap3A_293, %swap3A_294] {strides = array<i32>} : memref<256x128xf32, #tpu.memory_space<vmem>>, vector<1x16xf32>,
        %swap3A_296 = vector.shape_cast %swap3A_295 : vector<1x16xf32> to vector<16xf32>
        %swap3A_297 = vector.shape_cast %mul3A_292 : vector<16xf32> to vector<1x16xf32>
        tpu.vector_store %arg11[%swap3A_293, %swap3A_294], %swap3A_297 {strides = array<i32>} : memref<256x128xf32, #tpu.memory_space<vmem>>, vector<1x16xf32>,
        %get3A_298 = arith.index_cast %add3A_276 : i32 to index
        %get3A_299 = arith.constant 32 : index
        %get3A_300 = tpu.vector_load %arg11[%get3A_298, %get3A_299] {strides = array<i32>} : memref<256x128xf32, #tpu.memory_space<vmem>>, vector<1x16xf32>,
        %get3A_301 = vector.shape_cast %get3A_300 : vector<1x16xf32> to vector<16xf32>
        %mul3A_302 = arith.mulf %get3A_301, %gather3A_278 : vector<16xf32>
        %swap3A_303 = arith.index_cast %add3A_276 : i32 to index
        %swap3A_304 = arith.constant 32 : index
        %swap3A_305 = tpu.vector_load %arg11[%swap3A_303, %swap3A_304] {strides = array<i32>} : memref<256x128xf32, #tpu.memory_space<vmem>>, vector<1x16xf32>,
        %swap3A_306 = vector.shape_cast %swap3A_305 : vector<1x16xf32> to vector<16xf32>
        %swap3A_307 = vector.shape_cast %mul3A_302 : vector<16xf32> to vector<1x16xf32>
        tpu.vector_store %arg11[%swap3A_303, %swap3A_304], %swap3A_307 {strides = array<i32>} : memref<256x128xf32, #tpu.memory_space<vmem>>, vector<1x16xf32>,
        %get3A_308 = arith.index_cast %add3A_276 : i32 to index
        %get3A_309 = arith.constant 48 : index
        %get3A_310 = tpu.vector_load %arg11[%get3A_308, %get3A_309] {strides = array<i32>} : memref<256x128xf32, #tpu.memory_space<vmem>>, vector<1x16xf32>,
        %get3A_311 = vector.shape_cast %get3A_310 : vector<1x16xf32> to vector<16xf32>
        %mul3A_312 = arith.mulf %get3A_311, %gather3A_278 : vector<16xf32>
        %swap3A_313 = arith.index_cast %add3A_276 : i32 to index
        %swap3A_314 = arith.constant 48 : index
        %swap3A_315 = tpu.vector_load %arg11[%swap3A_313, %swap3A_314] {strides = array<i32>} : memref<256x128xf32, #tpu.memory_space<vmem>>, vector<1x16xf32>,
        %swap3A_316 = vector.shape_cast %swap3A_315 : vector<1x16xf32> to vector<16xf32>
        %swap3A_317 = vector.shape_cast %mul3A_312 : vector<16xf32> to vector<1x16xf32>
        tpu.vector_store %arg11[%swap3A_313, %swap3A_314], %swap3A_317 {strides = array<i32>} : memref<256x128xf32, #tpu.memory_space<vmem>>, vector<1x16xf32>,
        %get3A_318 = arith.index_cast %add3A_276 : i32 to index
        %get3A_319 = arith.constant 64 : index
        %get3A_320 = tpu.vector_load %arg11[%get3A_318, %get3A_319] {strides = array<i32>} : memref<256x128xf32, #tpu.memory_space<vmem>>, vector<1x16xf32>,
        %get3A_321 = vector.shape_cast %get3A_320 : vector<1x16xf32> to vector<16xf32>
        %mul3A_322 = arith.mulf %get3A_321, %gather3A_278 : vector<16xf32>
        %swap3A_323 = arith.index_cast %add3A_276 : i32 to index
        %swap3A_324 = arith.constant 64 : index
        %swap3A_325 = tpu.vector_load %arg11[%swap3A_323, %swap3A_324] {strides = array<i32>} : memref<256x128xf32, #tpu.memory_space<vmem>>, vector<1x16xf32>,
        %swap3A_326 = vector.shape_cast %swap3A_325 : vector<1x16xf32> to vector<16xf32>
        %swap3A_327 = vector.shape_cast %mul3A_322 : vector<16xf32> to vector<1x16xf32>
        tpu.vector_store %arg11[%swap3A_323, %swap3A_324], %swap3A_327 {strides = array<i32>} : memref<256x128xf32, #tpu.memory_space<vmem>>, vector<1x16xf32>,
        %get3A_328 = arith.index_cast %add3A_276 : i32 to index
        %get3A_329 = arith.constant 80 : index
        %get3A_330 = tpu.vector_load %arg11[%get3A_328, %get3A_329] {strides = array<i32>} : memref<256x128xf32, #tpu.memory_space<vmem>>, vector<1x16xf32>,
        %get3A_331 = vector.shape_cast %get3A_330 : vector<1x16xf32> to vector<16xf32>
        %mul3A_332 = arith.mulf %get3A_331, %gather3A_278 : vector<16xf32>
        %swap3A_333 = arith.index_cast %add3A_276 : i32 to index
        %swap3A_334 = arith.constant 80 : index
        %swap3A_335 = tpu.vector_load %arg11[%swap3A_333, %swap3A_334] {strides = array<i32>} : memref<256x128xf32, #tpu.memory_space<vmem>>, vector<1x16xf32>,
        %swap3A_336 = vector.shape_cast %swap3A_335 : vector<1x16xf32> to vector<16xf32>
        %swap3A_337 = vector.shape_cast %mul3A_332 : vector<16xf32> to vector<1x16xf32>
        tpu.vector_store %arg11[%swap3A_333, %swap3A_334], %swap3A_337 {strides = array<i32>} : memref<256x128xf32, #tpu.memory_space<vmem>>, vector<1x16xf32>,
        %get3A_338 = arith.index_cast %add3A_276 : i32 to index
        %get3A_339 = arith.constant 96 : index
        %get3A_340 = tpu.vector_load %arg11[%get3A_338, %get3A_339] {strides = array<i32>} : memref<256x128xf32, #tpu.memory_space<vmem>>, vector<1x16xf32>,
        %get3A_341 = vector.shape_cast %get3A_340 : vector<1x16xf32> to vector<16xf32>
        %mul3A_342 = arith.mulf %get3A_341, %gather3A_278 : vector<16xf32>
        %swap3A_343 = arith.index_cast %add3A_276 : i32 to index
        %swap3A_344 = arith.constant 96 : index
        %swap3A_345 = tpu.vector_load %arg11[%swap3A_343, %swap3A_344] {strides = array<i32>} : memref<256x128xf32, #tpu.memory_space<vmem>>, vector<1x16xf32>,
        %swap3A_346 = vector.shape_cast %swap3A_345 : vector<1x16xf32> to vector<16xf32>
        %swap3A_347 = vector.shape_cast %mul3A_342 : vector<16xf32> to vector<1x16xf32>
        tpu.vector_store %arg11[%swap3A_343, %swap3A_344], %swap3A_347 {strides = array<i32>} : memref<256x128xf32, #tpu.memory_space<vmem>>, vector<1x16xf32>,
        %get3A_348 = arith.index_cast %add3A_276 : i32 to index
        %get3A_349 = arith.constant 112 : index
        %get3A_350 = tpu.vector_load %arg11[%get3A_348, %get3A_349] {strides = array<i32>} : memref<256x128xf32, #tpu.memory_space<vmem>>, vector<1x16xf32>,
        %get3A_351 = vector.shape_cast %get3A_350 : vector<1x16xf32> to vector<16xf32>
        %mul3A_352 = arith.mulf %get3A_351, %gather3A_278 : vector<16xf32>
        %swap3A_353 = arith.index_cast %add3A_276 : i32 to index
        %swap3A_354 = arith.constant 112 : index
        %swap3A_355 = tpu.vector_load %arg11[%swap3A_353, %swap3A_354] {strides = array<i32>} : memref<256x128xf32, #tpu.memory_space<vmem>>, vector<1x16xf32>,
        %swap3A_356 = vector.shape_cast %swap3A_355 : vector<1x16xf32> to vector<16xf32>
        %swap3A_357 = vector.shape_cast %mul3A_352 : vector<16xf32> to vector<1x16xf32>
        tpu.vector_store %arg11[%swap3A_353, %swap3A_354], %swap3A_357 {strides = array<i32>} : memref<256x128xf32, #tpu.memory_space<vmem>>, vector<1x16xf32>,
        %mul3A_358 = arith.constant 2 : i32
        %mul3A_359 = arith.muli %scan3A_268, %mul3A_358 : i32
        %add3A_360 = arith.constant 1 : i32
        %add3A_361 = arith.addi %mul3A_359, %add3A_360 : i32
        %add3A_362 = arith.constant 32 : i32
        %add3A_363 = arith.addi %mul3A_145, %add3A_362 : i32
        %add3A_364 = arith.addi %add3A_363, %add3A_361 : i32
        %broadcast_in_dim3A_365 = vector.broadcast %add3A_361 : i32 to vector<16x1xi32>
        %gather3A_366 = vector.shape_cast %broadcast_in_dim3A_365 : vector<16x1xi32> to vector<16xi32>
        %gather3A_367 = tpu.dynamic_gather %mul3A_209[%gather3A_366] in [0] : vector<16xf32>, vector<16xi32> -> vector<16xf32>
        %get3A_368 = arith.index_cast %add3A_364 : i32 to index
        %get3A_369 = arith.constant 0 : index
        %get3A_370 = tpu.vector_load %arg11[%get3A_368, %get3A_369] {strides = array<i32>} : memref<256x128xf32, #tpu.memory_space<vmem>>, vector<1x16xf32>,
        %get3A_371 = vector.shape_cast %get3A_370 : vector<1x16xf32> to vector<16xf32>
        %mul3A_372 = arith.mulf %get3A_371, %gather3A_367 : vector<16xf32>
        %swap3A_373 = arith.index_cast %add3A_364 : i32 to index
        %swap3A_374 = arith.constant 0 : index
        %swap3A_375 = tpu.vector_load %arg11[%swap3A_373, %swap3A_374] {strides = array<i32>} : memref<256x128xf32, #tpu.memory_space<vmem>>, vector<1x16xf32>,
        %swap3A_376 = vector.shape_cast %swap3A_375 : vector<1x16xf32> to vector<16xf32>
        %swap3A_377 = vector.shape_cast %mul3A_372 : vector<16xf32> to vector<1x16xf32>
        tpu.vector_store %arg11[%swap3A_373, %swap3A_374], %swap3A_377 {strides = array<i32>} : memref<256x128xf32, #tpu.memory_space<vmem>>, vector<1x16xf32>,
        %get3A_378 = arith.index_cast %add3A_364 : i32 to index
        %get3A_379 = arith.constant 16 : index
        %get3A_380 = tpu.vector_load %arg11[%get3A_378, %get3A_379] {strides = array<i32>} : memref<256x128xf32, #tpu.memory_space<vmem>>, vector<1x16xf32>,
        %get3A_381 = vector.shape_cast %get3A_380 : vector<1x16xf32> to vector<16xf32>
        %mul3A_382 = arith.mulf %get3A_381, %gather3A_367 : vector<16xf32>
        %swap3A_383 = arith.index_cast %add3A_364 : i32 to index
        %swap3A_384 = arith.constant 16 : index
        %swap3A_385 = tpu.vector_load %arg11[%swap3A_383, %swap3A_384] {strides = array<i32>} : memref<256x128xf32, #tpu.memory_space<vmem>>, vector<1x16xf32>,
        %swap3A_386 = vector.shape_cast %swap3A_385 : vector<1x16xf32> to vector<16xf32>
        %swap3A_387 = vector.shape_cast %mul3A_382 : vector<16xf32> to vector<1x16xf32>
        tpu.vector_store %arg11[%swap3A_383, %swap3A_384], %swap3A_387 {strides = array<i32>} : memref<256x128xf32, #tpu.memory_space<vmem>>, vector<1x16xf32>,
        %get3A_388 = arith.index_cast %add3A_364 : i32 to index
        %get3A_389 = arith.constant 32 : index
        %get3A_390 = tpu.vector_load %arg11[%get3A_388, %get3A_389] {strides = array<i32>} : memref<256x128xf32, #tpu.memory_space<vmem>>, vector<1x16xf32>,
        %get3A_391 = vector.shape_cast %get3A_390 : vector<1x16xf32> to vector<16xf32>
        %mul3A_392 = arith.mulf %get3A_391, %gather3A_367 : vector<16xf32>
        %swap3A_393 = arith.index_cast %add3A_364 : i32 to index
        %swap3A_394 = arith.constant 32 : index
        %swap3A_395 = tpu.vector_load %arg11[%swap3A_393, %swap3A_394] {strides = array<i32>} : memref<256x128xf32, #tpu.memory_space<vmem>>, vector<1x16xf32>,
        %swap3A_396 = vector.shape_cast %swap3A_395 : vector<1x16xf32> to vector<16xf32>
        %swap3A_397 = vector.shape_cast %mul3A_392 : vector<16xf32> to vector<1x16xf32>
        tpu.vector_store %arg11[%swap3A_393, %swap3A_394], %swap3A_397 {strides = array<i32>} : memref<256x128xf32, #tpu.memory_space<vmem>>, vector<1x16xf32>,
        %get3A_398 = arith.index_cast %add3A_364 : i32 to index
        %get3A_399 = arith.constant 48 : index
        %get3A_400 = tpu.vector_load %arg11[%get3A_398, %get3A_399] {strides = array<i32>} : memref<256x128xf32, #tpu.memory_space<vmem>>, vector<1x16xf32>,
        %get3A_401 = vector.shape_cast %get3A_400 : vector<1x16xf32> to vector<16xf32>
        %mul3A_402 = arith.mulf %get3A_401, %gather3A_367 : vector<16xf32>
        %swap3A_403 = arith.index_cast %add3A_364 : i32 to index
        %swap3A_404 = arith.constant 48 : index
        %swap3A_405 = tpu.vector_load %arg11[%swap3A_403, %swap3A_404] {strides = array<i32>} : memref<256x128xf32, #tpu.memory_space<vmem>>, vector<1x16xf32>,
        %swap3A_406 = vector.shape_cast %swap3A_405 : vector<1x16xf32> to vector<16xf32>
        %swap3A_407 = vector.shape_cast %mul3A_402 : vector<16xf32> to vector<1x16xf32>
        tpu.vector_store %arg11[%swap3A_403, %swap3A_404], %swap3A_407 {strides = array<i32>} : memref<256x128xf32, #tpu.memory_space<vmem>>, vector<1x16xf32>,
        %get3A_408 = arith.index_cast %add3A_364 : i32 to index
        %get3A_409 = arith.constant 64 : index
        %get3A_410 = tpu.vector_load %arg11[%get3A_408, %get3A_409] {strides = array<i32>} : memref<256x128xf32, #tpu.memory_space<vmem>>, vector<1x16xf32>,
        %get3A_411 = vector.shape_cast %get3A_410 : vector<1x16xf32> to vector<16xf32>
        %mul3A_412 = arith.mulf %get3A_411, %gather3A_367 : vector<16xf32>
        %swap3A_413 = arith.index_cast %add3A_364 : i32 to index
        %swap3A_414 = arith.constant 64 : index
        %swap3A_415 = tpu.vector_load %arg11[%swap3A_413, %swap3A_414] {strides = array<i32>} : memref<256x128xf32, #tpu.memory_space<vmem>>, vector<1x16xf32>,
        %swap3A_416 = vector.shape_cast %swap3A_415 : vector<1x16xf32> to vector<16xf32>
        %swap3A_417 = vector.shape_cast %mul3A_412 : vector<16xf32> to vector<1x16xf32>
        tpu.vector_store %arg11[%swap3A_413, %swap3A_414], %swap3A_417 {strides = array<i32>} : memref<256x128xf32, #tpu.memory_space<vmem>>, vector<1x16xf32>,
        %get3A_418 = arith.index_cast %add3A_364 : i32 to index
        %get3A_419 = arith.constant 80 : index
        %get3A_420 = tpu.vector_load %arg11[%get3A_418, %get3A_419] {strides = array<i32>} : memref<256x128xf32, #tpu.memory_space<vmem>>, vector<1x16xf32>,
        %get3A_421 = vector.shape_cast %get3A_420 : vector<1x16xf32> to vector<16xf32>
        %mul3A_422 = arith.mulf %get3A_421, %gather3A_367 : vector<16xf32>
        %swap3A_423 = arith.index_cast %add3A_364 : i32 to index
        %swap3A_424 = arith.constant 80 : index
        %swap3A_425 = tpu.vector_load %arg11[%swap3A_423, %swap3A_424] {strides = array<i32>} : memref<256x128xf32, #tpu.memory_space<vmem>>, vector<1x16xf32>,
        %swap3A_426 = vector.shape_cast %swap3A_425 : vector<1x16xf32> to vector<16xf32>
        %swap3A_427 = vector.shape_cast %mul3A_422 : vector<16xf32> to vector<1x16xf32>
        tpu.vector_store %arg11[%swap3A_423, %swap3A_424], %swap3A_427 {strides = array<i32>} : memref<256x128xf32, #tpu.memory_space<vmem>>, vector<1x16xf32>,
        %get3A_428 = arith.index_cast %add3A_364 : i32 to index
        %get3A_429 = arith.constant 96 : index
        %get3A_430 = tpu.vector_load %arg11[%get3A_428, %get3A_429] {strides = array<i32>} : memref<256x128xf32, #tpu.memory_space<vmem>>, vector<1x16xf32>,
        %get3A_431 = vector.shape_cast %get3A_430 : vector<1x16xf32> to vector<16xf32>
        %mul3A_432 = arith.mulf %get3A_431, %gather3A_367 : vector<16xf32>
        %swap3A_433 = arith.index_cast %add3A_364 : i32 to index
        %swap3A_434 = arith.constant 96 : index
        %swap3A_435 = tpu.vector_load %arg11[%swap3A_433, %swap3A_434] {strides = array<i32>} : memref<256x128xf32, #tpu.memory_space<vmem>>, vector<1x16xf32>,
        %swap3A_436 = vector.shape_cast %swap3A_435 : vector<1x16xf32> to vector<16xf32>
        %swap3A_437 = vector.shape_cast %mul3A_432 : vector<16xf32> to vector<1x16xf32>
        tpu.vector_store %arg11[%swap3A_433, %swap3A_434], %swap3A_437 {strides = array<i32>} : memref<256x128xf32, #tpu.memory_space<vmem>>, vector<1x16xf32>,
        %get3A_438 = arith.index_cast %add3A_364 : i32 to index
        %get3A_439 = arith.constant 112 : index
        %get3A_440 = tpu.vector_load %arg11[%get3A_438, %get3A_439] {strides = array<i32>} : memref<256x128xf32, #tpu.memory_space<vmem>>, vector<1x16xf32>,
        %get3A_441 = vector.shape_cast %get3A_440 : vector<1x16xf32> to vector<16xf32>
        %mul3A_442 = arith.mulf %get3A_441, %gather3A_367 : vector<16xf32>
        %swap3A_443 = arith.index_cast %add3A_364 : i32 to index
        %swap3A_444 = arith.constant 112 : index
        %swap3A_445 = tpu.vector_load %arg11[%swap3A_443, %swap3A_444] {strides = array<i32>} : memref<256x128xf32, #tpu.memory_space<vmem>>, vector<1x16xf32>,
        %swap3A_446 = vector.shape_cast %swap3A_445 : vector<1x16xf32> to vector<16xf32>
        %swap3A_447 = vector.shape_cast %mul3A_442 : vector<16xf32> to vector<1x16xf32>
        tpu.vector_store %arg11[%swap3A_443, %swap3A_444], %swap3A_447 {strides = array<i32>} : memref<256x128xf32, #tpu.memory_space<vmem>>, vector<1x16xf32>,
        %scan3A_448 = arith.constant 0 : i32
        scf.yield %scan3A_448 : i32
      }
      %scan3A_216 = arith.constant 8 : i32
      %mul3A_217 = arith.constant 64 : i32
      %mul3A_218 = arith.muli %scan3A_130, %mul3A_217 : i32
      %add3A_219 = arith.constant 48 : i32
      %add3A_220 = arith.addi %mul3A_218, %add3A_219 : i32
      %get3A_221 = arith.index_cast %add3A_220 : i32 to index
      %get3A_222 = tpu.vector_load %arg10[%get3A_221] {strides = array<i32>} : memref<5120xf32, #tpu.memory_space<vmem>>, vector<16xf32>,
      %get3A_223 = vector.shape_cast %get3A_222 : vector<16xf32> to vector<16xf32>
      %mul3A_224 = arith.mulf %get3A_223, %get3A_27 : vector<16xf32>
      %scan3A_225 = arith.constant 0 : i32
      %scan3A_226 = arith.constant 0 : i32
      %scan3A_227 = arith.constant 8 : i32
      %scan3A_228 = arith.addi %scan3A_226, %scan3A_227 : i32
      %scan3A_229 = arith.constant 1 : i32
      %scan3A_230 = scf.for %scan3A_268 = %scan3A_226 to %scan3A_228 step %scan3A_229 iter_args(%scan3A_269 = %scan3A_225) -> (i32)  : i32 {
        %mul3A_270 = arith.constant 2 : i32
        %mul3A_271 = arith.muli %scan3A_268, %mul3A_270 : i32
        %add3A_272 = arith.constant 0 : i32
        %add3A_273 = arith.addi %mul3A_271, %add3A_272 : i32
        %add3A_274 = arith.constant 48 : i32
        %add3A_275 = arith.addi %mul3A_145, %add3A_274 : i32
        %add3A_276 = arith.addi %add3A_275, %add3A_273 : i32
        %broadcast_in_dim3A_277 = vector.broadcast %add3A_273 : i32 to vector<16x1xi32>
        %gather3A = vector.shape_cast %broadcast_in_dim3A_277 : vector<16x1xi32> to vector<16xi32>
        %gather3A_278 = tpu.dynamic_gather %mul3A_224[%gather3A] in [0] : vector<16xf32>, vector<16xi32> -> vector<16xf32>
        %get3A_279 = arith.index_cast %add3A_276 : i32 to index
        %get3A_280 = arith.constant 0 : index
        %get3A_281 = tpu.vector_load %arg11[%get3A_279, %get3A_280] {strides = array<i32>} : memref<256x128xf32, #tpu.memory_space<vmem>>, vector<1x16xf32>,
        %get3A_282 = vector.shape_cast %get3A_281 : vector<1x16xf32> to vector<16xf32>
        %mul3A_283 = arith.mulf %get3A_282, %gather3A_278 : vector<16xf32>
        %swap3A = arith.index_cast %add3A_276 : i32 to index
        %swap3A_284 = arith.constant 0 : index
        %swap3A_285 = tpu.vector_load %arg11[%swap3A, %swap3A_284] {strides = array<i32>} : memref<256x128xf32, #tpu.memory_space<vmem>>, vector<1x16xf32>,
        %swap3A_286 = vector.shape_cast %swap3A_285 : vector<1x16xf32> to vector<16xf32>
        %swap3A_287 = vector.shape_cast %mul3A_283 : vector<16xf32> to vector<1x16xf32>
        tpu.vector_store %arg11[%swap3A, %swap3A_284], %swap3A_287 {strides = array<i32>} : memref<256x128xf32, #tpu.memory_space<vmem>>, vector<1x16xf32>,
        %get3A_288 = arith.index_cast %add3A_276 : i32 to index
        %get3A_289 = arith.constant 16 : index
        %get3A_290 = tpu.vector_load %arg11[%get3A_288, %get3A_289] {strides = array<i32>} : memref<256x128xf32, #tpu.memory_space<vmem>>, vector<1x16xf32>,
        %get3A_291 = vector.shape_cast %get3A_290 : vector<1x16xf32> to vector<16xf32>
        %mul3A_292 = arith.mulf %get3A_291, %gather3A_278 : vector<16xf32>
        %swap3A_293 = arith.index_cast %add3A_276 : i32 to index
        %swap3A_294 = arith.constant 16 : index
        %swap3A_295 = tpu.vector_load %arg11[%swap3A_293, %swap3A_294] {strides = array<i32>} : memref<256x128xf32, #tpu.memory_space<vmem>>, vector<1x16xf32>,
        %swap3A_296 = vector.shape_cast %swap3A_295 : vector<1x16xf32> to vector<16xf32>
        %swap3A_297 = vector.shape_cast %mul3A_292 : vector<16xf32> to vector<1x16xf32>
        tpu.vector_store %arg11[%swap3A_293, %swap3A_294], %swap3A_297 {strides = array<i32>} : memref<256x128xf32, #tpu.memory_space<vmem>>, vector<1x16xf32>,
        %get3A_298 = arith.index_cast %add3A_276 : i32 to index
        %get3A_299 = arith.constant 32 : index
        %get3A_300 = tpu.vector_load %arg11[%get3A_298, %get3A_299] {strides = array<i32>} : memref<256x128xf32, #tpu.memory_space<vmem>>, vector<1x16xf32>,
        %get3A_301 = vector.shape_cast %get3A_300 : vector<1x16xf32> to vector<16xf32>
        %mul3A_302 = arith.mulf %get3A_301, %gather3A_278 : vector<16xf32>
        %swap3A_303 = arith.index_cast %add3A_276 : i32 to index
        %swap3A_304 = arith.constant 32 : index
        %swap3A_305 = tpu.vector_load %arg11[%swap3A_303, %swap3A_304] {strides = array<i32>} : memref<256x128xf32, #tpu.memory_space<vmem>>, vector<1x16xf32>,
        %swap3A_306 = vector.shape_cast %swap3A_305 : vector<1x16xf32> to vector<16xf32>
        %swap3A_307 = vector.shape_cast %mul3A_302 : vector<16xf32> to vector<1x16xf32>
        tpu.vector_store %arg11[%swap3A_303, %swap3A_304], %swap3A_307 {strides = array<i32>} : memref<256x128xf32, #tpu.memory_space<vmem>>, vector<1x16xf32>,
        %get3A_308 = arith.index_cast %add3A_276 : i32 to index
        %get3A_309 = arith.constant 48 : index
        %get3A_310 = tpu.vector_load %arg11[%get3A_308, %get3A_309] {strides = array<i32>} : memref<256x128xf32, #tpu.memory_space<vmem>>, vector<1x16xf32>,
        %get3A_311 = vector.shape_cast %get3A_310 : vector<1x16xf32> to vector<16xf32>
        %mul3A_312 = arith.mulf %get3A_311, %gather3A_278 : vector<16xf32>
        %swap3A_313 = arith.index_cast %add3A_276 : i32 to index
        %swap3A_314 = arith.constant 48 : index
        %swap3A_315 = tpu.vector_load %arg11[%swap3A_313, %swap3A_314] {strides = array<i32>} : memref<256x128xf32, #tpu.memory_space<vmem>>, vector<1x16xf32>,
        %swap3A_316 = vector.shape_cast %swap3A_315 : vector<1x16xf32> to vector<16xf32>
        %swap3A_317 = vector.shape_cast %mul3A_312 : vector<16xf32> to vector<1x16xf32>
        tpu.vector_store %arg11[%swap3A_313, %swap3A_314], %swap3A_317 {strides = array<i32>} : memref<256x128xf32, #tpu.memory_space<vmem>>, vector<1x16xf32>,
        %get3A_318 = arith.index_cast %add3A_276 : i32 to index
        %get3A_319 = arith.constant 64 : index
        %get3A_320 = tpu.vector_load %arg11[%get3A_318, %get3A_319] {strides = array<i32>} : memref<256x128xf32, #tpu.memory_space<vmem>>, vector<1x16xf32>,
        %get3A_321 = vector.shape_cast %get3A_320 : vector<1x16xf32> to vector<16xf32>
        %mul3A_322 = arith.mulf %get3A_321, %gather3A_278 : vector<16xf32>
        %swap3A_323 = arith.index_cast %add3A_276 : i32 to index
        %swap3A_324 = arith.constant 64 : index
        %swap3A_325 = tpu.vector_load %arg11[%swap3A_323, %swap3A_324] {strides = array<i32>} : memref<256x128xf32, #tpu.memory_space<vmem>>, vector<1x16xf32>,
        %swap3A_326 = vector.shape_cast %swap3A_325 : vector<1x16xf32> to vector<16xf32>
        %swap3A_327 = vector.shape_cast %mul3A_322 : vector<16xf32> to vector<1x16xf32>
        tpu.vector_store %arg11[%swap3A_323, %swap3A_324], %swap3A_327 {strides = array<i32>} : memref<256x128xf32, #tpu.memory_space<vmem>>, vector<1x16xf32>,
        %get3A_328 = arith.index_cast %add3A_276 : i32 to index
        %get3A_329 = arith.constant 80 : index
        %get3A_330 = tpu.vector_load %arg11[%get3A_328, %get3A_329] {strides = array<i32>} : memref<256x128xf32, #tpu.memory_space<vmem>>, vector<1x16xf32>,
        %get3A_331 = vector.shape_cast %get3A_330 : vector<1x16xf32> to vector<16xf32>
        %mul3A_332 = arith.mulf %get3A_331, %gather3A_278 : vector<16xf32>
        %swap3A_333 = arith.index_cast %add3A_276 : i32 to index
        %swap3A_334 = arith.constant 80 : index
        %swap3A_335 = tpu.vector_load %arg11[%swap3A_333, %swap3A_334] {strides = array<i32>} : memref<256x128xf32, #tpu.memory_space<vmem>>, vector<1x16xf32>,
        %swap3A_336 = vector.shape_cast %swap3A_335 : vector<1x16xf32> to vector<16xf32>
        %swap3A_337 = vector.shape_cast %mul3A_332 : vector<16xf32> to vector<1x16xf32>
        tpu.vector_store %arg11[%swap3A_333, %swap3A_334], %swap3A_337 {strides = array<i32>} : memref<256x128xf32, #tpu.memory_space<vmem>>, vector<1x16xf32>,
        %get3A_338 = arith.index_cast %add3A_276 : i32 to index
        %get3A_339 = arith.constant 96 : index
        %get3A_340 = tpu.vector_load %arg11[%get3A_338, %get3A_339] {strides = array<i32>} : memref<256x128xf32, #tpu.memory_space<vmem>>, vector<1x16xf32>,
        %get3A_341 = vector.shape_cast %get3A_340 : vector<1x16xf32> to vector<16xf32>
        %mul3A_342 = arith.mulf %get3A_341, %gather3A_278 : vector<16xf32>
        %swap3A_343 = arith.index_cast %add3A_276 : i32 to index
        %swap3A_344 = arith.constant 96 : index
        %swap3A_345 = tpu.vector_load %arg11[%swap3A_343, %swap3A_344] {strides = array<i32>} : memref<256x128xf32, #tpu.memory_space<vmem>>, vector<1x16xf32>,
        %swap3A_346 = vector.shape_cast %swap3A_345 : vector<1x16xf32> to vector<16xf32>
        %swap3A_347 = vector.shape_cast %mul3A_342 : vector<16xf32> to vector<1x16xf32>
        tpu.vector_store %arg11[%swap3A_343, %swap3A_344], %swap3A_347 {strides = array<i32>} : memref<256x128xf32, #tpu.memory_space<vmem>>, vector<1x16xf32>,
        %get3A_348 = arith.index_cast %add3A_276 : i32 to index
        %get3A_349 = arith.constant 112 : index
        %get3A_350 = tpu.vector_load %arg11[%get3A_348, %get3A_349] {strides = array<i32>} : memref<256x128xf32, #tpu.memory_space<vmem>>, vector<1x16xf32>,
        %get3A_351 = vector.shape_cast %get3A_350 : vector<1x16xf32> to vector<16xf32>
        %mul3A_352 = arith.mulf %get3A_351, %gather3A_278 : vector<16xf32>
        %swap3A_353 = arith.index_cast %add3A_276 : i32 to index
        %swap3A_354 = arith.constant 112 : index
        %swap3A_355 = tpu.vector_load %arg11[%swap3A_353, %swap3A_354] {strides = array<i32>} : memref<256x128xf32, #tpu.memory_space<vmem>>, vector<1x16xf32>,
        %swap3A_356 = vector.shape_cast %swap3A_355 : vector<1x16xf32> to vector<16xf32>
        %swap3A_357 = vector.shape_cast %mul3A_352 : vector<16xf32> to vector<1x16xf32>
        tpu.vector_store %arg11[%swap3A_353, %swap3A_354], %swap3A_357 {strides = array<i32>} : memref<256x128xf32, #tpu.memory_space<vmem>>, vector<1x16xf32>,
        %mul3A_358 = arith.constant 2 : i32
        %mul3A_359 = arith.muli %scan3A_268, %mul3A_358 : i32
        %add3A_360 = arith.constant 1 : i32
        %add3A_361 = arith.addi %mul3A_359, %add3A_360 : i32
        %add3A_362 = arith.constant 48 : i32
        %add3A_363 = arith.addi %mul3A_145, %add3A_362 : i32
        %add3A_364 = arith.addi %add3A_363, %add3A_361 : i32
        %broadcast_in_dim3A_365 = vector.broadcast %add3A_361 : i32 to vector<16x1xi32>
        %gather3A_366 = vector.shape_cast %broadcast_in_dim3A_365 : vector<16x1xi32> to vector<16xi32>
        %gather3A_367 = tpu.dynamic_gather %mul3A_224[%gather3A_366] in [0] : vector<16xf32>, vector<16xi32> -> vector<16xf32>
        %get3A_368 = arith.index_cast %add3A_364 : i32 to index
        %get3A_369 = arith.constant 0 : index
        %get3A_370 = tpu.vector_load %arg11[%get3A_368, %get3A_369] {strides = array<i32>} : memref<256x128xf32, #tpu.memory_space<vmem>>, vector<1x16xf32>,
        %get3A_371 = vector.shape_cast %get3A_370 : vector<1x16xf32> to vector<16xf32>
        %mul3A_372 = arith.mulf %get3A_371, %gather3A_367 : vector<16xf32>
        %swap3A_373 = arith.index_cast %add3A_364 : i32 to index
        %swap3A_374 = arith.constant 0 : index
        %swap3A_375 = tpu.vector_load %arg11[%swap3A_373, %swap3A_374] {strides = array<i32>} : memref<256x128xf32, #tpu.memory_space<vmem>>, vector<1x16xf32>,
        %swap3A_376 = vector.shape_cast %swap3A_375 : vector<1x16xf32> to vector<16xf32>
        %swap3A_377 = vector.shape_cast %mul3A_372 : vector<16xf32> to vector<1x16xf32>
        tpu.vector_store %arg11[%swap3A_373, %swap3A_374], %swap3A_377 {strides = array<i32>} : memref<256x128xf32, #tpu.memory_space<vmem>>, vector<1x16xf32>,
        %get3A_378 = arith.index_cast %add3A_364 : i32 to index
        %get3A_379 = arith.constant 16 : index
        %get3A_380 = tpu.vector_load %arg11[%get3A_378, %get3A_379] {strides = array<i32>} : memref<256x128xf32, #tpu.memory_space<vmem>>, vector<1x16xf32>,
        %get3A_381 = vector.shape_cast %get3A_380 : vector<1x16xf32> to vector<16xf32>
        %mul3A_382 = arith.mulf %get3A_381, %gather3A_367 : vector<16xf32>
        %swap3A_383 = arith.index_cast %add3A_364 : i32 to index
        %swap3A_384 = arith.constant 16 : index
        %swap3A_385 = tpu.vector_load %arg11[%swap3A_383, %swap3A_384] {strides = array<i32>} : memref<256x128xf32, #tpu.memory_space<vmem>>, vector<1x16xf32>,
        %swap3A_386 = vector.shape_cast %swap3A_385 : vector<1x16xf32> to vector<16xf32>
        %swap3A_387 = vector.shape_cast %mul3A_382 : vector<16xf32> to vector<1x16xf32>
        tpu.vector_store %arg11[%swap3A_383, %swap3A_384], %swap3A_387 {strides = array<i32>} : memref<256x128xf32, #tpu.memory_space<vmem>>, vector<1x16xf32>,
        %get3A_388 = arith.index_cast %add3A_364 : i32 to index
        %get3A_389 = arith.constant 32 : index
        %get3A_390 = tpu.vector_load %arg11[%get3A_388, %get3A_389] {strides = array<i32>} : memref<256x128xf32, #tpu.memory_space<vmem>>, vector<1x16xf32>,
        %get3A_391 = vector.shape_cast %get3A_390 : vector<1x16xf32> to vector<16xf32>
        %mul3A_392 = arith.mulf %get3A_391, %gather3A_367 : vector<16xf32>
        %swap3A_393 = arith.index_cast %add3A_364 : i32 to index
        %swap3A_394 = arith.constant 32 : index
        %swap3A_395 = tpu.vector_load %arg11[%swap3A_393, %swap3A_394] {strides = array<i32>} : memref<256x128xf32, #tpu.memory_space<vmem>>, vector<1x16xf32>,
        %swap3A_396 = vector.shape_cast %swap3A_395 : vector<1x16xf32> to vector<16xf32>
        %swap3A_397 = vector.shape_cast %mul3A_392 : vector<16xf32> to vector<1x16xf32>
        tpu.vector_store %arg11[%swap3A_393, %swap3A_394], %swap3A_397 {strides = array<i32>} : memref<256x128xf32, #tpu.memory_space<vmem>>, vector<1x16xf32>,
        %get3A_398 = arith.index_cast %add3A_364 : i32 to index
        %get3A_399 = arith.constant 48 : index
        %get3A_400 = tpu.vector_load %arg11[%get3A_398, %get3A_399] {strides = array<i32>} : memref<256x128xf32, #tpu.memory_space<vmem>>, vector<1x16xf32>,
        %get3A_401 = vector.shape_cast %get3A_400 : vector<1x16xf32> to vector<16xf32>
        %mul3A_402 = arith.mulf %get3A_401, %gather3A_367 : vector<16xf32>
        %swap3A_403 = arith.index_cast %add3A_364 : i32 to index
        %swap3A_404 = arith.constant 48 : index
        %swap3A_405 = tpu.vector_load %arg11[%swap3A_403, %swap3A_404] {strides = array<i32>} : memref<256x128xf32, #tpu.memory_space<vmem>>, vector<1x16xf32>,
        %swap3A_406 = vector.shape_cast %swap3A_405 : vector<1x16xf32> to vector<16xf32>
        %swap3A_407 = vector.shape_cast %mul3A_402 : vector<16xf32> to vector<1x16xf32>
        tpu.vector_store %arg11[%swap3A_403, %swap3A_404], %swap3A_407 {strides = array<i32>} : memref<256x128xf32, #tpu.memory_space<vmem>>, vector<1x16xf32>,
        %get3A_408 = arith.index_cast %add3A_364 : i32 to index
        %get3A_409 = arith.constant 64 : index
        %get3A_410 = tpu.vector_load %arg11[%get3A_408, %get3A_409] {strides = array<i32>} : memref<256x128xf32, #tpu.memory_space<vmem>>, vector<1x16xf32>,
        %get3A_411 = vector.shape_cast %get3A_410 : vector<1x16xf32> to vector<16xf32>
        %mul3A_412 = arith.mulf %get3A_411, %gather3A_367 : vector<16xf32>
        %swap3A_413 = arith.index_cast %add3A_364 : i32 to index
        %swap3A_414 = arith.constant 64 : index
        %swap3A_415 = tpu.vector_load %arg11[%swap3A_413, %swap3A_414] {strides = array<i32>} : memref<256x128xf32, #tpu.memory_space<vmem>>, vector<1x16xf32>,
        %swap3A_416 = vector.shape_cast %swap3A_415 : vector<1x16xf32> to vector<16xf32>
        %swap3A_417 = vector.shape_cast %mul3A_412 : vector<16xf32> to vector<1x16xf32>
        tpu.vector_store %arg11[%swap3A_413, %swap3A_414], %swap3A_417 {strides = array<i32>} : memref<256x128xf32, #tpu.memory_space<vmem>>, vector<1x16xf32>,
        %get3A_418 = arith.index_cast %add3A_364 : i32 to index
        %get3A_419 = arith.constant 80 : index
        %get3A_420 = tpu.vector_load %arg11[%get3A_418, %get3A_419] {strides = array<i32>} : memref<256x128xf32, #tpu.memory_space<vmem>>, vector<1x16xf32>,
        %get3A_421 = vector.shape_cast %get3A_420 : vector<1x16xf32> to vector<16xf32>
        %mul3A_422 = arith.mulf %get3A_421, %gather3A_367 : vector<16xf32>
        %swap3A_423 = arith.index_cast %add3A_364 : i32 to index
        %swap3A_424 = arith.constant 80 : index
        %swap3A_425 = tpu.vector_load %arg11[%swap3A_423, %swap3A_424] {strides = array<i32>} : memref<256x128xf32, #tpu.memory_space<vmem>>, vector<1x16xf32>,
        %swap3A_426 = vector.shape_cast %swap3A_425 : vector<1x16xf32> to vector<16xf32>
        %swap3A_427 = vector.shape_cast %mul3A_422 : vector<16xf32> to vector<1x16xf32>
        tpu.vector_store %arg11[%swap3A_423, %swap3A_424], %swap3A_427 {strides = array<i32>} : memref<256x128xf32, #tpu.memory_space<vmem>>, vector<1x16xf32>,
        %get3A_428 = arith.index_cast %add3A_364 : i32 to index
        %get3A_429 = arith.constant 96 : index
        %get3A_430 = tpu.vector_load %arg11[%get3A_428, %get3A_429] {strides = array<i32>} : memref<256x128xf32, #tpu.memory_space<vmem>>, vector<1x16xf32>,
        %get3A_431 = vector.shape_cast %get3A_430 : vector<1x16xf32> to vector<16xf32>
        %mul3A_432 = arith.mulf %get3A_431, %gather3A_367 : vector<16xf32>
        %swap3A_433 = arith.index_cast %add3A_364 : i32 to index
        %swap3A_434 = arith.constant 96 : index
        %swap3A_435 = tpu.vector_load %arg11[%swap3A_433, %swap3A_434] {strides = array<i32>} : memref<256x128xf32, #tpu.memory_space<vmem>>, vector<1x16xf32>,
        %swap3A_436 = vector.shape_cast %swap3A_435 : vector<1x16xf32> to vector<16xf32>
        %swap3A_437 = vector.shape_cast %mul3A_432 : vector<16xf32> to vector<1x16xf32>
        tpu.vector_store %arg11[%swap3A_433, %swap3A_434], %swap3A_437 {strides = array<i32>} : memref<256x128xf32, #tpu.memory_space<vmem>>, vector<1x16xf32>,
        %get3A_438 = arith.index_cast %add3A_364 : i32 to index
        %get3A_439 = arith.constant 112 : index
        %get3A_440 = tpu.vector_load %arg11[%get3A_438, %get3A_439] {strides = array<i32>} : memref<256x128xf32, #tpu.memory_space<vmem>>, vector<1x16xf32>,
        %get3A_441 = vector.shape_cast %get3A_440 : vector<1x16xf32> to vector<16xf32>
        %mul3A_442 = arith.mulf %get3A_441, %gather3A_367 : vector<16xf32>
        %swap3A_443 = arith.index_cast %add3A_364 : i32 to index
        %swap3A_444 = arith.constant 112 : index
        %swap3A_445 = tpu.vector_load %arg11[%swap3A_443, %swap3A_444] {strides = array<i32>} : memref<256x128xf32, #tpu.memory_space<vmem>>, vector<1x16xf32>,
        %swap3A_446 = vector.shape_cast %swap3A_445 : vector<1x16xf32> to vector<16xf32>
        %swap3A_447 = vector.shape_cast %mul3A_442 : vector<16xf32> to vector<1x16xf32>
        tpu.vector_store %arg11[%swap3A_443, %swap3A_444], %swap3A_447 {strides = array<i32>} : memref<256x128xf32, #tpu.memory_space<vmem>>, vector<1x16xf32>,
        %scan3A_448 = arith.constant 0 : i32
        scf.yield %scan3A_448 : i32
      }
      %scan3A_231 = arith.constant 8 : i32
      %jit3A_232 = arith.constant 4 : i32
      %eq3A_233 = arith.constant 0 : i32
      %eq3A_234 = arith.cmpi eq, %jit3A_232, %eq3A_233 : i32
      %jit3A_235 = arith.constant 1 : i32
      %select_n3A_236 = arith.select %eq3A_234, %jit3A_235, %jit3A_232 : i32
      %rem3A_237 = arith.remsi %scan3A_130, %select_n3A_236 : i32
      %ne3A_238 = arith.constant 0 : i32
      %ne3A_239 = arith.cmpi ne, %rem3A_237, %ne3A_238 : i32
      %lt3A_240 = arith.constant 0 : i32
      %lt3A_241 = arith.cmpi slt, %rem3A_237, %lt3A_240 : i32
      %lt3A_242 = arith.constant 0 : i32
      %lt3A_243 = arith.cmpi slt, %select_n3A_236, %lt3A_242 : i32
      %ne3A_244 = arith.xori %lt3A_241, %lt3A_243 : i1
      %and3A_245 = arith.andi %ne3A_244, %ne3A_239 : i1
      %add3A_246 = arith.addi %rem3A_237, %select_n3A_236 : i32
      %select_n3A_247 = arith.select %and3A_245, %add3A_246, %rem3A_237 : i32
      %mul3A_248 = arith.constant 64 : i32
      %mul3A_249 = arith.muli %select_n3A_247, %mul3A_248 : i32
      %mul3A_250 = arith.constant 64 : i32
      %mul3A_251 = arith.muli %scan3A_130, %mul3A_250 : i32
      %dma_start3A_252 = arith.constant 0 : i32
      %dma_start3A_253 = tpu.memref_slice %arg11[%mul3A_249, %dma_start3A_252] : memref<256x128xf32, #tpu.memory_space<vmem>> -> memref<64x128xf32, #tpu.memory_space<vmem>>
      %dma_start3A_254 = tpu.memref_slice %arg9[%mul3A_251] : memref<5120xi32, #tpu.memory_space<vmem>> -> memref<64xi32, #tpu.memory_space<vmem>>
      %dma_start3A_255 = arith.constant 0 : i32
      %dma_start3A_256 = arith.constant 0 : i32
      %dma_start3A_257 = tpu.memref_slice %arg13[%dma_start3A_255, %dma_start3A_256] : memref<10000x128xf32, #tpu.memory_space<vmem_shared>> -> memref<10000x128xf32, #tpu.memory_space<vmem_shared>>
      tpu.enqueue_indirect_dma source(%dma_start3A_253 : memref<64x128xf32, #tpu.memory_space<vmem>>) target(%dma_start3A_257 : memref<10000x128xf32, #tpu.memory_space<vmem_shared>>) offsets(%dma_start3A_254 : memref<64xi32, #tpu.memory_space<vmem>>) semaphore(%arg15 : memref<!tpu.dma_semaphore, #tpu.memory_space<semaphore_mem>>) {add = true}
      %gt3A = arith.constant 0 : i32
      %gt3A_258 = arith.cmpi sgt, %scan3A_130, %gt3A : i32
      %convert_element_type3A_259 = arith.extui %gt3A_258 : i1 to i32
      %cond3A_260 = arith.constant 0 : i32
      %cond3A_261 = arith.cmpi ne, %convert_element_type3A_259, %cond3A_260 : i32
      scf.if %cond3A_261 {
        %sub3A = arith.constant 1 : i32
        %sub3A_268 = arith.subi %scan3A_130, %sub3A : i32
        %jit3A_269 = arith.constant 4 : i32
        %eq3A_270 = arith.constant 0 : i32
        %eq3A_271 = arith.cmpi eq, %jit3A_269, %eq3A_270 : i32
        %jit3A_272 = arith.constant 1 : i32
        %select_n3A_273 = arith.select %eq3A_271, %jit3A_272, %jit3A_269 : i32
        %rem3A_274 = arith.remsi %sub3A_268, %select_n3A_273 : i32
        %ne3A_275 = arith.constant 0 : i32
        %ne3A_276 = arith.cmpi ne, %rem3A_274, %ne3A_275 : i32
        %lt3A_277 = arith.constant 0 : i32
        %lt3A_278 = arith.cmpi slt, %rem3A_274, %lt3A_277 : i32
        %lt3A_279 = arith.constant 0 : i32
        %lt3A_280 = arith.cmpi slt, %select_n3A_273, %lt3A_279 : i32
        %ne3A_281 = arith.xori %lt3A_278, %lt3A_280 : i1
        %and3A_282 = arith.andi %ne3A_281, %ne3A_276 : i1
        %add3A_283 = arith.addi %rem3A_274, %select_n3A_273 : i32
        %select_n3A_284 = arith.select %and3A_282, %add3A_283, %rem3A_274 : i32
        %mul3A_285 = arith.constant 64 : i32
        %mul3A_286 = arith.muli %select_n3A_284, %mul3A_285 : i32
        %mul3A_287 = arith.constant 64 : i32
        %mul3A_288 = arith.muli %sub3A_268, %mul3A_287 : i32
        %dma_wait3A_289 = arith.constant 0 : i32
        %dma_wait3A_290 = tpu.memref_slice %arg11[%mul3A_286, %dma_wait3A_289] : memref<256x128xf32, #tpu.memory_space<vmem>> -> memref<64x128xf32, #tpu.memory_space<vmem>>
        %dma_wait3A_291 = tpu.memref_slice %arg9[%mul3A_288] : memref<5120xi32, #tpu.memory_space<vmem>> -> memref<64xi32, #tpu.memory_space<vmem>>
        %dma_wait3A_292 = arith.constant 0 : i32
        %dma_wait3A_293 = arith.constant 0 : i32
        %dma_wait3A_294 = tpu.memref_slice %arg13[%dma_wait3A_292, %dma_wait3A_293] : memref<10000x128xf32, #tpu.memory_space<vmem_shared>> -> memref<10000x128xf32, #tpu.memory_space<vmem_shared>>
        tpu.wait_indirect_dma semaphore(%arg15 : memref<!tpu.dma_semaphore, #tpu.memory_space<semaphore_mem>>) src(%dma_wait3A_290 : memref<64x128xf32, #tpu.memory_space<vmem>>) dst(%dma_wait3A_294 : memref<10000x128xf32, #tpu.memory_space<vmem_shared>>)
      } else {
      }
      %lt3A_262 = arith.constant 77 : i32
      %lt3A_263 = arith.cmpi slt, %scan3A_130, %lt3A_262 : i32
      %convert_element_type3A_264 = arith.extui %lt3A_263 : i1 to i32
      %cond3A_265 = arith.constant 0 : i32
      %cond3A_266 = arith.cmpi ne, %convert_element_type3A_264, %cond3A_265 : i32
      scf.if %cond3A_266 {
        %add3A_268 = arith.constant 3 : i32
        %add3A_269 = arith.addi %scan3A_130, %add3A_268 : i32
        %jit3A_270 = arith.constant 4 : i32
        %eq3A_271 = arith.constant 0 : i32
        %eq3A_272 = arith.cmpi eq, %jit3A_270, %eq3A_271 : i32
        %jit3A_273 = arith.constant 1 : i32
        %select_n3A_274 = arith.select %eq3A_272, %jit3A_273, %jit3A_270 : i32
        %rem3A_275 = arith.remsi %add3A_269, %select_n3A_274 : i32
        %ne3A_276 = arith.constant 0 : i32
        %ne3A_277 = arith.cmpi ne, %rem3A_275, %ne3A_276 : i32
        %lt3A_278 = arith.constant 0 : i32
        %lt3A_279 = arith.cmpi slt, %rem3A_275, %lt3A_278 : i32
        %lt3A_280 = arith.constant 0 : i32
        %lt3A_281 = arith.cmpi slt, %select_n3A_274, %lt3A_280 : i32
        %ne3A_282 = arith.xori %lt3A_279, %lt3A_281 : i1
        %and3A_283 = arith.andi %ne3A_282, %ne3A_277 : i1
        %add3A_284 = arith.addi %rem3A_275, %select_n3A_274 : i32
        %select_n3A_285 = arith.select %and3A_283, %add3A_284, %rem3A_275 : i32
        %mul3A_286 = arith.constant 64 : i32
        %mul3A_287 = arith.muli %select_n3A_285, %mul3A_286 : i32
        %mul3A_288 = arith.constant 64 : i32
        %mul3A_289 = arith.muli %add3A_269, %mul3A_288 : i32
        %dma_start3A_290 = arith.constant 0 : i32
        %dma_start3A_291 = tpu.memref_slice %arg11[%mul3A_287, %dma_start3A_290] : memref<256x128xf32, #tpu.memory_space<vmem>> -> memref<64x128xf32, #tpu.memory_space<vmem>>
        %dma_start3A_292 = tpu.memref_slice %arg8[%mul3A_289] : memref<5120xi32, #tpu.memory_space<vmem>> -> memref<64xi32, #tpu.memory_space<vmem>>
        %dma_start3A_293 = arith.constant 0 : i32
        %dma_start3A_294 = arith.constant 0 : i32
        %dma_start3A_295 = tpu.memref_slice %arg2[%dma_start3A_293, %dma_start3A_294] : memref<10000x128xf32, #tpu.memory_space<hbm>> -> memref<10000x128xf32, #tpu.memory_space<hbm>>
        tpu.enqueue_indirect_dma source(%dma_start3A_295 : memref<10000x128xf32, #tpu.memory_space<hbm>>) target(%dma_start3A_291 : memref<64x128xf32, #tpu.memory_space<vmem>>) offsets(%dma_start3A_292 : memref<64xi32, #tpu.memory_space<vmem>>) semaphore(%arg14 : memref<!tpu.dma_semaphore, #tpu.memory_space<semaphore_mem>>)
      } else {
      }
      %scan3A_267 = arith.constant 0 : i32
      scf.yield %scan3A_267 : i32
    }
    %scan3A_61 = arith.constant 80 : i32
    %dma_wait3A = arith.constant 192 : i32
    %dma_wait3A_62 = arith.constant 0 : i32
    %dma_wait3A_63 = tpu.memref_slice %arg11[%dma_wait3A, %dma_wait3A_62] : memref<256x128xf32, #tpu.memory_space<vmem>> -> memref<64x128xf32, #tpu.memory_space<vmem>>
    %dma_wait3A_64 = arith.constant 5056 : i32
    %dma_wait3A_65 = tpu.memref_slice %arg9[%dma_wait3A_64] : memref<5120xi32, #tpu.memory_space<vmem>> -> memref<64xi32, #tpu.memory_space<vmem>>
    %dma_wait3A_66 = arith.constant 0 : i32
    %dma_wait3A_67 = arith.constant 0 : i32
    %dma_wait3A_68 = tpu.memref_slice %arg13[%dma_wait3A_66, %dma_wait3A_67] : memref<10000x128xf32, #tpu.memory_space<vmem_shared>> -> memref<10000x128xf32, #tpu.memory_space<vmem_shared>>
    tpu.wait_indirect_dma semaphore(%arg15 : memref<!tpu.dma_semaphore, #tpu.memory_space<semaphore_mem>>) src(%dma_wait3A_63 : memref<64x128xf32, #tpu.memory_space<vmem>>) dst(%dma_wait3A_68 : memref<10000x128xf32, #tpu.memory_space<vmem_shared>>)
    %mul3A_69 = arith.constant 10240 : i32
    %mul3A_70 = arith.muli %add3A, %mul3A_69 : i32
    %add3A_71 = arith.constant 5120 : i32
    %add3A_72 = arith.addi %mul3A_70, %add3A_71 : i32
    "tpu.region"() ({
      %run_scoped3A = tpu.sem_alloc : memref<!tpu.dma_semaphore, #tpu.memory_space<semaphore_mem>>
      %dma_start3A_130 = tpu.memref_slice %arg3[%add3A_72] : memref<327680xi32, #tpu.memory_space<hbm>> -> memref<5120xi32, #tpu.memory_space<hbm>>
      %dma_start3A_131 = tpu.memref_slice %arg3[%add3A_72] : memref<327680xi32, #tpu.memory_space<hbm>> -> memref<5120xi32, #tpu.memory_space<hbm>>
      tpu.enqueue_dma source(%dma_start3A_131 : memref<5120xi32, #tpu.memory_space<hbm>>) target(%arg8 : memref<5120xi32, #tpu.memory_space<vmem>>) target_semaphore(%run_scoped3A : memref<!tpu.dma_semaphore, #tpu.memory_space<semaphore_mem>>)
      %dma_wait3A_132 = tpu.memref_slice %arg3[%add3A_72] : memref<327680xi32, #tpu.memory_space<hbm>> -> memref<5120xi32, #tpu.memory_space<hbm>>
      %dma_wait3A_133 = tpu.memref_slice %arg3[%add3A_72] : memref<327680xi32, #tpu.memory_space<hbm>> -> memref<5120xi32, #tpu.memory_space<hbm>>
      tpu.wait_dma2 semaphore(%run_scoped3A : memref<!tpu.dma_semaphore, #tpu.memory_space<semaphore_mem>>) src(%dma_wait3A_133 : memref<5120xi32, #tpu.memory_space<hbm>>) dst(%arg8 : memref<5120xi32, #tpu.memory_space<vmem>>)
      tpu.yield
    }) : () -> ()
    "tpu.region"() ({
      %run_scoped3A = tpu.sem_alloc : memref<!tpu.dma_semaphore, #tpu.memory_space<semaphore_mem>>
      %dma_start3A_130 = tpu.memref_slice %arg4[%add3A_72] : memref<327680xi32, #tpu.memory_space<hbm>> -> memref<5120xi32, #tpu.memory_space<hbm>>
      %dma_start3A_131 = tpu.memref_slice %arg4[%add3A_72] : memref<327680xi32, #tpu.memory_space<hbm>> -> memref<5120xi32, #tpu.memory_space<hbm>>
      tpu.enqueue_dma source(%dma_start3A_131 : memref<5120xi32, #tpu.memory_space<hbm>>) target(%arg9 : memref<5120xi32, #tpu.memory_space<vmem>>) target_semaphore(%run_scoped3A : memref<!tpu.dma_semaphore, #tpu.memory_space<semaphore_mem>>)
      %dma_wait3A_132 = tpu.memref_slice %arg4[%add3A_72] : memref<327680xi32, #tpu.memory_space<hbm>> -> memref<5120xi32, #tpu.memory_space<hbm>>
      %dma_wait3A_133 = tpu.memref_slice %arg4[%add3A_72] : memref<327680xi32, #tpu.memory_space<hbm>> -> memref<5120xi32, #tpu.memory_space<hbm>>
      tpu.wait_dma2 semaphore(%run_scoped3A : memref<!tpu.dma_semaphore, #tpu.memory_space<semaphore_mem>>) src(%dma_wait3A_133 : memref<5120xi32, #tpu.memory_space<hbm>>) dst(%arg9 : memref<5120xi32, #tpu.memory_space<vmem>>)
      tpu.yield
    }) : () -> ()
    "tpu.region"() ({
      %run_scoped3A = tpu.sem_alloc : memref<!tpu.dma_semaphore, #tpu.memory_space<semaphore_mem>>
      %dma_start3A_130 = tpu.memref_slice %arg5[%add3A_72] : memref<327680xf32, #tpu.memory_space<hbm>> -> memref<5120xf32, #tpu.memory_space<hbm>>
      %dma_start3A_131 = tpu.memref_slice %arg5[%add3A_72] : memref<327680xf32, #tpu.memory_space<hbm>> -> memref<5120xf32, #tpu.memory_space<hbm>>
      tpu.enqueue_dma source(%dma_start3A_131 : memref<5120xf32, #tpu.memory_space<hbm>>) target(%arg10 : memref<5120xf32, #tpu.memory_space<vmem>>) target_semaphore(%run_scoped3A : memref<!tpu.dma_semaphore, #tpu.memory_space<semaphore_mem>>)
      %dma_wait3A_132 = tpu.memref_slice %arg5[%add3A_72] : memref<327680xf32, #tpu.memory_space<hbm>> -> memref<5120xf32, #tpu.memory_space<hbm>>
      %dma_wait3A_133 = tpu.memref_slice %arg5[%add3A_72] : memref<327680xf32, #tpu.memory_space<hbm>> -> memref<5120xf32, #tpu.memory_space<hbm>>
      tpu.wait_dma2 semaphore(%run_scoped3A : memref<!tpu.dma_semaphore, #tpu.memory_space<semaphore_mem>>) src(%dma_wait3A_133 : memref<5120xf32, #tpu.memory_space<hbm>>) dst(%arg10 : memref<5120xf32, #tpu.memory_space<vmem>>)
      tpu.yield
    }) : () -> ()
    %dma_start3A_73 = arith.constant 0 : i32
    %dma_start3A_74 = arith.constant 0 : i32
    %dma_start3A_75 = tpu.memref_slice %arg11[%dma_start3A_73, %dma_start3A_74] : memref<256x128xf32, #tpu.memory_space<vmem>> -> memref<64x128xf32, #tpu.memory_space<vmem>>
    %dma_start3A_76 = arith.constant 0 : i32
    %dma_start3A_77 = tpu.memref_slice %arg8[%dma_start3A_76] : memref<5120xi32, #tpu.memory_space<vmem>> -> memref<64xi32, #tpu.memory_space<vmem>>
    %dma_start3A_78 = arith.constant 0 : i32
    %dma_start3A_79 = arith.constant 0 : i32
    %dma_start3A_80 = tpu.memref_slice %arg2[%dma_start3A_78, %dma_start3A_79] : memref<10000x128xf32, #tpu.memory_space<hbm>> -> memref<10000x128xf32, #tpu.memory_space<hbm>>
    tpu.enqueue_indirect_dma source(%dma_start3A_80 : memref<10000x128xf32, #tpu.memory_space<hbm>>) target(%dma_start3A_75 : memref<64x128xf32, #tpu.memory_space<vmem>>) offsets(%dma_start3A_77 : memref<64xi32, #tpu.memory_space<vmem>>) semaphore(%arg14 : memref<!tpu.dma_semaphore, #tpu.memory_space<semaphore_mem>>)
    %dma_start3A_81 = arith.constant 64 : i32
    %dma_start3A_82 = arith.constant 0 : i32
    %dma_start3A_83 = tpu.memref_slice %arg11[%dma_start3A_81, %dma_start3A_82] : memref<256x128xf32, #tpu.memory_space<vmem>> -> memref<64x128xf32, #tpu.memory_space<vmem>>
    %dma_start3A_84 = arith.constant 64 : i32
    %dma_start3A_85 = tpu.memref_slice %arg8[%dma_start3A_84] : memref<5120xi32, #tpu.memory_space<vmem>> -> memref<64xi32, #tpu.memory_space<vmem>>
    %dma_start3A_86 = arith.constant 0 : i32
    %dma_start3A_87 = arith.constant 0 : i32
    %dma_start3A_88 = tpu.memref_slice %arg2[%dma_start3A_86, %dma_start3A_87] : memref<10000x128xf32, #tpu.memory_space<hbm>> -> memref<10000x128xf32, #tpu.memory_space<hbm>>
    tpu.enqueue_indirect_dma source(%dma_start3A_88 : memref<10000x128xf32, #tpu.memory_space<hbm>>) target(%dma_start3A_83 : memref<64x128xf32, #tpu.memory_space<vmem>>) offsets(%dma_start3A_85 : memref<64xi32, #tpu.memory_space<vmem>>) semaphore(%arg14 : memref<!tpu.dma_semaphore, #tpu.memory_space<semaphore_mem>>)
    %dma_start3A_89 = arith.constant 128 : i32
    %dma_start3A_90 = arith.constant 0 : i32
    %dma_start3A_91 = tpu.memref_slice %arg11[%dma_start3A_89, %dma_start3A_90] : memref<256x128xf32, #tpu.memory_space<vmem>> -> memref<64x128xf32, #tpu.memory_space<vmem>>
    %dma_start3A_92 = arith.constant 128 : i32
    %dma_start3A_93 = tpu.memref_slice %arg8[%dma_start3A_92] : memref<5120xi32, #tpu.memory_space<vmem>> -> memref<64xi32, #tpu.memory_space<vmem>>
    %dma_start3A_94 = arith.constant 0 : i32
    %dma_start3A_95 = arith.constant 0 : i32
    %dma_start3A_96 = tpu.memref_slice %arg2[%dma_start3A_94, %dma_start3A_95] : memref<10000x128xf32, #tpu.memory_space<hbm>> -> memref<10000x128xf32, #tpu.memory_space<hbm>>
    tpu.enqueue_indirect_dma source(%dma_start3A_96 : memref<10000x128xf32, #tpu.memory_space<hbm>>) target(%dma_start3A_91 : memref<64x128xf32, #tpu.memory_space<vmem>>) offsets(%dma_start3A_93 : memref<64xi32, #tpu.memory_space<vmem>>) semaphore(%arg14 : memref<!tpu.dma_semaphore, #tpu.memory_space<semaphore_mem>>)
    %scan3A_97 = arith.constant 0 : i32
    %scan3A_98 = arith.constant 0 : i32
    %scan3A_99 = arith.constant 80 : i32
    %scan3A_100 = arith.addi %scan3A_98, %scan3A_99 : i32
    %scan3A_101 = arith.constant 1 : i32
    %scan3A_102 = scf.for %scan3A_130 = %scan3A_98 to %scan3A_100 step %scan3A_101 iter_args(%scan3A_131 = %scan3A_97) -> (i32)  : i32 {
      %jit3A_132 = arith.constant 4 : i32
      %eq3A_133 = arith.constant 0 : i32
      %eq3A_134 = arith.cmpi eq, %jit3A_132, %eq3A_133 : i32
      %jit3A_135 = arith.constant 1 : i32
      %select_n3A_136 = arith.select %eq3A_134, %jit3A_135, %jit3A_132 : i32
      %rem3A = arith.remsi %scan3A_130, %select_n3A_136 : i32
      %ne3A = arith.constant 0 : i32
      %ne3A_137 = arith.cmpi ne, %rem3A, %ne3A : i32
      %lt3A = arith.constant 0 : i32
      %lt3A_138 = arith.cmpi slt, %rem3A, %lt3A : i32
      %lt3A_139 = arith.constant 0 : i32
      %lt3A_140 = arith.cmpi slt, %select_n3A_136, %lt3A_139 : i32
      %ne3A_141 = arith.xori %lt3A_138, %lt3A_140 : i1
      %and3A = arith.andi %ne3A_141, %ne3A_137 : i1
      %add3A_142 = arith.addi %rem3A, %select_n3A_136 : i32
      %select_n3A_143 = arith.select %and3A, %add3A_142, %rem3A : i32
      %mul3A_144 = arith.constant 64 : i32
      %mul3A_145 = arith.muli %select_n3A_143, %mul3A_144 : i32
      %jit3A_146 = arith.constant 4 : i32
      %eq3A_147 = arith.constant 0 : i32
      %eq3A_148 = arith.cmpi eq, %jit3A_146, %eq3A_147 : i32
      %jit3A_149 = arith.constant 1 : i32
      %select_n3A_150 = arith.select %eq3A_148, %jit3A_149, %jit3A_146 : i32
      %rem3A_151 = arith.remsi %scan3A_130, %select_n3A_150 : i32
      %ne3A_152 = arith.constant 0 : i32
      %ne3A_153 = arith.cmpi ne, %rem3A_151, %ne3A_152 : i32
      %lt3A_154 = arith.constant 0 : i32
      %lt3A_155 = arith.cmpi slt, %rem3A_151, %lt3A_154 : i32
      %lt3A_156 = arith.constant 0 : i32
      %lt3A_157 = arith.cmpi slt, %select_n3A_150, %lt3A_156 : i32
      %ne3A_158 = arith.xori %lt3A_155, %lt3A_157 : i1
      %and3A_159 = arith.andi %ne3A_158, %ne3A_153 : i1
      %add3A_160 = arith.addi %rem3A_151, %select_n3A_150 : i32
      %select_n3A_161 = arith.select %and3A_159, %add3A_160, %rem3A_151 : i32
      %mul3A_162 = arith.constant 64 : i32
      %mul3A_163 = arith.muli %select_n3A_161, %mul3A_162 : i32
      %mul3A_164 = arith.constant 64 : i32
      %mul3A_165 = arith.muli %scan3A_130, %mul3A_164 : i32
      %dma_wait3A_166 = arith.constant 0 : i32
      %dma_wait3A_167 = tpu.memref_slice %arg11[%mul3A_163, %dma_wait3A_166] : memref<256x128xf32, #tpu.memory_space<vmem>> -> memref<64x128xf32, #tpu.memory_space<vmem>>
      %dma_wait3A_168 = tpu.memref_slice %arg8[%mul3A_165] : memref<5120xi32, #tpu.memory_space<vmem>> -> memref<64xi32, #tpu.memory_space<vmem>>
      %dma_wait3A_169 = arith.constant 0 : i32
      %dma_wait3A_170 = arith.constant 0 : i32
      %dma_wait3A_171 = tpu.memref_slice %arg2[%dma_wait3A_169, %dma_wait3A_170] : memref<10000x128xf32, #tpu.memory_space<hbm>> -> memref<10000x128xf32, #tpu.memory_space<hbm>>
      tpu.wait_indirect_dma semaphore(%arg14 : memref<!tpu.dma_semaphore, #tpu.memory_space<semaphore_mem>>) src(%dma_wait3A_171 : memref<10000x128xf32, #tpu.memory_space<hbm>>) dst(%dma_wait3A_167 : memref<64x128xf32, #tpu.memory_space<vmem>>)
      %mul3A_172 = arith.constant 64 : i32
      %mul3A_173 = arith.muli %scan3A_130, %mul3A_172 : i32
      %add3A_174 = arith.constant 0 : i32
      %add3A_175 = arith.addi %mul3A_173, %add3A_174 : i32
      %get3A_176 = arith.index_cast %add3A_175 : i32 to index
      %get3A_177 = tpu.vector_load %arg10[%get3A_176] {strides = array<i32>} : memref<5120xf32, #tpu.memory_space<vmem>>, vector<16xf32>,
      %get3A_178 = vector.shape_cast %get3A_177 : vector<16xf32> to vector<16xf32>
      %mul3A_179 = arith.mulf %get3A_178, %get3A_27 : vector<16xf32>
      %scan3A_180 = arith.constant 0 : i32
      %scan3A_181 = arith.constant 0 : i32
      %scan3A_182 = arith.constant 8 : i32
      %scan3A_183 = arith.addi %scan3A_181, %scan3A_182 : i32
      %scan3A_184 = arith.constant 1 : i32
      %scan3A_185 = scf.for %scan3A_268 = %scan3A_181 to %scan3A_183 step %scan3A_184 iter_args(%scan3A_269 = %scan3A_180) -> (i32)  : i32 {
        %mul3A_270 = arith.constant 2 : i32
        %mul3A_271 = arith.muli %scan3A_268, %mul3A_270 : i32
        %add3A_272 = arith.constant 0 : i32
        %add3A_273 = arith.addi %mul3A_271, %add3A_272 : i32
        %add3A_274 = arith.constant 0 : i32
        %add3A_275 = arith.addi %mul3A_145, %add3A_274 : i32
        %add3A_276 = arith.addi %add3A_275, %add3A_273 : i32
        %broadcast_in_dim3A_277 = vector.broadcast %add3A_273 : i32 to vector<16x1xi32>
        %gather3A = vector.shape_cast %broadcast_in_dim3A_277 : vector<16x1xi32> to vector<16xi32>
        %gather3A_278 = tpu.dynamic_gather %mul3A_179[%gather3A] in [0] : vector<16xf32>, vector<16xi32> -> vector<16xf32>
        %get3A_279 = arith.index_cast %add3A_276 : i32 to index
        %get3A_280 = arith.constant 0 : index
        %get3A_281 = tpu.vector_load %arg11[%get3A_279, %get3A_280] {strides = array<i32>} : memref<256x128xf32, #tpu.memory_space<vmem>>, vector<1x16xf32>,
        %get3A_282 = vector.shape_cast %get3A_281 : vector<1x16xf32> to vector<16xf32>
        %mul3A_283 = arith.mulf %get3A_282, %gather3A_278 : vector<16xf32>
        %swap3A = arith.index_cast %add3A_276 : i32 to index
        %swap3A_284 = arith.constant 0 : index
        %swap3A_285 = tpu.vector_load %arg11[%swap3A, %swap3A_284] {strides = array<i32>} : memref<256x128xf32, #tpu.memory_space<vmem>>, vector<1x16xf32>,
        %swap3A_286 = vector.shape_cast %swap3A_285 : vector<1x16xf32> to vector<16xf32>
        %swap3A_287 = vector.shape_cast %mul3A_283 : vector<16xf32> to vector<1x16xf32>
        tpu.vector_store %arg11[%swap3A, %swap3A_284], %swap3A_287 {strides = array<i32>} : memref<256x128xf32, #tpu.memory_space<vmem>>, vector<1x16xf32>,
        %get3A_288 = arith.index_cast %add3A_276 : i32 to index
        %get3A_289 = arith.constant 16 : index
        %get3A_290 = tpu.vector_load %arg11[%get3A_288, %get3A_289] {strides = array<i32>} : memref<256x128xf32, #tpu.memory_space<vmem>>, vector<1x16xf32>,
        %get3A_291 = vector.shape_cast %get3A_290 : vector<1x16xf32> to vector<16xf32>
        %mul3A_292 = arith.mulf %get3A_291, %gather3A_278 : vector<16xf32>
        %swap3A_293 = arith.index_cast %add3A_276 : i32 to index
        %swap3A_294 = arith.constant 16 : index
        %swap3A_295 = tpu.vector_load %arg11[%swap3A_293, %swap3A_294] {strides = array<i32>} : memref<256x128xf32, #tpu.memory_space<vmem>>, vector<1x16xf32>,
        %swap3A_296 = vector.shape_cast %swap3A_295 : vector<1x16xf32> to vector<16xf32>
        %swap3A_297 = vector.shape_cast %mul3A_292 : vector<16xf32> to vector<1x16xf32>
        tpu.vector_store %arg11[%swap3A_293, %swap3A_294], %swap3A_297 {strides = array<i32>} : memref<256x128xf32, #tpu.memory_space<vmem>>, vector<1x16xf32>,
        %get3A_298 = arith.index_cast %add3A_276 : i32 to index
        %get3A_299 = arith.constant 32 : index
        %get3A_300 = tpu.vector_load %arg11[%get3A_298, %get3A_299] {strides = array<i32>} : memref<256x128xf32, #tpu.memory_space<vmem>>, vector<1x16xf32>,
        %get3A_301 = vector.shape_cast %get3A_300 : vector<1x16xf32> to vector<16xf32>
        %mul3A_302 = arith.mulf %get3A_301, %gather3A_278 : vector<16xf32>
        %swap3A_303 = arith.index_cast %add3A_276 : i32 to index
        %swap3A_304 = arith.constant 32 : index
        %swap3A_305 = tpu.vector_load %arg11[%swap3A_303, %swap3A_304] {strides = array<i32>} : memref<256x128xf32, #tpu.memory_space<vmem>>, vector<1x16xf32>,
        %swap3A_306 = vector.shape_cast %swap3A_305 : vector<1x16xf32> to vector<16xf32>
        %swap3A_307 = vector.shape_cast %mul3A_302 : vector<16xf32> to vector<1x16xf32>
        tpu.vector_store %arg11[%swap3A_303, %swap3A_304], %swap3A_307 {strides = array<i32>} : memref<256x128xf32, #tpu.memory_space<vmem>>, vector<1x16xf32>,
        %get3A_308 = arith.index_cast %add3A_276 : i32 to index
        %get3A_309 = arith.constant 48 : index
        %get3A_310 = tpu.vector_load %arg11[%get3A_308, %get3A_309] {strides = array<i32>} : memref<256x128xf32, #tpu.memory_space<vmem>>, vector<1x16xf32>,
        %get3A_311 = vector.shape_cast %get3A_310 : vector<1x16xf32> to vector<16xf32>
        %mul3A_312 = arith.mulf %get3A_311, %gather3A_278 : vector<16xf32>
        %swap3A_313 = arith.index_cast %add3A_276 : i32 to index
        %swap3A_314 = arith.constant 48 : index
        %swap3A_315 = tpu.vector_load %arg11[%swap3A_313, %swap3A_314] {strides = array<i32>} : memref<256x128xf32, #tpu.memory_space<vmem>>, vector<1x16xf32>,
        %swap3A_316 = vector.shape_cast %swap3A_315 : vector<1x16xf32> to vector<16xf32>
        %swap3A_317 = vector.shape_cast %mul3A_312 : vector<16xf32> to vector<1x16xf32>
        tpu.vector_store %arg11[%swap3A_313, %swap3A_314], %swap3A_317 {strides = array<i32>} : memref<256x128xf32, #tpu.memory_space<vmem>>, vector<1x16xf32>,
        %get3A_318 = arith.index_cast %add3A_276 : i32 to index
        %get3A_319 = arith.constant 64 : index
        %get3A_320 = tpu.vector_load %arg11[%get3A_318, %get3A_319] {strides = array<i32>} : memref<256x128xf32, #tpu.memory_space<vmem>>, vector<1x16xf32>,
        %get3A_321 = vector.shape_cast %get3A_320 : vector<1x16xf32> to vector<16xf32>
        %mul3A_322 = arith.mulf %get3A_321, %gather3A_278 : vector<16xf32>
        %swap3A_323 = arith.index_cast %add3A_276 : i32 to index
        %swap3A_324 = arith.constant 64 : index
        %swap3A_325 = tpu.vector_load %arg11[%swap3A_323, %swap3A_324] {strides = array<i32>} : memref<256x128xf32, #tpu.memory_space<vmem>>, vector<1x16xf32>,
        %swap3A_326 = vector.shape_cast %swap3A_325 : vector<1x16xf32> to vector<16xf32>
        %swap3A_327 = vector.shape_cast %mul3A_322 : vector<16xf32> to vector<1x16xf32>
        tpu.vector_store %arg11[%swap3A_323, %swap3A_324], %swap3A_327 {strides = array<i32>} : memref<256x128xf32, #tpu.memory_space<vmem>>, vector<1x16xf32>,
        %get3A_328 = arith.index_cast %add3A_276 : i32 to index
        %get3A_329 = arith.constant 80 : index
        %get3A_330 = tpu.vector_load %arg11[%get3A_328, %get3A_329] {strides = array<i32>} : memref<256x128xf32, #tpu.memory_space<vmem>>, vector<1x16xf32>,
        %get3A_331 = vector.shape_cast %get3A_330 : vector<1x16xf32> to vector<16xf32>
        %mul3A_332 = arith.mulf %get3A_331, %gather3A_278 : vector<16xf32>
        %swap3A_333 = arith.index_cast %add3A_276 : i32 to index
        %swap3A_334 = arith.constant 80 : index
        %swap3A_335 = tpu.vector_load %arg11[%swap3A_333, %swap3A_334] {strides = array<i32>} : memref<256x128xf32, #tpu.memory_space<vmem>>, vector<1x16xf32>,
        %swap3A_336 = vector.shape_cast %swap3A_335 : vector<1x16xf32> to vector<16xf32>
        %swap3A_337 = vector.shape_cast %mul3A_332 : vector<16xf32> to vector<1x16xf32>
        tpu.vector_store %arg11[%swap3A_333, %swap3A_334], %swap3A_337 {strides = array<i32>} : memref<256x128xf32, #tpu.memory_space<vmem>>, vector<1x16xf32>,
        %get3A_338 = arith.index_cast %add3A_276 : i32 to index
        %get3A_339 = arith.constant 96 : index
        %get3A_340 = tpu.vector_load %arg11[%get3A_338, %get3A_339] {strides = array<i32>} : memref<256x128xf32, #tpu.memory_space<vmem>>, vector<1x16xf32>,
        %get3A_341 = vector.shape_cast %get3A_340 : vector<1x16xf32> to vector<16xf32>
        %mul3A_342 = arith.mulf %get3A_341, %gather3A_278 : vector<16xf32>
        %swap3A_343 = arith.index_cast %add3A_276 : i32 to index
        %swap3A_344 = arith.constant 96 : index
        %swap3A_345 = tpu.vector_load %arg11[%swap3A_343, %swap3A_344] {strides = array<i32>} : memref<256x128xf32, #tpu.memory_space<vmem>>, vector<1x16xf32>,
        %swap3A_346 = vector.shape_cast %swap3A_345 : vector<1x16xf32> to vector<16xf32>
        %swap3A_347 = vector.shape_cast %mul3A_342 : vector<16xf32> to vector<1x16xf32>
        tpu.vector_store %arg11[%swap3A_343, %swap3A_344], %swap3A_347 {strides = array<i32>} : memref<256x128xf32, #tpu.memory_space<vmem>>, vector<1x16xf32>,
        %get3A_348 = arith.index_cast %add3A_276 : i32 to index
        %get3A_349 = arith.constant 112 : index
        %get3A_350 = tpu.vector_load %arg11[%get3A_348, %get3A_349] {strides = array<i32>} : memref<256x128xf32, #tpu.memory_space<vmem>>, vector<1x16xf32>,
        %get3A_351 = vector.shape_cast %get3A_350 : vector<1x16xf32> to vector<16xf32>
        %mul3A_352 = arith.mulf %get3A_351, %gather3A_278 : vector<16xf32>
        %swap3A_353 = arith.index_cast %add3A_276 : i32 to index
        %swap3A_354 = arith.constant 112 : index
        %swap3A_355 = tpu.vector_load %arg11[%swap3A_353, %swap3A_354] {strides = array<i32>} : memref<256x128xf32, #tpu.memory_space<vmem>>, vector<1x16xf32>,
        %swap3A_356 = vector.shape_cast %swap3A_355 : vector<1x16xf32> to vector<16xf32>
        %swap3A_357 = vector.shape_cast %mul3A_352 : vector<16xf32> to vector<1x16xf32>
        tpu.vector_store %arg11[%swap3A_353, %swap3A_354], %swap3A_357 {strides = array<i32>} : memref<256x128xf32, #tpu.memory_space<vmem>>, vector<1x16xf32>,
        %mul3A_358 = arith.constant 2 : i32
        %mul3A_359 = arith.muli %scan3A_268, %mul3A_358 : i32
        %add3A_360 = arith.constant 1 : i32
        %add3A_361 = arith.addi %mul3A_359, %add3A_360 : i32
        %add3A_362 = arith.constant 0 : i32
        %add3A_363 = arith.addi %mul3A_145, %add3A_362 : i32
        %add3A_364 = arith.addi %add3A_363, %add3A_361 : i32
        %broadcast_in_dim3A_365 = vector.broadcast %add3A_361 : i32 to vector<16x1xi32>
        %gather3A_366 = vector.shape_cast %broadcast_in_dim3A_365 : vector<16x1xi32> to vector<16xi32>
        %gather3A_367 = tpu.dynamic_gather %mul3A_179[%gather3A_366] in [0] : vector<16xf32>, vector<16xi32> -> vector<16xf32>
        %get3A_368 = arith.index_cast %add3A_364 : i32 to index
        %get3A_369 = arith.constant 0 : index
        %get3A_370 = tpu.vector_load %arg11[%get3A_368, %get3A_369] {strides = array<i32>} : memref<256x128xf32, #tpu.memory_space<vmem>>, vector<1x16xf32>,
        %get3A_371 = vector.shape_cast %get3A_370 : vector<1x16xf32> to vector<16xf32>
        %mul3A_372 = arith.mulf %get3A_371, %gather3A_367 : vector<16xf32>
        %swap3A_373 = arith.index_cast %add3A_364 : i32 to index
        %swap3A_374 = arith.constant 0 : index
        %swap3A_375 = tpu.vector_load %arg11[%swap3A_373, %swap3A_374] {strides = array<i32>} : memref<256x128xf32, #tpu.memory_space<vmem>>, vector<1x16xf32>,
        %swap3A_376 = vector.shape_cast %swap3A_375 : vector<1x16xf32> to vector<16xf32>
        %swap3A_377 = vector.shape_cast %mul3A_372 : vector<16xf32> to vector<1x16xf32>
        tpu.vector_store %arg11[%swap3A_373, %swap3A_374], %swap3A_377 {strides = array<i32>} : memref<256x128xf32, #tpu.memory_space<vmem>>, vector<1x16xf32>,
        %get3A_378 = arith.index_cast %add3A_364 : i32 to index
        %get3A_379 = arith.constant 16 : index
        %get3A_380 = tpu.vector_load %arg11[%get3A_378, %get3A_379] {strides = array<i32>} : memref<256x128xf32, #tpu.memory_space<vmem>>, vector<1x16xf32>,
        %get3A_381 = vector.shape_cast %get3A_380 : vector<1x16xf32> to vector<16xf32>
        %mul3A_382 = arith.mulf %get3A_381, %gather3A_367 : vector<16xf32>
        %swap3A_383 = arith.index_cast %add3A_364 : i32 to index
        %swap3A_384 = arith.constant 16 : index
        %swap3A_385 = tpu.vector_load %arg11[%swap3A_383, %swap3A_384] {strides = array<i32>} : memref<256x128xf32, #tpu.memory_space<vmem>>, vector<1x16xf32>,
        %swap3A_386 = vector.shape_cast %swap3A_385 : vector<1x16xf32> to vector<16xf32>
        %swap3A_387 = vector.shape_cast %mul3A_382 : vector<16xf32> to vector<1x16xf32>
        tpu.vector_store %arg11[%swap3A_383, %swap3A_384], %swap3A_387 {strides = array<i32>} : memref<256x128xf32, #tpu.memory_space<vmem>>, vector<1x16xf32>,
        %get3A_388 = arith.index_cast %add3A_364 : i32 to index
        %get3A_389 = arith.constant 32 : index
        %get3A_390 = tpu.vector_load %arg11[%get3A_388, %get3A_389] {strides = array<i32>} : memref<256x128xf32, #tpu.memory_space<vmem>>, vector<1x16xf32>,
        %get3A_391 = vector.shape_cast %get3A_390 : vector<1x16xf32> to vector<16xf32>
        %mul3A_392 = arith.mulf %get3A_391, %gather3A_367 : vector<16xf32>
        %swap3A_393 = arith.index_cast %add3A_364 : i32 to index
        %swap3A_394 = arith.constant 32 : index
        %swap3A_395 = tpu.vector_load %arg11[%swap3A_393, %swap3A_394] {strides = array<i32>} : memref<256x128xf32, #tpu.memory_space<vmem>>, vector<1x16xf32>,
        %swap3A_396 = vector.shape_cast %swap3A_395 : vector<1x16xf32> to vector<16xf32>
        %swap3A_397 = vector.shape_cast %mul3A_392 : vector<16xf32> to vector<1x16xf32>
        tpu.vector_store %arg11[%swap3A_393, %swap3A_394], %swap3A_397 {strides = array<i32>} : memref<256x128xf32, #tpu.memory_space<vmem>>, vector<1x16xf32>,
        %get3A_398 = arith.index_cast %add3A_364 : i32 to index
        %get3A_399 = arith.constant 48 : index
        %get3A_400 = tpu.vector_load %arg11[%get3A_398, %get3A_399] {strides = array<i32>} : memref<256x128xf32, #tpu.memory_space<vmem>>, vector<1x16xf32>,
        %get3A_401 = vector.shape_cast %get3A_400 : vector<1x16xf32> to vector<16xf32>
        %mul3A_402 = arith.mulf %get3A_401, %gather3A_367 : vector<16xf32>
        %swap3A_403 = arith.index_cast %add3A_364 : i32 to index
        %swap3A_404 = arith.constant 48 : index
        %swap3A_405 = tpu.vector_load %arg11[%swap3A_403, %swap3A_404] {strides = array<i32>} : memref<256x128xf32, #tpu.memory_space<vmem>>, vector<1x16xf32>,
        %swap3A_406 = vector.shape_cast %swap3A_405 : vector<1x16xf32> to vector<16xf32>
        %swap3A_407 = vector.shape_cast %mul3A_402 : vector<16xf32> to vector<1x16xf32>
        tpu.vector_store %arg11[%swap3A_403, %swap3A_404], %swap3A_407 {strides = array<i32>} : memref<256x128xf32, #tpu.memory_space<vmem>>, vector<1x16xf32>,
        %get3A_408 = arith.index_cast %add3A_364 : i32 to index
        %get3A_409 = arith.constant 64 : index
        %get3A_410 = tpu.vector_load %arg11[%get3A_408, %get3A_409] {strides = array<i32>} : memref<256x128xf32, #tpu.memory_space<vmem>>, vector<1x16xf32>,
        %get3A_411 = vector.shape_cast %get3A_410 : vector<1x16xf32> to vector<16xf32>
        %mul3A_412 = arith.mulf %get3A_411, %gather3A_367 : vector<16xf32>
        %swap3A_413 = arith.index_cast %add3A_364 : i32 to index
        %swap3A_414 = arith.constant 64 : index
        %swap3A_415 = tpu.vector_load %arg11[%swap3A_413, %swap3A_414] {strides = array<i32>} : memref<256x128xf32, #tpu.memory_space<vmem>>, vector<1x16xf32>,
        %swap3A_416 = vector.shape_cast %swap3A_415 : vector<1x16xf32> to vector<16xf32>
        %swap3A_417 = vector.shape_cast %mul3A_412 : vector<16xf32> to vector<1x16xf32>
        tpu.vector_store %arg11[%swap3A_413, %swap3A_414], %swap3A_417 {strides = array<i32>} : memref<256x128xf32, #tpu.memory_space<vmem>>, vector<1x16xf32>,
        %get3A_418 = arith.index_cast %add3A_364 : i32 to index
        %get3A_419 = arith.constant 80 : index
        %get3A_420 = tpu.vector_load %arg11[%get3A_418, %get3A_419] {strides = array<i32>} : memref<256x128xf32, #tpu.memory_space<vmem>>, vector<1x16xf32>,
        %get3A_421 = vector.shape_cast %get3A_420 : vector<1x16xf32> to vector<16xf32>
        %mul3A_422 = arith.mulf %get3A_421, %gather3A_367 : vector<16xf32>
        %swap3A_423 = arith.index_cast %add3A_364 : i32 to index
        %swap3A_424 = arith.constant 80 : index
        %swap3A_425 = tpu.vector_load %arg11[%swap3A_423, %swap3A_424] {strides = array<i32>} : memref<256x128xf32, #tpu.memory_space<vmem>>, vector<1x16xf32>,
        %swap3A_426 = vector.shape_cast %swap3A_425 : vector<1x16xf32> to vector<16xf32>
        %swap3A_427 = vector.shape_cast %mul3A_422 : vector<16xf32> to vector<1x16xf32>
        tpu.vector_store %arg11[%swap3A_423, %swap3A_424], %swap3A_427 {strides = array<i32>} : memref<256x128xf32, #tpu.memory_space<vmem>>, vector<1x16xf32>,
        %get3A_428 = arith.index_cast %add3A_364 : i32 to index
        %get3A_429 = arith.constant 96 : index
        %get3A_430 = tpu.vector_load %arg11[%get3A_428, %get3A_429] {strides = array<i32>} : memref<256x128xf32, #tpu.memory_space<vmem>>, vector<1x16xf32>,
        %get3A_431 = vector.shape_cast %get3A_430 : vector<1x16xf32> to vector<16xf32>
        %mul3A_432 = arith.mulf %get3A_431, %gather3A_367 : vector<16xf32>
        %swap3A_433 = arith.index_cast %add3A_364 : i32 to index
        %swap3A_434 = arith.constant 96 : index
        %swap3A_435 = tpu.vector_load %arg11[%swap3A_433, %swap3A_434] {strides = array<i32>} : memref<256x128xf32, #tpu.memory_space<vmem>>, vector<1x16xf32>,
        %swap3A_436 = vector.shape_cast %swap3A_435 : vector<1x16xf32> to vector<16xf32>
        %swap3A_437 = vector.shape_cast %mul3A_432 : vector<16xf32> to vector<1x16xf32>
        tpu.vector_store %arg11[%swap3A_433, %swap3A_434], %swap3A_437 {strides = array<i32>} : memref<256x128xf32, #tpu.memory_space<vmem>>, vector<1x16xf32>,
        %get3A_438 = arith.index_cast %add3A_364 : i32 to index
        %get3A_439 = arith.constant 112 : index
        %get3A_440 = tpu.vector_load %arg11[%get3A_438, %get3A_439] {strides = array<i32>} : memref<256x128xf32, #tpu.memory_space<vmem>>, vector<1x16xf32>,
        %get3A_441 = vector.shape_cast %get3A_440 : vector<1x16xf32> to vector<16xf32>
        %mul3A_442 = arith.mulf %get3A_441, %gather3A_367 : vector<16xf32>
        %swap3A_443 = arith.index_cast %add3A_364 : i32 to index
        %swap3A_444 = arith.constant 112 : index
        %swap3A_445 = tpu.vector_load %arg11[%swap3A_443, %swap3A_444] {strides = array<i32>} : memref<256x128xf32, #tpu.memory_space<vmem>>, vector<1x16xf32>,
        %swap3A_446 = vector.shape_cast %swap3A_445 : vector<1x16xf32> to vector<16xf32>
        %swap3A_447 = vector.shape_cast %mul3A_442 : vector<16xf32> to vector<1x16xf32>
        tpu.vector_store %arg11[%swap3A_443, %swap3A_444], %swap3A_447 {strides = array<i32>} : memref<256x128xf32, #tpu.memory_space<vmem>>, vector<1x16xf32>,
        %scan3A_448 = arith.constant 0 : i32
        scf.yield %scan3A_448 : i32
      }
      %scan3A_186 = arith.constant 8 : i32
      %mul3A_187 = arith.constant 64 : i32
      %mul3A_188 = arith.muli %scan3A_130, %mul3A_187 : i32
      %add3A_189 = arith.constant 16 : i32
      %add3A_190 = arith.addi %mul3A_188, %add3A_189 : i32
      %get3A_191 = arith.index_cast %add3A_190 : i32 to index
      %get3A_192 = tpu.vector_load %arg10[%get3A_191] {strides = array<i32>} : memref<5120xf32, #tpu.memory_space<vmem>>, vector<16xf32>,
      %get3A_193 = vector.shape_cast %get3A_192 : vector<16xf32> to vector<16xf32>
      %mul3A_194 = arith.mulf %get3A_193, %get3A_27 : vector<16xf32>
      %scan3A_195 = arith.constant 0 : i32
      %scan3A_196 = arith.constant 0 : i32
      %scan3A_197 = arith.constant 8 : i32
      %scan3A_198 = arith.addi %scan3A_196, %scan3A_197 : i32
      %scan3A_199 = arith.constant 1 : i32
      %scan3A_200 = scf.for %scan3A_268 = %scan3A_196 to %scan3A_198 step %scan3A_199 iter_args(%scan3A_269 = %scan3A_195) -> (i32)  : i32 {
        %mul3A_270 = arith.constant 2 : i32
        %mul3A_271 = arith.muli %scan3A_268, %mul3A_270 : i32
        %add3A_272 = arith.constant 0 : i32
        %add3A_273 = arith.addi %mul3A_271, %add3A_272 : i32
        %add3A_274 = arith.constant 16 : i32
        %add3A_275 = arith.addi %mul3A_145, %add3A_274 : i32
        %add3A_276 = arith.addi %add3A_275, %add3A_273 : i32
        %broadcast_in_dim3A_277 = vector.broadcast %add3A_273 : i32 to vector<16x1xi32>
        %gather3A = vector.shape_cast %broadcast_in_dim3A_277 : vector<16x1xi32> to vector<16xi32>
        %gather3A_278 = tpu.dynamic_gather %mul3A_194[%gather3A] in [0] : vector<16xf32>, vector<16xi32> -> vector<16xf32>
        %get3A_279 = arith.index_cast %add3A_276 : i32 to index
        %get3A_280 = arith.constant 0 : index
        %get3A_281 = tpu.vector_load %arg11[%get3A_279, %get3A_280] {strides = array<i32>} : memref<256x128xf32, #tpu.memory_space<vmem>>, vector<1x16xf32>,
        %get3A_282 = vector.shape_cast %get3A_281 : vector<1x16xf32> to vector<16xf32>
        %mul3A_283 = arith.mulf %get3A_282, %gather3A_278 : vector<16xf32>
        %swap3A = arith.index_cast %add3A_276 : i32 to index
        %swap3A_284 = arith.constant 0 : index
        %swap3A_285 = tpu.vector_load %arg11[%swap3A, %swap3A_284] {strides = array<i32>} : memref<256x128xf32, #tpu.memory_space<vmem>>, vector<1x16xf32>,
        %swap3A_286 = vector.shape_cast %swap3A_285 : vector<1x16xf32> to vector<16xf32>
        %swap3A_287 = vector.shape_cast %mul3A_283 : vector<16xf32> to vector<1x16xf32>
        tpu.vector_store %arg11[%swap3A, %swap3A_284], %swap3A_287 {strides = array<i32>} : memref<256x128xf32, #tpu.memory_space<vmem>>, vector<1x16xf32>,
        %get3A_288 = arith.index_cast %add3A_276 : i32 to index
        %get3A_289 = arith.constant 16 : index
        %get3A_290 = tpu.vector_load %arg11[%get3A_288, %get3A_289] {strides = array<i32>} : memref<256x128xf32, #tpu.memory_space<vmem>>, vector<1x16xf32>,
        %get3A_291 = vector.shape_cast %get3A_290 : vector<1x16xf32> to vector<16xf32>
        %mul3A_292 = arith.mulf %get3A_291, %gather3A_278 : vector<16xf32>
        %swap3A_293 = arith.index_cast %add3A_276 : i32 to index
        %swap3A_294 = arith.constant 16 : index
        %swap3A_295 = tpu.vector_load %arg11[%swap3A_293, %swap3A_294] {strides = array<i32>} : memref<256x128xf32, #tpu.memory_space<vmem>>, vector<1x16xf32>,
        %swap3A_296 = vector.shape_cast %swap3A_295 : vector<1x16xf32> to vector<16xf32>
        %swap3A_297 = vector.shape_cast %mul3A_292 : vector<16xf32> to vector<1x16xf32>
        tpu.vector_store %arg11[%swap3A_293, %swap3A_294], %swap3A_297 {strides = array<i32>} : memref<256x128xf32, #tpu.memory_space<vmem>>, vector<1x16xf32>,
        %get3A_298 = arith.index_cast %add3A_276 : i32 to index
        %get3A_299 = arith.constant 32 : index
        %get3A_300 = tpu.vector_load %arg11[%get3A_298, %get3A_299] {strides = array<i32>} : memref<256x128xf32, #tpu.memory_space<vmem>>, vector<1x16xf32>,
        %get3A_301 = vector.shape_cast %get3A_300 : vector<1x16xf32> to vector<16xf32>
        %mul3A_302 = arith.mulf %get3A_301, %gather3A_278 : vector<16xf32>
        %swap3A_303 = arith.index_cast %add3A_276 : i32 to index
        %swap3A_304 = arith.constant 32 : index
        %swap3A_305 = tpu.vector_load %arg11[%swap3A_303, %swap3A_304] {strides = array<i32>} : memref<256x128xf32, #tpu.memory_space<vmem>>, vector<1x16xf32>,
        %swap3A_306 = vector.shape_cast %swap3A_305 : vector<1x16xf32> to vector<16xf32>
        %swap3A_307 = vector.shape_cast %mul3A_302 : vector<16xf32> to vector<1x16xf32>
        tpu.vector_store %arg11[%swap3A_303, %swap3A_304], %swap3A_307 {strides = array<i32>} : memref<256x128xf32, #tpu.memory_space<vmem>>, vector<1x16xf32>,
        %get3A_308 = arith.index_cast %add3A_276 : i32 to index
        %get3A_309 = arith.constant 48 : index
        %get3A_310 = tpu.vector_load %arg11[%get3A_308, %get3A_309] {strides = array<i32>} : memref<256x128xf32, #tpu.memory_space<vmem>>, vector<1x16xf32>,
        %get3A_311 = vector.shape_cast %get3A_310 : vector<1x16xf32> to vector<16xf32>
        %mul3A_312 = arith.mulf %get3A_311, %gather3A_278 : vector<16xf32>
        %swap3A_313 = arith.index_cast %add3A_276 : i32 to index
        %swap3A_314 = arith.constant 48 : index
        %swap3A_315 = tpu.vector_load %arg11[%swap3A_313, %swap3A_314] {strides = array<i32>} : memref<256x128xf32, #tpu.memory_space<vmem>>, vector<1x16xf32>,
        %swap3A_316 = vector.shape_cast %swap3A_315 : vector<1x16xf32> to vector<16xf32>
        %swap3A_317 = vector.shape_cast %mul3A_312 : vector<16xf32> to vector<1x16xf32>
        tpu.vector_store %arg11[%swap3A_313, %swap3A_314], %swap3A_317 {strides = array<i32>} : memref<256x128xf32, #tpu.memory_space<vmem>>, vector<1x16xf32>,
        %get3A_318 = arith.index_cast %add3A_276 : i32 to index
        %get3A_319 = arith.constant 64 : index
        %get3A_320 = tpu.vector_load %arg11[%get3A_318, %get3A_319] {strides = array<i32>} : memref<256x128xf32, #tpu.memory_space<vmem>>, vector<1x16xf32>,
        %get3A_321 = vector.shape_cast %get3A_320 : vector<1x16xf32> to vector<16xf32>
        %mul3A_322 = arith.mulf %get3A_321, %gather3A_278 : vector<16xf32>
        %swap3A_323 = arith.index_cast %add3A_276 : i32 to index
        %swap3A_324 = arith.constant 64 : index
        %swap3A_325 = tpu.vector_load %arg11[%swap3A_323, %swap3A_324] {strides = array<i32>} : memref<256x128xf32, #tpu.memory_space<vmem>>, vector<1x16xf32>,
        %swap3A_326 = vector.shape_cast %swap3A_325 : vector<1x16xf32> to vector<16xf32>
        %swap3A_327 = vector.shape_cast %mul3A_322 : vector<16xf32> to vector<1x16xf32>
        tpu.vector_store %arg11[%swap3A_323, %swap3A_324], %swap3A_327 {strides = array<i32>} : memref<256x128xf32, #tpu.memory_space<vmem>>, vector<1x16xf32>,
        %get3A_328 = arith.index_cast %add3A_276 : i32 to index
        %get3A_329 = arith.constant 80 : index
        %get3A_330 = tpu.vector_load %arg11[%get3A_328, %get3A_329] {strides = array<i32>} : memref<256x128xf32, #tpu.memory_space<vmem>>, vector<1x16xf32>,
        %get3A_331 = vector.shape_cast %get3A_330 : vector<1x16xf32> to vector<16xf32>
        %mul3A_332 = arith.mulf %get3A_331, %gather3A_278 : vector<16xf32>
        %swap3A_333 = arith.index_cast %add3A_276 : i32 to index
        %swap3A_334 = arith.constant 80 : index
        %swap3A_335 = tpu.vector_load %arg11[%swap3A_333, %swap3A_334] {strides = array<i32>} : memref<256x128xf32, #tpu.memory_space<vmem>>, vector<1x16xf32>,
        %swap3A_336 = vector.shape_cast %swap3A_335 : vector<1x16xf32> to vector<16xf32>
        %swap3A_337 = vector.shape_cast %mul3A_332 : vector<16xf32> to vector<1x16xf32>
        tpu.vector_store %arg11[%swap3A_333, %swap3A_334], %swap3A_337 {strides = array<i32>} : memref<256x128xf32, #tpu.memory_space<vmem>>, vector<1x16xf32>,
        %get3A_338 = arith.index_cast %add3A_276 : i32 to index
        %get3A_339 = arith.constant 96 : index
        %get3A_340 = tpu.vector_load %arg11[%get3A_338, %get3A_339] {strides = array<i32>} : memref<256x128xf32, #tpu.memory_space<vmem>>, vector<1x16xf32>,
        %get3A_341 = vector.shape_cast %get3A_340 : vector<1x16xf32> to vector<16xf32>
        %mul3A_342 = arith.mulf %get3A_341, %gather3A_278 : vector<16xf32>
        %swap3A_343 = arith.index_cast %add3A_276 : i32 to index
        %swap3A_344 = arith.constant 96 : index
        %swap3A_345 = tpu.vector_load %arg11[%swap3A_343, %swap3A_344] {strides = array<i32>} : memref<256x128xf32, #tpu.memory_space<vmem>>, vector<1x16xf32>,
        %swap3A_346 = vector.shape_cast %swap3A_345 : vector<1x16xf32> to vector<16xf32>
        %swap3A_347 = vector.shape_cast %mul3A_342 : vector<16xf32> to vector<1x16xf32>
        tpu.vector_store %arg11[%swap3A_343, %swap3A_344], %swap3A_347 {strides = array<i32>} : memref<256x128xf32, #tpu.memory_space<vmem>>, vector<1x16xf32>,
        %get3A_348 = arith.index_cast %add3A_276 : i32 to index
        %get3A_349 = arith.constant 112 : index
        %get3A_350 = tpu.vector_load %arg11[%get3A_348, %get3A_349] {strides = array<i32>} : memref<256x128xf32, #tpu.memory_space<vmem>>, vector<1x16xf32>,
        %get3A_351 = vector.shape_cast %get3A_350 : vector<1x16xf32> to vector<16xf32>
        %mul3A_352 = arith.mulf %get3A_351, %gather3A_278 : vector<16xf32>
        %swap3A_353 = arith.index_cast %add3A_276 : i32 to index
        %swap3A_354 = arith.constant 112 : index
        %swap3A_355 = tpu.vector_load %arg11[%swap3A_353, %swap3A_354] {strides = array<i32>} : memref<256x128xf32, #tpu.memory_space<vmem>>, vector<1x16xf32>,
        %swap3A_356 = vector.shape_cast %swap3A_355 : vector<1x16xf32> to vector<16xf32>
        %swap3A_357 = vector.shape_cast %mul3A_352 : vector<16xf32> to vector<1x16xf32>
        tpu.vector_store %arg11[%swap3A_353, %swap3A_354], %swap3A_357 {strides = array<i32>} : memref<256x128xf32, #tpu.memory_space<vmem>>, vector<1x16xf32>,
        %mul3A_358 = arith.constant 2 : i32
        %mul3A_359 = arith.muli %scan3A_268, %mul3A_358 : i32
        %add3A_360 = arith.constant 1 : i32
        %add3A_361 = arith.addi %mul3A_359, %add3A_360 : i32
        %add3A_362 = arith.constant 16 : i32
        %add3A_363 = arith.addi %mul3A_145, %add3A_362 : i32
        %add3A_364 = arith.addi %add3A_363, %add3A_361 : i32
        %broadcast_in_dim3A_365 = vector.broadcast %add3A_361 : i32 to vector<16x1xi32>
        %gather3A_366 = vector.shape_cast %broadcast_in_dim3A_365 : vector<16x1xi32> to vector<16xi32>
        %gather3A_367 = tpu.dynamic_gather %mul3A_194[%gather3A_366] in [0] : vector<16xf32>, vector<16xi32> -> vector<16xf32>
        %get3A_368 = arith.index_cast %add3A_364 : i32 to index
        %get3A_369 = arith.constant 0 : index
        %get3A_370 = tpu.vector_load %arg11[%get3A_368, %get3A_369] {strides = array<i32>} : memref<256x128xf32, #tpu.memory_space<vmem>>, vector<1x16xf32>,
        %get3A_371 = vector.shape_cast %get3A_370 : vector<1x16xf32> to vector<16xf32>
        %mul3A_372 = arith.mulf %get3A_371, %gather3A_367 : vector<16xf32>
        %swap3A_373 = arith.index_cast %add3A_364 : i32 to index
        %swap3A_374 = arith.constant 0 : index
        %swap3A_375 = tpu.vector_load %arg11[%swap3A_373, %swap3A_374] {strides = array<i32>} : memref<256x128xf32, #tpu.memory_space<vmem>>, vector<1x16xf32>,
        %swap3A_376 = vector.shape_cast %swap3A_375 : vector<1x16xf32> to vector<16xf32>
        %swap3A_377 = vector.shape_cast %mul3A_372 : vector<16xf32> to vector<1x16xf32>
        tpu.vector_store %arg11[%swap3A_373, %swap3A_374], %swap3A_377 {strides = array<i32>} : memref<256x128xf32, #tpu.memory_space<vmem>>, vector<1x16xf32>,
        %get3A_378 = arith.index_cast %add3A_364 : i32 to index
        %get3A_379 = arith.constant 16 : index
        %get3A_380 = tpu.vector_load %arg11[%get3A_378, %get3A_379] {strides = array<i32>} : memref<256x128xf32, #tpu.memory_space<vmem>>, vector<1x16xf32>,
        %get3A_381 = vector.shape_cast %get3A_380 : vector<1x16xf32> to vector<16xf32>
        %mul3A_382 = arith.mulf %get3A_381, %gather3A_367 : vector<16xf32>
        %swap3A_383 = arith.index_cast %add3A_364 : i32 to index
        %swap3A_384 = arith.constant 16 : index
        %swap3A_385 = tpu.vector_load %arg11[%swap3A_383, %swap3A_384] {strides = array<i32>} : memref<256x128xf32, #tpu.memory_space<vmem>>, vector<1x16xf32>,
        %swap3A_386 = vector.shape_cast %swap3A_385 : vector<1x16xf32> to vector<16xf32>
        %swap3A_387 = vector.shape_cast %mul3A_382 : vector<16xf32> to vector<1x16xf32>
        tpu.vector_store %arg11[%swap3A_383, %swap3A_384], %swap3A_387 {strides = array<i32>} : memref<256x128xf32, #tpu.memory_space<vmem>>, vector<1x16xf32>,
        %get3A_388 = arith.index_cast %add3A_364 : i32 to index
        %get3A_389 = arith.constant 32 : index
        %get3A_390 = tpu.vector_load %arg11[%get3A_388, %get3A_389] {strides = array<i32>} : memref<256x128xf32, #tpu.memory_space<vmem>>, vector<1x16xf32>,
        %get3A_391 = vector.shape_cast %get3A_390 : vector<1x16xf32> to vector<16xf32>
        %mul3A_392 = arith.mulf %get3A_391, %gather3A_367 : vector<16xf32>
        %swap3A_393 = arith.index_cast %add3A_364 : i32 to index
        %swap3A_394 = arith.constant 32 : index
        %swap3A_395 = tpu.vector_load %arg11[%swap3A_393, %swap3A_394] {strides = array<i32>} : memref<256x128xf32, #tpu.memory_space<vmem>>, vector<1x16xf32>,
        %swap3A_396 = vector.shape_cast %swap3A_395 : vector<1x16xf32> to vector<16xf32>
        %swap3A_397 = vector.shape_cast %mul3A_392 : vector<16xf32> to vector<1x16xf32>
        tpu.vector_store %arg11[%swap3A_393, %swap3A_394], %swap3A_397 {strides = array<i32>} : memref<256x128xf32, #tpu.memory_space<vmem>>, vector<1x16xf32>,
        %get3A_398 = arith.index_cast %add3A_364 : i32 to index
        %get3A_399 = arith.constant 48 : index
        %get3A_400 = tpu.vector_load %arg11[%get3A_398, %get3A_399] {strides = array<i32>} : memref<256x128xf32, #tpu.memory_space<vmem>>, vector<1x16xf32>,
        %get3A_401 = vector.shape_cast %get3A_400 : vector<1x16xf32> to vector<16xf32>
        %mul3A_402 = arith.mulf %get3A_401, %gather3A_367 : vector<16xf32>
        %swap3A_403 = arith.index_cast %add3A_364 : i32 to index
        %swap3A_404 = arith.constant 48 : index
        %swap3A_405 = tpu.vector_load %arg11[%swap3A_403, %swap3A_404] {strides = array<i32>} : memref<256x128xf32, #tpu.memory_space<vmem>>, vector<1x16xf32>,
        %swap3A_406 = vector.shape_cast %swap3A_405 : vector<1x16xf32> to vector<16xf32>
        %swap3A_407 = vector.shape_cast %mul3A_402 : vector<16xf32> to vector<1x16xf32>
        tpu.vector_store %arg11[%swap3A_403, %swap3A_404], %swap3A_407 {strides = array<i32>} : memref<256x128xf32, #tpu.memory_space<vmem>>, vector<1x16xf32>,
        %get3A_408 = arith.index_cast %add3A_364 : i32 to index
        %get3A_409 = arith.constant 64 : index
        %get3A_410 = tpu.vector_load %arg11[%get3A_408, %get3A_409] {strides = array<i32>} : memref<256x128xf32, #tpu.memory_space<vmem>>, vector<1x16xf32>,
        %get3A_411 = vector.shape_cast %get3A_410 : vector<1x16xf32> to vector<16xf32>
        %mul3A_412 = arith.mulf %get3A_411, %gather3A_367 : vector<16xf32>
        %swap3A_413 = arith.index_cast %add3A_364 : i32 to index
        %swap3A_414 = arith.constant 64 : index
        %swap3A_415 = tpu.vector_load %arg11[%swap3A_413, %swap3A_414] {strides = array<i32>} : memref<256x128xf32, #tpu.memory_space<vmem>>, vector<1x16xf32>,
        %swap3A_416 = vector.shape_cast %swap3A_415 : vector<1x16xf32> to vector<16xf32>
        %swap3A_417 = vector.shape_cast %mul3A_412 : vector<16xf32> to vector<1x16xf32>
        tpu.vector_store %arg11[%swap3A_413, %swap3A_414], %swap3A_417 {strides = array<i32>} : memref<256x128xf32, #tpu.memory_space<vmem>>, vector<1x16xf32>,
        %get3A_418 = arith.index_cast %add3A_364 : i32 to index
        %get3A_419 = arith.constant 80 : index
        %get3A_420 = tpu.vector_load %arg11[%get3A_418, %get3A_419] {strides = array<i32>} : memref<256x128xf32, #tpu.memory_space<vmem>>, vector<1x16xf32>,
        %get3A_421 = vector.shape_cast %get3A_420 : vector<1x16xf32> to vector<16xf32>
        %mul3A_422 = arith.mulf %get3A_421, %gather3A_367 : vector<16xf32>
        %swap3A_423 = arith.index_cast %add3A_364 : i32 to index
        %swap3A_424 = arith.constant 80 : index
        %swap3A_425 = tpu.vector_load %arg11[%swap3A_423, %swap3A_424] {strides = array<i32>} : memref<256x128xf32, #tpu.memory_space<vmem>>, vector<1x16xf32>,
        %swap3A_426 = vector.shape_cast %swap3A_425 : vector<1x16xf32> to vector<16xf32>
        %swap3A_427 = vector.shape_cast %mul3A_422 : vector<16xf32> to vector<1x16xf32>
        tpu.vector_store %arg11[%swap3A_423, %swap3A_424], %swap3A_427 {strides = array<i32>} : memref<256x128xf32, #tpu.memory_space<vmem>>, vector<1x16xf32>,
        %get3A_428 = arith.index_cast %add3A_364 : i32 to index
        %get3A_429 = arith.constant 96 : index
        %get3A_430 = tpu.vector_load %arg11[%get3A_428, %get3A_429] {strides = array<i32>} : memref<256x128xf32, #tpu.memory_space<vmem>>, vector<1x16xf32>,
        %get3A_431 = vector.shape_cast %get3A_430 : vector<1x16xf32> to vector<16xf32>
        %mul3A_432 = arith.mulf %get3A_431, %gather3A_367 : vector<16xf32>
        %swap3A_433 = arith.index_cast %add3A_364 : i32 to index
        %swap3A_434 = arith.constant 96 : index
        %swap3A_435 = tpu.vector_load %arg11[%swap3A_433, %swap3A_434] {strides = array<i32>} : memref<256x128xf32, #tpu.memory_space<vmem>>, vector<1x16xf32>,
        %swap3A_436 = vector.shape_cast %swap3A_435 : vector<1x16xf32> to vector<16xf32>
        %swap3A_437 = vector.shape_cast %mul3A_432 : vector<16xf32> to vector<1x16xf32>
        tpu.vector_store %arg11[%swap3A_433, %swap3A_434], %swap3A_437 {strides = array<i32>} : memref<256x128xf32, #tpu.memory_space<vmem>>, vector<1x16xf32>,
        %get3A_438 = arith.index_cast %add3A_364 : i32 to index
        %get3A_439 = arith.constant 112 : index
        %get3A_440 = tpu.vector_load %arg11[%get3A_438, %get3A_439] {strides = array<i32>} : memref<256x128xf32, #tpu.memory_space<vmem>>, vector<1x16xf32>,
        %get3A_441 = vector.shape_cast %get3A_440 : vector<1x16xf32> to vector<16xf32>
        %mul3A_442 = arith.mulf %get3A_441, %gather3A_367 : vector<16xf32>
        %swap3A_443 = arith.index_cast %add3A_364 : i32 to index
        %swap3A_444 = arith.constant 112 : index
        %swap3A_445 = tpu.vector_load %arg11[%swap3A_443, %swap3A_444] {strides = array<i32>} : memref<256x128xf32, #tpu.memory_space<vmem>>, vector<1x16xf32>,
        %swap3A_446 = vector.shape_cast %swap3A_445 : vector<1x16xf32> to vector<16xf32>
        %swap3A_447 = vector.shape_cast %mul3A_442 : vector<16xf32> to vector<1x16xf32>
        tpu.vector_store %arg11[%swap3A_443, %swap3A_444], %swap3A_447 {strides = array<i32>} : memref<256x128xf32, #tpu.memory_space<vmem>>, vector<1x16xf32>,
        %scan3A_448 = arith.constant 0 : i32
        scf.yield %scan3A_448 : i32
      }
      %scan3A_201 = arith.constant 8 : i32
      %mul3A_202 = arith.constant 64 : i32
      %mul3A_203 = arith.muli %scan3A_130, %mul3A_202 : i32
      %add3A_204 = arith.constant 32 : i32
      %add3A_205 = arith.addi %mul3A_203, %add3A_204 : i32
      %get3A_206 = arith.index_cast %add3A_205 : i32 to index
      %get3A_207 = tpu.vector_load %arg10[%get3A_206] {strides = array<i32>} : memref<5120xf32, #tpu.memory_space<vmem>>, vector<16xf32>,
      %get3A_208 = vector.shape_cast %get3A_207 : vector<16xf32> to vector<16xf32>
      %mul3A_209 = arith.mulf %get3A_208, %get3A_27 : vector<16xf32>
      %scan3A_210 = arith.constant 0 : i32
      %scan3A_211 = arith.constant 0 : i32
      %scan3A_212 = arith.constant 8 : i32
      %scan3A_213 = arith.addi %scan3A_211, %scan3A_212 : i32
      %scan3A_214 = arith.constant 1 : i32
      %scan3A_215 = scf.for %scan3A_268 = %scan3A_211 to %scan3A_213 step %scan3A_214 iter_args(%scan3A_269 = %scan3A_210) -> (i32)  : i32 {
        %mul3A_270 = arith.constant 2 : i32
        %mul3A_271 = arith.muli %scan3A_268, %mul3A_270 : i32
        %add3A_272 = arith.constant 0 : i32
        %add3A_273 = arith.addi %mul3A_271, %add3A_272 : i32
        %add3A_274 = arith.constant 32 : i32
        %add3A_275 = arith.addi %mul3A_145, %add3A_274 : i32
        %add3A_276 = arith.addi %add3A_275, %add3A_273 : i32
        %broadcast_in_dim3A_277 = vector.broadcast %add3A_273 : i32 to vector<16x1xi32>
        %gather3A = vector.shape_cast %broadcast_in_dim3A_277 : vector<16x1xi32> to vector<16xi32>
        %gather3A_278 = tpu.dynamic_gather %mul3A_209[%gather3A] in [0] : vector<16xf32>, vector<16xi32> -> vector<16xf32>
        %get3A_279 = arith.index_cast %add3A_276 : i32 to index
        %get3A_280 = arith.constant 0 : index
        %get3A_281 = tpu.vector_load %arg11[%get3A_279, %get3A_280] {strides = array<i32>} : memref<256x128xf32, #tpu.memory_space<vmem>>, vector<1x16xf32>,
        %get3A_282 = vector.shape_cast %get3A_281 : vector<1x16xf32> to vector<16xf32>
        %mul3A_283 = arith.mulf %get3A_282, %gather3A_278 : vector<16xf32>
        %swap3A = arith.index_cast %add3A_276 : i32 to index
        %swap3A_284 = arith.constant 0 : index
        %swap3A_285 = tpu.vector_load %arg11[%swap3A, %swap3A_284] {strides = array<i32>} : memref<256x128xf32, #tpu.memory_space<vmem>>, vector<1x16xf32>,
        %swap3A_286 = vector.shape_cast %swap3A_285 : vector<1x16xf32> to vector<16xf32>
        %swap3A_287 = vector.shape_cast %mul3A_283 : vector<16xf32> to vector<1x16xf32>
        tpu.vector_store %arg11[%swap3A, %swap3A_284], %swap3A_287 {strides = array<i32>} : memref<256x128xf32, #tpu.memory_space<vmem>>, vector<1x16xf32>,
        %get3A_288 = arith.index_cast %add3A_276 : i32 to index
        %get3A_289 = arith.constant 16 : index
        %get3A_290 = tpu.vector_load %arg11[%get3A_288, %get3A_289] {strides = array<i32>} : memref<256x128xf32, #tpu.memory_space<vmem>>, vector<1x16xf32>,
        %get3A_291 = vector.shape_cast %get3A_290 : vector<1x16xf32> to vector<16xf32>
        %mul3A_292 = arith.mulf %get3A_291, %gather3A_278 : vector<16xf32>
        %swap3A_293 = arith.index_cast %add3A_276 : i32 to index
        %swap3A_294 = arith.constant 16 : index
        %swap3A_295 = tpu.vector_load %arg11[%swap3A_293, %swap3A_294] {strides = array<i32>} : memref<256x128xf32, #tpu.memory_space<vmem>>, vector<1x16xf32>,
        %swap3A_296 = vector.shape_cast %swap3A_295 : vector<1x16xf32> to vector<16xf32>
        %swap3A_297 = vector.shape_cast %mul3A_292 : vector<16xf32> to vector<1x16xf32>
        tpu.vector_store %arg11[%swap3A_293, %swap3A_294], %swap3A_297 {strides = array<i32>} : memref<256x128xf32, #tpu.memory_space<vmem>>, vector<1x16xf32>,
        %get3A_298 = arith.index_cast %add3A_276 : i32 to index
        %get3A_299 = arith.constant 32 : index
        %get3A_300 = tpu.vector_load %arg11[%get3A_298, %get3A_299] {strides = array<i32>} : memref<256x128xf32, #tpu.memory_space<vmem>>, vector<1x16xf32>,
        %get3A_301 = vector.shape_cast %get3A_300 : vector<1x16xf32> to vector<16xf32>
        %mul3A_302 = arith.mulf %get3A_301, %gather3A_278 : vector<16xf32>
        %swap3A_303 = arith.index_cast %add3A_276 : i32 to index
        %swap3A_304 = arith.constant 32 : index
        %swap3A_305 = tpu.vector_load %arg11[%swap3A_303, %swap3A_304] {strides = array<i32>} : memref<256x128xf32, #tpu.memory_space<vmem>>, vector<1x16xf32>,
        %swap3A_306 = vector.shape_cast %swap3A_305 : vector<1x16xf32> to vector<16xf32>
        %swap3A_307 = vector.shape_cast %mul3A_302 : vector<16xf32> to vector<1x16xf32>
        tpu.vector_store %arg11[%swap3A_303, %swap3A_304], %swap3A_307 {strides = array<i32>} : memref<256x128xf32, #tpu.memory_space<vmem>>, vector<1x16xf32>,
        %get3A_308 = arith.index_cast %add3A_276 : i32 to index
        %get3A_309 = arith.constant 48 : index
        %get3A_310 = tpu.vector_load %arg11[%get3A_308, %get3A_309] {strides = array<i32>} : memref<256x128xf32, #tpu.memory_space<vmem>>, vector<1x16xf32>,
        %get3A_311 = vector.shape_cast %get3A_310 : vector<1x16xf32> to vector<16xf32>
        %mul3A_312 = arith.mulf %get3A_311, %gather3A_278 : vector<16xf32>
        %swap3A_313 = arith.index_cast %add3A_276 : i32 to index
        %swap3A_314 = arith.constant 48 : index
        %swap3A_315 = tpu.vector_load %arg11[%swap3A_313, %swap3A_314] {strides = array<i32>} : memref<256x128xf32, #tpu.memory_space<vmem>>, vector<1x16xf32>,
        %swap3A_316 = vector.shape_cast %swap3A_315 : vector<1x16xf32> to vector<16xf32>
        %swap3A_317 = vector.shape_cast %mul3A_312 : vector<16xf32> to vector<1x16xf32>
        tpu.vector_store %arg11[%swap3A_313, %swap3A_314], %swap3A_317 {strides = array<i32>} : memref<256x128xf32, #tpu.memory_space<vmem>>, vector<1x16xf32>,
        %get3A_318 = arith.index_cast %add3A_276 : i32 to index
        %get3A_319 = arith.constant 64 : index
        %get3A_320 = tpu.vector_load %arg11[%get3A_318, %get3A_319] {strides = array<i32>} : memref<256x128xf32, #tpu.memory_space<vmem>>, vector<1x16xf32>,
        %get3A_321 = vector.shape_cast %get3A_320 : vector<1x16xf32> to vector<16xf32>
        %mul3A_322 = arith.mulf %get3A_321, %gather3A_278 : vector<16xf32>
        %swap3A_323 = arith.index_cast %add3A_276 : i32 to index
        %swap3A_324 = arith.constant 64 : index
        %swap3A_325 = tpu.vector_load %arg11[%swap3A_323, %swap3A_324] {strides = array<i32>} : memref<256x128xf32, #tpu.memory_space<vmem>>, vector<1x16xf32>,
        %swap3A_326 = vector.shape_cast %swap3A_325 : vector<1x16xf32> to vector<16xf32>
        %swap3A_327 = vector.shape_cast %mul3A_322 : vector<16xf32> to vector<1x16xf32>
        tpu.vector_store %arg11[%swap3A_323, %swap3A_324], %swap3A_327 {strides = array<i32>} : memref<256x128xf32, #tpu.memory_space<vmem>>, vector<1x16xf32>,
        %get3A_328 = arith.index_cast %add3A_276 : i32 to index
        %get3A_329 = arith.constant 80 : index
        %get3A_330 = tpu.vector_load %arg11[%get3A_328, %get3A_329] {strides = array<i32>} : memref<256x128xf32, #tpu.memory_space<vmem>>, vector<1x16xf32>,
        %get3A_331 = vector.shape_cast %get3A_330 : vector<1x16xf32> to vector<16xf32>
        %mul3A_332 = arith.mulf %get3A_331, %gather3A_278 : vector<16xf32>
        %swap3A_333 = arith.index_cast %add3A_276 : i32 to index
        %swap3A_334 = arith.constant 80 : index
        %swap3A_335 = tpu.vector_load %arg11[%swap3A_333, %swap3A_334] {strides = array<i32>} : memref<256x128xf32, #tpu.memory_space<vmem>>, vector<1x16xf32>,
        %swap3A_336 = vector.shape_cast %swap3A_335 : vector<1x16xf32> to vector<16xf32>
        %swap3A_337 = vector.shape_cast %mul3A_332 : vector<16xf32> to vector<1x16xf32>
        tpu.vector_store %arg11[%swap3A_333, %swap3A_334], %swap3A_337 {strides = array<i32>} : memref<256x128xf32, #tpu.memory_space<vmem>>, vector<1x16xf32>,
        %get3A_338 = arith.index_cast %add3A_276 : i32 to index
        %get3A_339 = arith.constant 96 : index
        %get3A_340 = tpu.vector_load %arg11[%get3A_338, %get3A_339] {strides = array<i32>} : memref<256x128xf32, #tpu.memory_space<vmem>>, vector<1x16xf32>,
        %get3A_341 = vector.shape_cast %get3A_340 : vector<1x16xf32> to vector<16xf32>
        %mul3A_342 = arith.mulf %get3A_341, %gather3A_278 : vector<16xf32>
        %swap3A_343 = arith.index_cast %add3A_276 : i32 to index
        %swap3A_344 = arith.constant 96 : index
        %swap3A_345 = tpu.vector_load %arg11[%swap3A_343, %swap3A_344] {strides = array<i32>} : memref<256x128xf32, #tpu.memory_space<vmem>>, vector<1x16xf32>,
        %swap3A_346 = vector.shape_cast %swap3A_345 : vector<1x16xf32> to vector<16xf32>
        %swap3A_347 = vector.shape_cast %mul3A_342 : vector<16xf32> to vector<1x16xf32>
        tpu.vector_store %arg11[%swap3A_343, %swap3A_344], %swap3A_347 {strides = array<i32>} : memref<256x128xf32, #tpu.memory_space<vmem>>, vector<1x16xf32>,
        %get3A_348 = arith.index_cast %add3A_276 : i32 to index
        %get3A_349 = arith.constant 112 : index
        %get3A_350 = tpu.vector_load %arg11[%get3A_348, %get3A_349] {strides = array<i32>} : memref<256x128xf32, #tpu.memory_space<vmem>>, vector<1x16xf32>,
        %get3A_351 = vector.shape_cast %get3A_350 : vector<1x16xf32> to vector<16xf32>
        %mul3A_352 = arith.mulf %get3A_351, %gather3A_278 : vector<16xf32>
        %swap3A_353 = arith.index_cast %add3A_276 : i32 to index
        %swap3A_354 = arith.constant 112 : index
        %swap3A_355 = tpu.vector_load %arg11[%swap3A_353, %swap3A_354] {strides = array<i32>} : memref<256x128xf32, #tpu.memory_space<vmem>>, vector<1x16xf32>,
        %swap3A_356 = vector.shape_cast %swap3A_355 : vector<1x16xf32> to vector<16xf32>
        %swap3A_357 = vector.shape_cast %mul3A_352 : vector<16xf32> to vector<1x16xf32>
        tpu.vector_store %arg11[%swap3A_353, %swap3A_354], %swap3A_357 {strides = array<i32>} : memref<256x128xf32, #tpu.memory_space<vmem>>, vector<1x16xf32>,
        %mul3A_358 = arith.constant 2 : i32
        %mul3A_359 = arith.muli %scan3A_268, %mul3A_358 : i32
        %add3A_360 = arith.constant 1 : i32
        %add3A_361 = arith.addi %mul3A_359, %add3A_360 : i32
        %add3A_362 = arith.constant 32 : i32
        %add3A_363 = arith.addi %mul3A_145, %add3A_362 : i32
        %add3A_364 = arith.addi %add3A_363, %add3A_361 : i32
        %broadcast_in_dim3A_365 = vector.broadcast %add3A_361 : i32 to vector<16x1xi32>
        %gather3A_366 = vector.shape_cast %broadcast_in_dim3A_365 : vector<16x1xi32> to vector<16xi32>
        %gather3A_367 = tpu.dynamic_gather %mul3A_209[%gather3A_366] in [0] : vector<16xf32>, vector<16xi32> -> vector<16xf32>
        %get3A_368 = arith.index_cast %add3A_364 : i32 to index
        %get3A_369 = arith.constant 0 : index
        %get3A_370 = tpu.vector_load %arg11[%get3A_368, %get3A_369] {strides = array<i32>} : memref<256x128xf32, #tpu.memory_space<vmem>>, vector<1x16xf32>,
        %get3A_371 = vector.shape_cast %get3A_370 : vector<1x16xf32> to vector<16xf32>
        %mul3A_372 = arith.mulf %get3A_371, %gather3A_367 : vector<16xf32>
        %swap3A_373 = arith.index_cast %add3A_364 : i32 to index
        %swap3A_374 = arith.constant 0 : index
        %swap3A_375 = tpu.vector_load %arg11[%swap3A_373, %swap3A_374] {strides = array<i32>} : memref<256x128xf32, #tpu.memory_space<vmem>>, vector<1x16xf32>,
        %swap3A_376 = vector.shape_cast %swap3A_375 : vector<1x16xf32> to vector<16xf32>
        %swap3A_377 = vector.shape_cast %mul3A_372 : vector<16xf32> to vector<1x16xf32>
        tpu.vector_store %arg11[%swap3A_373, %swap3A_374], %swap3A_377 {strides = array<i32>} : memref<256x128xf32, #tpu.memory_space<vmem>>, vector<1x16xf32>,
        %get3A_378 = arith.index_cast %add3A_364 : i32 to index
        %get3A_379 = arith.constant 16 : index
        %get3A_380 = tpu.vector_load %arg11[%get3A_378, %get3A_379] {strides = array<i32>} : memref<256x128xf32, #tpu.memory_space<vmem>>, vector<1x16xf32>,
        %get3A_381 = vector.shape_cast %get3A_380 : vector<1x16xf32> to vector<16xf32>
        %mul3A_382 = arith.mulf %get3A_381, %gather3A_367 : vector<16xf32>
        %swap3A_383 = arith.index_cast %add3A_364 : i32 to index
        %swap3A_384 = arith.constant 16 : index
        %swap3A_385 = tpu.vector_load %arg11[%swap3A_383, %swap3A_384] {strides = array<i32>} : memref<256x128xf32, #tpu.memory_space<vmem>>, vector<1x16xf32>,
        %swap3A_386 = vector.shape_cast %swap3A_385 : vector<1x16xf32> to vector<16xf32>
        %swap3A_387 = vector.shape_cast %mul3A_382 : vector<16xf32> to vector<1x16xf32>
        tpu.vector_store %arg11[%swap3A_383, %swap3A_384], %swap3A_387 {strides = array<i32>} : memref<256x128xf32, #tpu.memory_space<vmem>>, vector<1x16xf32>,
        %get3A_388 = arith.index_cast %add3A_364 : i32 to index
        %get3A_389 = arith.constant 32 : index
        %get3A_390 = tpu.vector_load %arg11[%get3A_388, %get3A_389] {strides = array<i32>} : memref<256x128xf32, #tpu.memory_space<vmem>>, vector<1x16xf32>,
        %get3A_391 = vector.shape_cast %get3A_390 : vector<1x16xf32> to vector<16xf32>
        %mul3A_392 = arith.mulf %get3A_391, %gather3A_367 : vector<16xf32>
        %swap3A_393 = arith.index_cast %add3A_364 : i32 to index
        %swap3A_394 = arith.constant 32 : index
        %swap3A_395 = tpu.vector_load %arg11[%swap3A_393, %swap3A_394] {strides = array<i32>} : memref<256x128xf32, #tpu.memory_space<vmem>>, vector<1x16xf32>,
        %swap3A_396 = vector.shape_cast %swap3A_395 : vector<1x16xf32> to vector<16xf32>
        %swap3A_397 = vector.shape_cast %mul3A_392 : vector<16xf32> to vector<1x16xf32>
        tpu.vector_store %arg11[%swap3A_393, %swap3A_394], %swap3A_397 {strides = array<i32>} : memref<256x128xf32, #tpu.memory_space<vmem>>, vector<1x16xf32>,
        %get3A_398 = arith.index_cast %add3A_364 : i32 to index
        %get3A_399 = arith.constant 48 : index
        %get3A_400 = tpu.vector_load %arg11[%get3A_398, %get3A_399] {strides = array<i32>} : memref<256x128xf32, #tpu.memory_space<vmem>>, vector<1x16xf32>,
        %get3A_401 = vector.shape_cast %get3A_400 : vector<1x16xf32> to vector<16xf32>
        %mul3A_402 = arith.mulf %get3A_401, %gather3A_367 : vector<16xf32>
        %swap3A_403 = arith.index_cast %add3A_364 : i32 to index
        %swap3A_404 = arith.constant 48 : index
        %swap3A_405 = tpu.vector_load %arg11[%swap3A_403, %swap3A_404] {strides = array<i32>} : memref<256x128xf32, #tpu.memory_space<vmem>>, vector<1x16xf32>,
        %swap3A_406 = vector.shape_cast %swap3A_405 : vector<1x16xf32> to vector<16xf32>
        %swap3A_407 = vector.shape_cast %mul3A_402 : vector<16xf32> to vector<1x16xf32>
        tpu.vector_store %arg11[%swap3A_403, %swap3A_404], %swap3A_407 {strides = array<i32>} : memref<256x128xf32, #tpu.memory_space<vmem>>, vector<1x16xf32>,
        %get3A_408 = arith.index_cast %add3A_364 : i32 to index
        %get3A_409 = arith.constant 64 : index
        %get3A_410 = tpu.vector_load %arg11[%get3A_408, %get3A_409] {strides = array<i32>} : memref<256x128xf32, #tpu.memory_space<vmem>>, vector<1x16xf32>,
        %get3A_411 = vector.shape_cast %get3A_410 : vector<1x16xf32> to vector<16xf32>
        %mul3A_412 = arith.mulf %get3A_411, %gather3A_367 : vector<16xf32>
        %swap3A_413 = arith.index_cast %add3A_364 : i32 to index
        %swap3A_414 = arith.constant 64 : index
        %swap3A_415 = tpu.vector_load %arg11[%swap3A_413, %swap3A_414] {strides = array<i32>} : memref<256x128xf32, #tpu.memory_space<vmem>>, vector<1x16xf32>,
        %swap3A_416 = vector.shape_cast %swap3A_415 : vector<1x16xf32> to vector<16xf32>
        %swap3A_417 = vector.shape_cast %mul3A_412 : vector<16xf32> to vector<1x16xf32>
        tpu.vector_store %arg11[%swap3A_413, %swap3A_414], %swap3A_417 {strides = array<i32>} : memref<256x128xf32, #tpu.memory_space<vmem>>, vector<1x16xf32>,
        %get3A_418 = arith.index_cast %add3A_364 : i32 to index
        %get3A_419 = arith.constant 80 : index
        %get3A_420 = tpu.vector_load %arg11[%get3A_418, %get3A_419] {strides = array<i32>} : memref<256x128xf32, #tpu.memory_space<vmem>>, vector<1x16xf32>,
        %get3A_421 = vector.shape_cast %get3A_420 : vector<1x16xf32> to vector<16xf32>
        %mul3A_422 = arith.mulf %get3A_421, %gather3A_367 : vector<16xf32>
        %swap3A_423 = arith.index_cast %add3A_364 : i32 to index
        %swap3A_424 = arith.constant 80 : index
        %swap3A_425 = tpu.vector_load %arg11[%swap3A_423, %swap3A_424] {strides = array<i32>} : memref<256x128xf32, #tpu.memory_space<vmem>>, vector<1x16xf32>,
        %swap3A_426 = vector.shape_cast %swap3A_425 : vector<1x16xf32> to vector<16xf32>
        %swap3A_427 = vector.shape_cast %mul3A_422 : vector<16xf32> to vector<1x16xf32>
        tpu.vector_store %arg11[%swap3A_423, %swap3A_424], %swap3A_427 {strides = array<i32>} : memref<256x128xf32, #tpu.memory_space<vmem>>, vector<1x16xf32>,
        %get3A_428 = arith.index_cast %add3A_364 : i32 to index
        %get3A_429 = arith.constant 96 : index
        %get3A_430 = tpu.vector_load %arg11[%get3A_428, %get3A_429] {strides = array<i32>} : memref<256x128xf32, #tpu.memory_space<vmem>>, vector<1x16xf32>,
        %get3A_431 = vector.shape_cast %get3A_430 : vector<1x16xf32> to vector<16xf32>
        %mul3A_432 = arith.mulf %get3A_431, %gather3A_367 : vector<16xf32>
        %swap3A_433 = arith.index_cast %add3A_364 : i32 to index
        %swap3A_434 = arith.constant 96 : index
        %swap3A_435 = tpu.vector_load %arg11[%swap3A_433, %swap3A_434] {strides = array<i32>} : memref<256x128xf32, #tpu.memory_space<vmem>>, vector<1x16xf32>,
        %swap3A_436 = vector.shape_cast %swap3A_435 : vector<1x16xf32> to vector<16xf32>
        %swap3A_437 = vector.shape_cast %mul3A_432 : vector<16xf32> to vector<1x16xf32>
        tpu.vector_store %arg11[%swap3A_433, %swap3A_434], %swap3A_437 {strides = array<i32>} : memref<256x128xf32, #tpu.memory_space<vmem>>, vector<1x16xf32>,
        %get3A_438 = arith.index_cast %add3A_364 : i32 to index
        %get3A_439 = arith.constant 112 : index
        %get3A_440 = tpu.vector_load %arg11[%get3A_438, %get3A_439] {strides = array<i32>} : memref<256x128xf32, #tpu.memory_space<vmem>>, vector<1x16xf32>,
        %get3A_441 = vector.shape_cast %get3A_440 : vector<1x16xf32> to vector<16xf32>
        %mul3A_442 = arith.mulf %get3A_441, %gather3A_367 : vector<16xf32>
        %swap3A_443 = arith.index_cast %add3A_364 : i32 to index
        %swap3A_444 = arith.constant 112 : index
        %swap3A_445 = tpu.vector_load %arg11[%swap3A_443, %swap3A_444] {strides = array<i32>} : memref<256x128xf32, #tpu.memory_space<vmem>>, vector<1x16xf32>,
        %swap3A_446 = vector.shape_cast %swap3A_445 : vector<1x16xf32> to vector<16xf32>
        %swap3A_447 = vector.shape_cast %mul3A_442 : vector<16xf32> to vector<1x16xf32>
        tpu.vector_store %arg11[%swap3A_443, %swap3A_444], %swap3A_447 {strides = array<i32>} : memref<256x128xf32, #tpu.memory_space<vmem>>, vector<1x16xf32>,
        %scan3A_448 = arith.constant 0 : i32
        scf.yield %scan3A_448 : i32
      }
      %scan3A_216 = arith.constant 8 : i32
      %mul3A_217 = arith.constant 64 : i32
      %mul3A_218 = arith.muli %scan3A_130, %mul3A_217 : i32
      %add3A_219 = arith.constant 48 : i32
      %add3A_220 = arith.addi %mul3A_218, %add3A_219 : i32
      %get3A_221 = arith.index_cast %add3A_220 : i32 to index
      %get3A_222 = tpu.vector_load %arg10[%get3A_221] {strides = array<i32>} : memref<5120xf32, #tpu.memory_space<vmem>>, vector<16xf32>,
      %get3A_223 = vector.shape_cast %get3A_222 : vector<16xf32> to vector<16xf32>
      %mul3A_224 = arith.mulf %get3A_223, %get3A_27 : vector<16xf32>
      %scan3A_225 = arith.constant 0 : i32
      %scan3A_226 = arith.constant 0 : i32
      %scan3A_227 = arith.constant 8 : i32
      %scan3A_228 = arith.addi %scan3A_226, %scan3A_227 : i32
      %scan3A_229 = arith.constant 1 : i32
      %scan3A_230 = scf.for %scan3A_268 = %scan3A_226 to %scan3A_228 step %scan3A_229 iter_args(%scan3A_269 = %scan3A_225) -> (i32)  : i32 {
        %mul3A_270 = arith.constant 2 : i32
        %mul3A_271 = arith.muli %scan3A_268, %mul3A_270 : i32
        %add3A_272 = arith.constant 0 : i32
        %add3A_273 = arith.addi %mul3A_271, %add3A_272 : i32
        %add3A_274 = arith.constant 48 : i32
        %add3A_275 = arith.addi %mul3A_145, %add3A_274 : i32
        %add3A_276 = arith.addi %add3A_275, %add3A_273 : i32
        %broadcast_in_dim3A_277 = vector.broadcast %add3A_273 : i32 to vector<16x1xi32>
        %gather3A = vector.shape_cast %broadcast_in_dim3A_277 : vector<16x1xi32> to vector<16xi32>
        %gather3A_278 = tpu.dynamic_gather %mul3A_224[%gather3A] in [0] : vector<16xf32>, vector<16xi32> -> vector<16xf32>
        %get3A_279 = arith.index_cast %add3A_276 : i32 to index
        %get3A_280 = arith.constant 0 : index
        %get3A_281 = tpu.vector_load %arg11[%get3A_279, %get3A_280] {strides = array<i32>} : memref<256x128xf32, #tpu.memory_space<vmem>>, vector<1x16xf32>,
        %get3A_282 = vector.shape_cast %get3A_281 : vector<1x16xf32> to vector<16xf32>
        %mul3A_283 = arith.mulf %get3A_282, %gather3A_278 : vector<16xf32>
        %swap3A = arith.index_cast %add3A_276 : i32 to index
        %swap3A_284 = arith.constant 0 : index
        %swap3A_285 = tpu.vector_load %arg11[%swap3A, %swap3A_284] {strides = array<i32>} : memref<256x128xf32, #tpu.memory_space<vmem>>, vector<1x16xf32>,
        %swap3A_286 = vector.shape_cast %swap3A_285 : vector<1x16xf32> to vector<16xf32>
        %swap3A_287 = vector.shape_cast %mul3A_283 : vector<16xf32> to vector<1x16xf32>
        tpu.vector_store %arg11[%swap3A, %swap3A_284], %swap3A_287 {strides = array<i32>} : memref<256x128xf32, #tpu.memory_space<vmem>>, vector<1x16xf32>,
        %get3A_288 = arith.index_cast %add3A_276 : i32 to index
        %get3A_289 = arith.constant 16 : index
        %get3A_290 = tpu.vector_load %arg11[%get3A_288, %get3A_289] {strides = array<i32>} : memref<256x128xf32, #tpu.memory_space<vmem>>, vector<1x16xf32>,
        %get3A_291 = vector.shape_cast %get3A_290 : vector<1x16xf32> to vector<16xf32>
        %mul3A_292 = arith.mulf %get3A_291, %gather3A_278 : vector<16xf32>
        %swap3A_293 = arith.index_cast %add3A_276 : i32 to index
        %swap3A_294 = arith.constant 16 : index
        %swap3A_295 = tpu.vector_load %arg11[%swap3A_293, %swap3A_294] {strides = array<i32>} : memref<256x128xf32, #tpu.memory_space<vmem>>, vector<1x16xf32>,
        %swap3A_296 = vector.shape_cast %swap3A_295 : vector<1x16xf32> to vector<16xf32>
        %swap3A_297 = vector.shape_cast %mul3A_292 : vector<16xf32> to vector<1x16xf32>
        tpu.vector_store %arg11[%swap3A_293, %swap3A_294], %swap3A_297 {strides = array<i32>} : memref<256x128xf32, #tpu.memory_space<vmem>>, vector<1x16xf32>,
        %get3A_298 = arith.index_cast %add3A_276 : i32 to index
        %get3A_299 = arith.constant 32 : index
        %get3A_300 = tpu.vector_load %arg11[%get3A_298, %get3A_299] {strides = array<i32>} : memref<256x128xf32, #tpu.memory_space<vmem>>, vector<1x16xf32>,
        %get3A_301 = vector.shape_cast %get3A_300 : vector<1x16xf32> to vector<16xf32>
        %mul3A_302 = arith.mulf %get3A_301, %gather3A_278 : vector<16xf32>
        %swap3A_303 = arith.index_cast %add3A_276 : i32 to index
        %swap3A_304 = arith.constant 32 : index
        %swap3A_305 = tpu.vector_load %arg11[%swap3A_303, %swap3A_304] {strides = array<i32>} : memref<256x128xf32, #tpu.memory_space<vmem>>, vector<1x16xf32>,
        %swap3A_306 = vector.shape_cast %swap3A_305 : vector<1x16xf32> to vector<16xf32>
        %swap3A_307 = vector.shape_cast %mul3A_302 : vector<16xf32> to vector<1x16xf32>
        tpu.vector_store %arg11[%swap3A_303, %swap3A_304], %swap3A_307 {strides = array<i32>} : memref<256x128xf32, #tpu.memory_space<vmem>>, vector<1x16xf32>,
        %get3A_308 = arith.index_cast %add3A_276 : i32 to index
        %get3A_309 = arith.constant 48 : index
        %get3A_310 = tpu.vector_load %arg11[%get3A_308, %get3A_309] {strides = array<i32>} : memref<256x128xf32, #tpu.memory_space<vmem>>, vector<1x16xf32>,
        %get3A_311 = vector.shape_cast %get3A_310 : vector<1x16xf32> to vector<16xf32>
        %mul3A_312 = arith.mulf %get3A_311, %gather3A_278 : vector<16xf32>
        %swap3A_313 = arith.index_cast %add3A_276 : i32 to index
        %swap3A_314 = arith.constant 48 : index
        %swap3A_315 = tpu.vector_load %arg11[%swap3A_313, %swap3A_314] {strides = array<i32>} : memref<256x128xf32, #tpu.memory_space<vmem>>, vector<1x16xf32>,
        %swap3A_316 = vector.shape_cast %swap3A_315 : vector<1x16xf32> to vector<16xf32>
        %swap3A_317 = vector.shape_cast %mul3A_312 : vector<16xf32> to vector<1x16xf32>
        tpu.vector_store %arg11[%swap3A_313, %swap3A_314], %swap3A_317 {strides = array<i32>} : memref<256x128xf32, #tpu.memory_space<vmem>>, vector<1x16xf32>,
        %get3A_318 = arith.index_cast %add3A_276 : i32 to index
        %get3A_319 = arith.constant 64 : index
        %get3A_320 = tpu.vector_load %arg11[%get3A_318, %get3A_319] {strides = array<i32>} : memref<256x128xf32, #tpu.memory_space<vmem>>, vector<1x16xf32>,
        %get3A_321 = vector.shape_cast %get3A_320 : vector<1x16xf32> to vector<16xf32>
        %mul3A_322 = arith.mulf %get3A_321, %gather3A_278 : vector<16xf32>
        %swap3A_323 = arith.index_cast %add3A_276 : i32 to index
        %swap3A_324 = arith.constant 64 : index
        %swap3A_325 = tpu.vector_load %arg11[%swap3A_323, %swap3A_324] {strides = array<i32>} : memref<256x128xf32, #tpu.memory_space<vmem>>, vector<1x16xf32>,
        %swap3A_326 = vector.shape_cast %swap3A_325 : vector<1x16xf32> to vector<16xf32>
        %swap3A_327 = vector.shape_cast %mul3A_322 : vector<16xf32> to vector<1x16xf32>
        tpu.vector_store %arg11[%swap3A_323, %swap3A_324], %swap3A_327 {strides = array<i32>} : memref<256x128xf32, #tpu.memory_space<vmem>>, vector<1x16xf32>,
        %get3A_328 = arith.index_cast %add3A_276 : i32 to index
        %get3A_329 = arith.constant 80 : index
        %get3A_330 = tpu.vector_load %arg11[%get3A_328, %get3A_329] {strides = array<i32>} : memref<256x128xf32, #tpu.memory_space<vmem>>, vector<1x16xf32>,
        %get3A_331 = vector.shape_cast %get3A_330 : vector<1x16xf32> to vector<16xf32>
        %mul3A_332 = arith.mulf %get3A_331, %gather3A_278 : vector<16xf32>
        %swap3A_333 = arith.index_cast %add3A_276 : i32 to index
        %swap3A_334 = arith.constant 80 : index
        %swap3A_335 = tpu.vector_load %arg11[%swap3A_333, %swap3A_334] {strides = array<i32>} : memref<256x128xf32, #tpu.memory_space<vmem>>, vector<1x16xf32>,
        %swap3A_336 = vector.shape_cast %swap3A_335 : vector<1x16xf32> to vector<16xf32>
        %swap3A_337 = vector.shape_cast %mul3A_332 : vector<16xf32> to vector<1x16xf32>
        tpu.vector_store %arg11[%swap3A_333, %swap3A_334], %swap3A_337 {strides = array<i32>} : memref<256x128xf32, #tpu.memory_space<vmem>>, vector<1x16xf32>,
        %get3A_338 = arith.index_cast %add3A_276 : i32 to index
        %get3A_339 = arith.constant 96 : index
        %get3A_340 = tpu.vector_load %arg11[%get3A_338, %get3A_339] {strides = array<i32>} : memref<256x128xf32, #tpu.memory_space<vmem>>, vector<1x16xf32>,
        %get3A_341 = vector.shape_cast %get3A_340 : vector<1x16xf32> to vector<16xf32>
        %mul3A_342 = arith.mulf %get3A_341, %gather3A_278 : vector<16xf32>
        %swap3A_343 = arith.index_cast %add3A_276 : i32 to index
        %swap3A_344 = arith.constant 96 : index
        %swap3A_345 = tpu.vector_load %arg11[%swap3A_343, %swap3A_344] {strides = array<i32>} : memref<256x128xf32, #tpu.memory_space<vmem>>, vector<1x16xf32>,
        %swap3A_346 = vector.shape_cast %swap3A_345 : vector<1x16xf32> to vector<16xf32>
        %swap3A_347 = vector.shape_cast %mul3A_342 : vector<16xf32> to vector<1x16xf32>
        tpu.vector_store %arg11[%swap3A_343, %swap3A_344], %swap3A_347 {strides = array<i32>} : memref<256x128xf32, #tpu.memory_space<vmem>>, vector<1x16xf32>,
        %get3A_348 = arith.index_cast %add3A_276 : i32 to index
        %get3A_349 = arith.constant 112 : index
        %get3A_350 = tpu.vector_load %arg11[%get3A_348, %get3A_349] {strides = array<i32>} : memref<256x128xf32, #tpu.memory_space<vmem>>, vector<1x16xf32>,
        %get3A_351 = vector.shape_cast %get3A_350 : vector<1x16xf32> to vector<16xf32>
        %mul3A_352 = arith.mulf %get3A_351, %gather3A_278 : vector<16xf32>
        %swap3A_353 = arith.index_cast %add3A_276 : i32 to index
        %swap3A_354 = arith.constant 112 : index
        %swap3A_355 = tpu.vector_load %arg11[%swap3A_353, %swap3A_354] {strides = array<i32>} : memref<256x128xf32, #tpu.memory_space<vmem>>, vector<1x16xf32>,
        %swap3A_356 = vector.shape_cast %swap3A_355 : vector<1x16xf32> to vector<16xf32>
        %swap3A_357 = vector.shape_cast %mul3A_352 : vector<16xf32> to vector<1x16xf32>
        tpu.vector_store %arg11[%swap3A_353, %swap3A_354], %swap3A_357 {strides = array<i32>} : memref<256x128xf32, #tpu.memory_space<vmem>>, vector<1x16xf32>,
        %mul3A_358 = arith.constant 2 : i32
        %mul3A_359 = arith.muli %scan3A_268, %mul3A_358 : i32
        %add3A_360 = arith.constant 1 : i32
        %add3A_361 = arith.addi %mul3A_359, %add3A_360 : i32
        %add3A_362 = arith.constant 48 : i32
        %add3A_363 = arith.addi %mul3A_145, %add3A_362 : i32
        %add3A_364 = arith.addi %add3A_363, %add3A_361 : i32
        %broadcast_in_dim3A_365 = vector.broadcast %add3A_361 : i32 to vector<16x1xi32>
        %gather3A_366 = vector.shape_cast %broadcast_in_dim3A_365 : vector<16x1xi32> to vector<16xi32>
        %gather3A_367 = tpu.dynamic_gather %mul3A_224[%gather3A_366] in [0] : vector<16xf32>, vector<16xi32> -> vector<16xf32>
        %get3A_368 = arith.index_cast %add3A_364 : i32 to index
        %get3A_369 = arith.constant 0 : index
        %get3A_370 = tpu.vector_load %arg11[%get3A_368, %get3A_369] {strides = array<i32>} : memref<256x128xf32, #tpu.memory_space<vmem>>, vector<1x16xf32>,
        %get3A_371 = vector.shape_cast %get3A_370 : vector<1x16xf32> to vector<16xf32>
        %mul3A_372 = arith.mulf %get3A_371, %gather3A_367 : vector<16xf32>
        %swap3A_373 = arith.index_cast %add3A_364 : i32 to index
        %swap3A_374 = arith.constant 0 : index
        %swap3A_375 = tpu.vector_load %arg11[%swap3A_373, %swap3A_374] {strides = array<i32>} : memref<256x128xf32, #tpu.memory_space<vmem>>, vector<1x16xf32>,
        %swap3A_376 = vector.shape_cast %swap3A_375 : vector<1x16xf32> to vector<16xf32>
        %swap3A_377 = vector.shape_cast %mul3A_372 : vector<16xf32> to vector<1x16xf32>
        tpu.vector_store %arg11[%swap3A_373, %swap3A_374], %swap3A_377 {strides = array<i32>} : memref<256x128xf32, #tpu.memory_space<vmem>>, vector<1x16xf32>,
        %get3A_378 = arith.index_cast %add3A_364 : i32 to index
        %get3A_379 = arith.constant 16 : index
        %get3A_380 = tpu.vector_load %arg11[%get3A_378, %get3A_379] {strides = array<i32>} : memref<256x128xf32, #tpu.memory_space<vmem>>, vector<1x16xf32>,
        %get3A_381 = vector.shape_cast %get3A_380 : vector<1x16xf32> to vector<16xf32>
        %mul3A_382 = arith.mulf %get3A_381, %gather3A_367 : vector<16xf32>
        %swap3A_383 = arith.index_cast %add3A_364 : i32 to index
        %swap3A_384 = arith.constant 16 : index
        %swap3A_385 = tpu.vector_load %arg11[%swap3A_383, %swap3A_384] {strides = array<i32>} : memref<256x128xf32, #tpu.memory_space<vmem>>, vector<1x16xf32>,
        %swap3A_386 = vector.shape_cast %swap3A_385 : vector<1x16xf32> to vector<16xf32>
        %swap3A_387 = vector.shape_cast %mul3A_382 : vector<16xf32> to vector<1x16xf32>
        tpu.vector_store %arg11[%swap3A_383, %swap3A_384], %swap3A_387 {strides = array<i32>} : memref<256x128xf32, #tpu.memory_space<vmem>>, vector<1x16xf32>,
        %get3A_388 = arith.index_cast %add3A_364 : i32 to index
        %get3A_389 = arith.constant 32 : index
        %get3A_390 = tpu.vector_load %arg11[%get3A_388, %get3A_389] {strides = array<i32>} : memref<256x128xf32, #tpu.memory_space<vmem>>, vector<1x16xf32>,
        %get3A_391 = vector.shape_cast %get3A_390 : vector<1x16xf32> to vector<16xf32>
        %mul3A_392 = arith.mulf %get3A_391, %gather3A_367 : vector<16xf32>
        %swap3A_393 = arith.index_cast %add3A_364 : i32 to index
        %swap3A_394 = arith.constant 32 : index
        %swap3A_395 = tpu.vector_load %arg11[%swap3A_393, %swap3A_394] {strides = array<i32>} : memref<256x128xf32, #tpu.memory_space<vmem>>, vector<1x16xf32>,
        %swap3A_396 = vector.shape_cast %swap3A_395 : vector<1x16xf32> to vector<16xf32>
        %swap3A_397 = vector.shape_cast %mul3A_392 : vector<16xf32> to vector<1x16xf32>
        tpu.vector_store %arg11[%swap3A_393, %swap3A_394], %swap3A_397 {strides = array<i32>} : memref<256x128xf32, #tpu.memory_space<vmem>>, vector<1x16xf32>,
        %get3A_398 = arith.index_cast %add3A_364 : i32 to index
        %get3A_399 = arith.constant 48 : index
        %get3A_400 = tpu.vector_load %arg11[%get3A_398, %get3A_399] {strides = array<i32>} : memref<256x128xf32, #tpu.memory_space<vmem>>, vector<1x16xf32>,
        %get3A_401 = vector.shape_cast %get3A_400 : vector<1x16xf32> to vector<16xf32>
        %mul3A_402 = arith.mulf %get3A_401, %gather3A_367 : vector<16xf32>
        %swap3A_403 = arith.index_cast %add3A_364 : i32 to index
        %swap3A_404 = arith.constant 48 : index
        %swap3A_405 = tpu.vector_load %arg11[%swap3A_403, %swap3A_404] {strides = array<i32>} : memref<256x128xf32, #tpu.memory_space<vmem>>, vector<1x16xf32>,
        %swap3A_406 = vector.shape_cast %swap3A_405 : vector<1x16xf32> to vector<16xf32>
        %swap3A_407 = vector.shape_cast %mul3A_402 : vector<16xf32> to vector<1x16xf32>
        tpu.vector_store %arg11[%swap3A_403, %swap3A_404], %swap3A_407 {strides = array<i32>} : memref<256x128xf32, #tpu.memory_space<vmem>>, vector<1x16xf32>,
        %get3A_408 = arith.index_cast %add3A_364 : i32 to index
        %get3A_409 = arith.constant 64 : index
        %get3A_410 = tpu.vector_load %arg11[%get3A_408, %get3A_409] {strides = array<i32>} : memref<256x128xf32, #tpu.memory_space<vmem>>, vector<1x16xf32>,
        %get3A_411 = vector.shape_cast %get3A_410 : vector<1x16xf32> to vector<16xf32>
        %mul3A_412 = arith.mulf %get3A_411, %gather3A_367 : vector<16xf32>
        %swap3A_413 = arith.index_cast %add3A_364 : i32 to index
        %swap3A_414 = arith.constant 64 : index
        %swap3A_415 = tpu.vector_load %arg11[%swap3A_413, %swap3A_414] {strides = array<i32>} : memref<256x128xf32, #tpu.memory_space<vmem>>, vector<1x16xf32>,
        %swap3A_416 = vector.shape_cast %swap3A_415 : vector<1x16xf32> to vector<16xf32>
        %swap3A_417 = vector.shape_cast %mul3A_412 : vector<16xf32> to vector<1x16xf32>
        tpu.vector_store %arg11[%swap3A_413, %swap3A_414], %swap3A_417 {strides = array<i32>} : memref<256x128xf32, #tpu.memory_space<vmem>>, vector<1x16xf32>,
        %get3A_418 = arith.index_cast %add3A_364 : i32 to index
        %get3A_419 = arith.constant 80 : index
        %get3A_420 = tpu.vector_load %arg11[%get3A_418, %get3A_419] {strides = array<i32>} : memref<256x128xf32, #tpu.memory_space<vmem>>, vector<1x16xf32>,
        %get3A_421 = vector.shape_cast %get3A_420 : vector<1x16xf32> to vector<16xf32>
        %mul3A_422 = arith.mulf %get3A_421, %gather3A_367 : vector<16xf32>
        %swap3A_423 = arith.index_cast %add3A_364 : i32 to index
        %swap3A_424 = arith.constant 80 : index
        %swap3A_425 = tpu.vector_load %arg11[%swap3A_423, %swap3A_424] {strides = array<i32>} : memref<256x128xf32, #tpu.memory_space<vmem>>, vector<1x16xf32>,
        %swap3A_426 = vector.shape_cast %swap3A_425 : vector<1x16xf32> to vector<16xf32>
        %swap3A_427 = vector.shape_cast %mul3A_422 : vector<16xf32> to vector<1x16xf32>
        tpu.vector_store %arg11[%swap3A_423, %swap3A_424], %swap3A_427 {strides = array<i32>} : memref<256x128xf32, #tpu.memory_space<vmem>>, vector<1x16xf32>,
        %get3A_428 = arith.index_cast %add3A_364 : i32 to index
        %get3A_429 = arith.constant 96 : index
        %get3A_430 = tpu.vector_load %arg11[%get3A_428, %get3A_429] {strides = array<i32>} : memref<256x128xf32, #tpu.memory_space<vmem>>, vector<1x16xf32>,
        %get3A_431 = vector.shape_cast %get3A_430 : vector<1x16xf32> to vector<16xf32>
        %mul3A_432 = arith.mulf %get3A_431, %gather3A_367 : vector<16xf32>
        %swap3A_433 = arith.index_cast %add3A_364 : i32 to index
        %swap3A_434 = arith.constant 96 : index
        %swap3A_435 = tpu.vector_load %arg11[%swap3A_433, %swap3A_434] {strides = array<i32>} : memref<256x128xf32, #tpu.memory_space<vmem>>, vector<1x16xf32>,
        %swap3A_436 = vector.shape_cast %swap3A_435 : vector<1x16xf32> to vector<16xf32>
        %swap3A_437 = vector.shape_cast %mul3A_432 : vector<16xf32> to vector<1x16xf32>
        tpu.vector_store %arg11[%swap3A_433, %swap3A_434], %swap3A_437 {strides = array<i32>} : memref<256x128xf32, #tpu.memory_space<vmem>>, vector<1x16xf32>,
        %get3A_438 = arith.index_cast %add3A_364 : i32 to index
        %get3A_439 = arith.constant 112 : index
        %get3A_440 = tpu.vector_load %arg11[%get3A_438, %get3A_439] {strides = array<i32>} : memref<256x128xf32, #tpu.memory_space<vmem>>, vector<1x16xf32>,
        %get3A_441 = vector.shape_cast %get3A_440 : vector<1x16xf32> to vector<16xf32>
        %mul3A_442 = arith.mulf %get3A_441, %gather3A_367 : vector<16xf32>
        %swap3A_443 = arith.index_cast %add3A_364 : i32 to index
        %swap3A_444 = arith.constant 112 : index
        %swap3A_445 = tpu.vector_load %arg11[%swap3A_443, %swap3A_444] {strides = array<i32>} : memref<256x128xf32, #tpu.memory_space<vmem>>, vector<1x16xf32>,
        %swap3A_446 = vector.shape_cast %swap3A_445 : vector<1x16xf32> to vector<16xf32>
        %swap3A_447 = vector.shape_cast %mul3A_442 : vector<16xf32> to vector<1x16xf32>
        tpu.vector_store %arg11[%swap3A_443, %swap3A_444], %swap3A_447 {strides = array<i32>} : memref<256x128xf32, #tpu.memory_space<vmem>>, vector<1x16xf32>,
        %scan3A_448 = arith.constant 0 : i32
        scf.yield %scan3A_448 : i32
      }
      %scan3A_231 = arith.constant 8 : i32
      %jit3A_232 = arith.constant 4 : i32
      %eq3A_233 = arith.constant 0 : i32
      %eq3A_234 = arith.cmpi eq, %jit3A_232, %eq3A_233 : i32
      %jit3A_235 = arith.constant 1 : i32
      %select_n3A_236 = arith.select %eq3A_234, %jit3A_235, %jit3A_232 : i32
      %rem3A_237 = arith.remsi %scan3A_130, %select_n3A_236 : i32
      %ne3A_238 = arith.constant 0 : i32
      %ne3A_239 = arith.cmpi ne, %rem3A_237, %ne3A_238 : i32
      %lt3A_240 = arith.constant 0 : i32
      %lt3A_241 = arith.cmpi slt, %rem3A_237, %lt3A_240 : i32
      %lt3A_242 = arith.constant 0 : i32
      %lt3A_243 = arith.cmpi slt, %select_n3A_236, %lt3A_242 : i32
      %ne3A_244 = arith.xori %lt3A_241, %lt3A_243 : i1
      %and3A_245 = arith.andi %ne3A_244, %ne3A_239 : i1
      %add3A_246 = arith.addi %rem3A_237, %select_n3A_236 : i32
      %select_n3A_247 = arith.select %and3A_245, %add3A_246, %rem3A_237 : i32
      %mul3A_248 = arith.constant 64 : i32
      %mul3A_249 = arith.muli %select_n3A_247, %mul3A_248 : i32
      %mul3A_250 = arith.constant 64 : i32
      %mul3A_251 = arith.muli %scan3A_130, %mul3A_250 : i32
      %dma_start3A_252 = arith.constant 0 : i32
      %dma_start3A_253 = tpu.memref_slice %arg11[%mul3A_249, %dma_start3A_252] : memref<256x128xf32, #tpu.memory_space<vmem>> -> memref<64x128xf32, #tpu.memory_space<vmem>>
      %dma_start3A_254 = tpu.memref_slice %arg9[%mul3A_251] : memref<5120xi32, #tpu.memory_space<vmem>> -> memref<64xi32, #tpu.memory_space<vmem>>
      %dma_start3A_255 = arith.constant 0 : i32
      %dma_start3A_256 = arith.constant 0 : i32
      %dma_start3A_257 = tpu.memref_slice %arg13[%dma_start3A_255, %dma_start3A_256] : memref<10000x128xf32, #tpu.memory_space<vmem_shared>> -> memref<10000x128xf32, #tpu.memory_space<vmem_shared>>
      tpu.enqueue_indirect_dma source(%dma_start3A_253 : memref<64x128xf32, #tpu.memory_space<vmem>>) target(%dma_start3A_257 : memref<10000x128xf32, #tpu.memory_space<vmem_shared>>) offsets(%dma_start3A_254 : memref<64xi32, #tpu.memory_space<vmem>>) semaphore(%arg15 : memref<!tpu.dma_semaphore, #tpu.memory_space<semaphore_mem>>) {add = true}
      %gt3A = arith.constant 0 : i32
      %gt3A_258 = arith.cmpi sgt, %scan3A_130, %gt3A : i32
      %convert_element_type3A_259 = arith.extui %gt3A_258 : i1 to i32
      %cond3A_260 = arith.constant 0 : i32
      %cond3A_261 = arith.cmpi ne, %convert_element_type3A_259, %cond3A_260 : i32
      scf.if %cond3A_261 {
        %sub3A = arith.constant 1 : i32
        %sub3A_268 = arith.subi %scan3A_130, %sub3A : i32
        %jit3A_269 = arith.constant 4 : i32
        %eq3A_270 = arith.constant 0 : i32
        %eq3A_271 = arith.cmpi eq, %jit3A_269, %eq3A_270 : i32
        %jit3A_272 = arith.constant 1 : i32
        %select_n3A_273 = arith.select %eq3A_271, %jit3A_272, %jit3A_269 : i32
        %rem3A_274 = arith.remsi %sub3A_268, %select_n3A_273 : i32
        %ne3A_275 = arith.constant 0 : i32
        %ne3A_276 = arith.cmpi ne, %rem3A_274, %ne3A_275 : i32
        %lt3A_277 = arith.constant 0 : i32
        %lt3A_278 = arith.cmpi slt, %rem3A_274, %lt3A_277 : i32
        %lt3A_279 = arith.constant 0 : i32
        %lt3A_280 = arith.cmpi slt, %select_n3A_273, %lt3A_279 : i32
        %ne3A_281 = arith.xori %lt3A_278, %lt3A_280 : i1
        %and3A_282 = arith.andi %ne3A_281, %ne3A_276 : i1
        %add3A_283 = arith.addi %rem3A_274, %select_n3A_273 : i32
        %select_n3A_284 = arith.select %and3A_282, %add3A_283, %rem3A_274 : i32
        %mul3A_285 = arith.constant 64 : i32
        %mul3A_286 = arith.muli %select_n3A_284, %mul3A_285 : i32
        %mul3A_287 = arith.constant 64 : i32
        %mul3A_288 = arith.muli %sub3A_268, %mul3A_287 : i32
        %dma_wait3A_289 = arith.constant 0 : i32
        %dma_wait3A_290 = tpu.memref_slice %arg11[%mul3A_286, %dma_wait3A_289] : memref<256x128xf32, #tpu.memory_space<vmem>> -> memref<64x128xf32, #tpu.memory_space<vmem>>
        %dma_wait3A_291 = tpu.memref_slice %arg9[%mul3A_288] : memref<5120xi32, #tpu.memory_space<vmem>> -> memref<64xi32, #tpu.memory_space<vmem>>
        %dma_wait3A_292 = arith.constant 0 : i32
        %dma_wait3A_293 = arith.constant 0 : i32
        %dma_wait3A_294 = tpu.memref_slice %arg13[%dma_wait3A_292, %dma_wait3A_293] : memref<10000x128xf32, #tpu.memory_space<vmem_shared>> -> memref<10000x128xf32, #tpu.memory_space<vmem_shared>>
        tpu.wait_indirect_dma semaphore(%arg15 : memref<!tpu.dma_semaphore, #tpu.memory_space<semaphore_mem>>) src(%dma_wait3A_290 : memref<64x128xf32, #tpu.memory_space<vmem>>) dst(%dma_wait3A_294 : memref<10000x128xf32, #tpu.memory_space<vmem_shared>>)
      } else {
      }
      %lt3A_262 = arith.constant 77 : i32
      %lt3A_263 = arith.cmpi slt, %scan3A_130, %lt3A_262 : i32
      %convert_element_type3A_264 = arith.extui %lt3A_263 : i1 to i32
      %cond3A_265 = arith.constant 0 : i32
      %cond3A_266 = arith.cmpi ne, %convert_element_type3A_264, %cond3A_265 : i32
      scf.if %cond3A_266 {
        %add3A_268 = arith.constant 3 : i32
        %add3A_269 = arith.addi %scan3A_130, %add3A_268 : i32
        %jit3A_270 = arith.constant 4 : i32
        %eq3A_271 = arith.constant 0 : i32
        %eq3A_272 = arith.cmpi eq, %jit3A_270, %eq3A_271 : i32
        %jit3A_273 = arith.constant 1 : i32
        %select_n3A_274 = arith.select %eq3A_272, %jit3A_273, %jit3A_270 : i32
        %rem3A_275 = arith.remsi %add3A_269, %select_n3A_274 : i32
        %ne3A_276 = arith.constant 0 : i32
        %ne3A_277 = arith.cmpi ne, %rem3A_275, %ne3A_276 : i32
        %lt3A_278 = arith.constant 0 : i32
        %lt3A_279 = arith.cmpi slt, %rem3A_275, %lt3A_278 : i32
        %lt3A_280 = arith.constant 0 : i32
        %lt3A_281 = arith.cmpi slt, %select_n3A_274, %lt3A_280 : i32
        %ne3A_282 = arith.xori %lt3A_279, %lt3A_281 : i1
        %and3A_283 = arith.andi %ne3A_282, %ne3A_277 : i1
        %add3A_284 = arith.addi %rem3A_275, %select_n3A_274 : i32
        %select_n3A_285 = arith.select %and3A_283, %add3A_284, %rem3A_275 : i32
        %mul3A_286 = arith.constant 64 : i32
        %mul3A_287 = arith.muli %select_n3A_285, %mul3A_286 : i32
        %mul3A_288 = arith.constant 64 : i32
        %mul3A_289 = arith.muli %add3A_269, %mul3A_288 : i32
        %dma_start3A_290 = arith.constant 0 : i32
        %dma_start3A_291 = tpu.memref_slice %arg11[%mul3A_287, %dma_start3A_290] : memref<256x128xf32, #tpu.memory_space<vmem>> -> memref<64x128xf32, #tpu.memory_space<vmem>>
        %dma_start3A_292 = tpu.memref_slice %arg8[%mul3A_289] : memref<5120xi32, #tpu.memory_space<vmem>> -> memref<64xi32, #tpu.memory_space<vmem>>
        %dma_start3A_293 = arith.constant 0 : i32
        %dma_start3A_294 = arith.constant 0 : i32
        %dma_start3A_295 = tpu.memref_slice %arg2[%dma_start3A_293, %dma_start3A_294] : memref<10000x128xf32, #tpu.memory_space<hbm>> -> memref<10000x128xf32, #tpu.memory_space<hbm>>
        tpu.enqueue_indirect_dma source(%dma_start3A_295 : memref<10000x128xf32, #tpu.memory_space<hbm>>) target(%dma_start3A_291 : memref<64x128xf32, #tpu.memory_space<vmem>>) offsets(%dma_start3A_292 : memref<64xi32, #tpu.memory_space<vmem>>) semaphore(%arg14 : memref<!tpu.dma_semaphore, #tpu.memory_space<semaphore_mem>>)
      } else {
      }
      %scan3A_267 = arith.constant 0 : i32
      scf.yield %scan3A_267 : i32
    }
    %scan3A_103 = arith.constant 80 : i32
    %dma_wait3A_104 = arith.constant 192 : i32
    %dma_wait3A_105 = arith.constant 0 : i32
    %dma_wait3A_106 = tpu.memref_slice %arg11[%dma_wait3A_104, %dma_wait3A_105] : memref<256x128xf32, #tpu.memory_space<vmem>> -> memref<64x128xf32, #tpu.memory_space<vmem>>
    %dma_wait3A_107 = arith.constant 5056 : i32
    %dma_wait3A_108 = tpu.memref_slice %arg9[%dma_wait3A_107] : memref<5120xi32, #tpu.memory_space<vmem>> -> memref<64xi32, #tpu.memory_space<vmem>>
    %dma_wait3A_109 = arith.constant 0 : i32
    %dma_wait3A_110 = arith.constant 0 : i32
    %dma_wait3A_111 = tpu.memref_slice %arg13[%dma_wait3A_109, %dma_wait3A_110] : memref<10000x128xf32, #tpu.memory_space<vmem_shared>> -> memref<10000x128xf32, #tpu.memory_space<vmem_shared>>
    tpu.wait_indirect_dma semaphore(%arg15 : memref<!tpu.dma_semaphore, #tpu.memory_space<semaphore_mem>>) src(%dma_wait3A_106 : memref<64x128xf32, #tpu.memory_space<vmem>>) dst(%dma_wait3A_111 : memref<10000x128xf32, #tpu.memory_space<vmem_shared>>)
    %barrier3A_112 = arith.constant 0 : index
    tpu.barrier barrier_id(%barrier3A_112)
    %while3A_113 = arith.constant 0 : i32
    %while3A_114 = arith.constant 0 : i32
    %while3A_115 = arith.subi %select_n3A, %while3A_113 : i32
    %while3A_116 = arith.addi %while3A_113, %while3A_115 : i32
    %while3A_117 = arith.constant 1 : i32
    %while3A_118 = arith.divsi %while3A_115, %while3A_117 : i32
    %while3A_119 = arith.muli %while3A_118, %while3A_117 : i32
    %while3A_120 = arith.addi %while3A_113, %while3A_119 : i32
    %while3A_121 = arith.constant 1 : i32
    %while3A_122 = scf.for %while3A_130 = %while3A_113 to %while3A_120 step %while3A_121 iter_args(%while3A_131 = %while3A_114) -> (i32)  : i32 {
      %mul3A_132 = arith.constant 64 : i32
      %mul3A_133 = arith.muli %while3A_130, %mul3A_132 : i32
      %add3A_134 = arith.addi %mul3A_11, %mul3A_133 : i32
      %mul3A_135 = arith.constant 64 : i32
      %mul3A_136 = arith.muli %while3A_130, %mul3A_135 : i32
      %add3A_137 = arith.addi %mul3A_11, %mul3A_136 : i32
      "tpu.region"() ({
        %run_scoped3A = tpu.sem_alloc : memref<!tpu.dma_semaphore, #tpu.memory_space<semaphore_mem>>
        %dma_start3A_139 = arith.constant 0 : i32
        %dma_start3A_140 = tpu.memref_slice %arg7[%arg0, %add3A_137, %dma_start3A_139] : memref<2x10000x128xf32, #tpu.memory_space<hbm>> -> memref<1x64x128xf32, #tpu.memory_space<hbm>>
        %dma_start3A_141 = tpu.memref_squeeze %dma_start3A_140 : memref<1x64x128xf32, #tpu.memory_space<hbm>> -> memref<64x128xf32, #tpu.memory_space<hbm>>
        %dma_start3A_142 = arith.constant 0 : i32
        %dma_start3A_143 = tpu.memref_slice %arg13[%add3A_134, %dma_start3A_142] : memref<10000x128xf32, #tpu.memory_space<vmem_shared>> -> memref<64x128xf32, #tpu.memory_space<vmem_shared>>
        tpu.enqueue_dma source(%dma_start3A_143 : memref<64x128xf32, #tpu.memory_space<vmem_shared>>) target(%dma_start3A_141 : memref<64x128xf32, #tpu.memory_space<hbm>>) target_semaphore(%run_scoped3A : memref<!tpu.dma_semaphore, #tpu.memory_space<semaphore_mem>>)
        %dma_wait3A_144 = arith.constant 0 : i32
        %dma_wait3A_145 = tpu.memref_slice %arg7[%arg0, %add3A_137, %dma_wait3A_144] : memref<2x10000x128xf32, #tpu.memory_space<hbm>> -> memref<1x64x128xf32, #tpu.memory_space<hbm>>
        %dma_wait3A_146 = tpu.memref_squeeze %dma_wait3A_145 : memref<1x64x128xf32, #tpu.memory_space<hbm>> -> memref<64x128xf32, #tpu.memory_space<hbm>>
        %dma_wait3A_147 = arith.constant 0 : i32
        %dma_wait3A_148 = tpu.memref_slice %arg13[%add3A_134, %dma_wait3A_147] : memref<10000x128xf32, #tpu.memory_space<vmem_shared>> -> memref<64x128xf32, #tpu.memory_space<vmem_shared>>
        tpu.wait_dma2 semaphore(%run_scoped3A : memref<!tpu.dma_semaphore, #tpu.memory_space<semaphore_mem>>) src(%dma_wait3A_148 : memref<64x128xf32, #tpu.memory_space<vmem_shared>>) dst(%dma_wait3A_146 : memref<64x128xf32, #tpu.memory_space<hbm>>)
        tpu.yield
      }) : () -> ()
      %while3A_138 = arith.constant 0 : i32
      scf.yield %while3A_138 : i32
    }
    %while3A_123 = arith.constant 1 : i32
    %while3A_124 = scf.for %while3A_130 = %while3A_120 to %while3A_116 step %while3A_123 iter_args(%while3A_131 = %while3A_122) -> (i32)  : i32 {
      %mul3A_132 = arith.constant 64 : i32
      %mul3A_133 = arith.muli %while3A_130, %mul3A_132 : i32
      %add3A_134 = arith.addi %mul3A_11, %mul3A_133 : i32
      %mul3A_135 = arith.constant 64 : i32
      %mul3A_136 = arith.muli %while3A_130, %mul3A_135 : i32
      %add3A_137 = arith.addi %mul3A_11, %mul3A_136 : i32
      "tpu.region"() ({
        %run_scoped3A = tpu.sem_alloc : memref<!tpu.dma_semaphore, #tpu.memory_space<semaphore_mem>>
        %dma_start3A_139 = arith.constant 0 : i32
        %dma_start3A_140 = tpu.memref_slice %arg7[%arg0, %add3A_137, %dma_start3A_139] : memref<2x10000x128xf32, #tpu.memory_space<hbm>> -> memref<1x64x128xf32, #tpu.memory_space<hbm>>
        %dma_start3A_141 = tpu.memref_squeeze %dma_start3A_140 : memref<1x64x128xf32, #tpu.memory_space<hbm>> -> memref<64x128xf32, #tpu.memory_space<hbm>>
        %dma_start3A_142 = arith.constant 0 : i32
        %dma_start3A_143 = tpu.memref_slice %arg13[%add3A_134, %dma_start3A_142] : memref<10000x128xf32, #tpu.memory_space<vmem_shared>> -> memref<64x128xf32, #tpu.memory_space<vmem_shared>>
        tpu.enqueue_dma source(%dma_start3A_143 : memref<64x128xf32, #tpu.memory_space<vmem_shared>>) target(%dma_start3A_141 : memref<64x128xf32, #tpu.memory_space<hbm>>) target_semaphore(%run_scoped3A : memref<!tpu.dma_semaphore, #tpu.memory_space<semaphore_mem>>)
        %dma_wait3A_144 = arith.constant 0 : i32
        %dma_wait3A_145 = tpu.memref_slice %arg7[%arg0, %add3A_137, %dma_wait3A_144] : memref<2x10000x128xf32, #tpu.memory_space<hbm>> -> memref<1x64x128xf32, #tpu.memory_space<hbm>>
        %dma_wait3A_146 = tpu.memref_squeeze %dma_wait3A_145 : memref<1x64x128xf32, #tpu.memory_space<hbm>> -> memref<64x128xf32, #tpu.memory_space<hbm>>
        %dma_wait3A_147 = arith.constant 0 : i32
        %dma_wait3A_148 = tpu.memref_slice %arg13[%add3A_134, %dma_wait3A_147] : memref<10000x128xf32, #tpu.memory_space<vmem_shared>> -> memref<64x128xf32, #tpu.memory_space<vmem_shared>>
        tpu.wait_dma2 semaphore(%run_scoped3A : memref<!tpu.dma_semaphore, #tpu.memory_space<semaphore_mem>>) src(%dma_wait3A_148 : memref<64x128xf32, #tpu.memory_space<vmem_shared>>) dst(%dma_wait3A_146 : memref<64x128xf32, #tpu.memory_space<hbm>>)
        tpu.yield
      }) : () -> ()
      %while3A_138 = arith.constant 0 : i32
      scf.yield %while3A_138 : i32
    }
    %eq3A_125 = arith.constant 15 : i32
    %eq3A_126 = arith.cmpi eq, %arg1, %eq3A_125 : i32
    %convert_element_type3A_127 = arith.extui %eq3A_126 : i1 to i32
    %cond3A_128 = arith.constant 0 : i32
    %cond3A_129 = arith.cmpi ne, %convert_element_type3A_127, %cond3A_128 : i32
    scf.if %cond3A_129 {
      "tpu.region"() ({
        %run_scoped3A = tpu.sem_alloc : memref<!tpu.dma_semaphore, #tpu.memory_space<semaphore_mem>>
        %dma_start3A_130 = arith.constant 9984 : i32
        %dma_start3A_131 = arith.constant 0 : i32
        %dma_start3A_132 = tpu.memref_slice %arg7[%arg0, %dma_start3A_130, %dma_start3A_131] : memref<2x10000x128xf32, #tpu.memory_space<hbm>> -> memref<1x16x128xf32, #tpu.memory_space<hbm>>
        %dma_start3A_133 = tpu.memref_squeeze %dma_start3A_132 : memref<1x16x128xf32, #tpu.memory_space<hbm>> -> memref<16x128xf32, #tpu.memory_space<hbm>>
        %dma_start3A_134 = arith.constant 9984 : i32
        %dma_start3A_135 = arith.constant 0 : i32
        %dma_start3A_136 = tpu.memref_slice %arg13[%dma_start3A_134, %dma_start3A_135] : memref<10000x128xf32, #tpu.memory_space<vmem_shared>> -> memref<16x128xf32, #tpu.memory_space<vmem_shared>>
        tpu.enqueue_dma source(%dma_start3A_136 : memref<16x128xf32, #tpu.memory_space<vmem_shared>>) target(%dma_start3A_133 : memref<16x128xf32, #tpu.memory_space<hbm>>) target_semaphore(%run_scoped3A : memref<!tpu.dma_semaphore, #tpu.memory_space<semaphore_mem>>)
        %dma_wait3A_137 = arith.constant 9984 : i32
        %dma_wait3A_138 = arith.constant 0 : i32
        %dma_wait3A_139 = tpu.memref_slice %arg7[%arg0, %dma_wait3A_137, %dma_wait3A_138] : memref<2x10000x128xf32, #tpu.memory_space<hbm>> -> memref<1x16x128xf32, #tpu.memory_space<hbm>>
        %dma_wait3A_140 = tpu.memref_squeeze %dma_wait3A_139 : memref<1x16x128xf32, #tpu.memory_space<hbm>> -> memref<16x128xf32, #tpu.memory_space<hbm>>
        %dma_wait3A_141 = arith.constant 9984 : i32
        %dma_wait3A_142 = arith.constant 0 : i32
        %dma_wait3A_143 = tpu.memref_slice %arg13[%dma_wait3A_141, %dma_wait3A_142] : memref<10000x128xf32, #tpu.memory_space<vmem_shared>> -> memref<16x128xf32, #tpu.memory_space<vmem_shared>>
        tpu.wait_dma2 semaphore(%run_scoped3A : memref<!tpu.dma_semaphore, #tpu.memory_space<semaphore_mem>>) src(%dma_wait3A_143 : memref<16x128xf32, #tpu.memory_space<vmem_shared>>) dst(%dma_wait3A_140 : memref<16x128xf32, #tpu.memory_space<hbm>>)
        tpu.yield
      }) : () -> ()
    } else {
    }
    return
  }
}

</mosaic_0001>

<sc_bundles>
// kernel: _sc_scatter.3.cloned.1.call-start
scs
__scs_entry_jumppad:
0x0: {  	(pc) =	sbr.rel $0x88, $3  }
0x1: {  	(tag) =	ssettag $0x0;
	lr =	simm.s32 $0x1  }
0x2: {  	[smem:$0x3F9C] =	sst lr;
	_ =	strace $0xD0000000  }
0x3: {  	_ = 	snop  }
0x4: {  	_ = 	snop  }
0x5: {  	_ = 	snop  }
0x6: {  	_ = 	snop  }
0x7: {  	_ = 	snop  }
__scs_overlays_trampoline_lowered:
0x8: {  	[smem:$0x3FAB] =	sst s0  }
0x9: {  	[smem:$0x3FAC] =	sst s1  }
0xa: {  	[smem:$0x3FAD] =	sst s2  }
0xb: {  	[smem:$0x3FAE] =	sst s3  }
0xc: {  	[smem:$0x3FAF] =	sst s4  }
0xd: {  	[smem:$0x3FB0] =	sst s5  }
0xe: {  	[smem:$0x3FB1] =	sst s6  }
0xf: {  	[smem:$0x3FB2] =	sst s7  }
0x10: {  	[smem:$0x3FB3] =	sst s8  }
0x11: {  	[smem:$0x3FB4] =	sst s9;
	s0 =	simm.s32 @!p0 $0x0  }
0x12: {  	s1 =	sld [smem:$0x3F9A];
	s0 =	simm.s32 @p0 $0x1  }
0x13: {  	[smem:$0x3FB5] =	sst s0;
	s0 =	simm.s32 @!p1 $0x0  }
0x14: {  	s2 =	sld [smem:$0x3F99];
	s0 =	simm.s32 @p1 $0x1  }
0x15: {  	[smem:$0x3FB6] =	sst s0;
	s0 =	simm.s32 @!p2 $0x0  }
0x16: {  	s3 =	sld [smem:$0x3FDB];
	s0 =	simm.s32 @p2 $0x1  }
0x17: {  	s4 =	simm.s32 $0x1BF5;
	[smem:$0x3FB8] =	sst s0  }
0x18: {  	s0 =	sld [smem:$0x3F9B];
	_ =	swait.ge [sflag:s4], $0x0  }
0x19: {  	s7 =	sld [smem:$0x3F9C]  }
0x1a: {  	s8 =	sadd.s32 $0xFFFFE003, lr  }
0x1b: {  	s9 =	sadd.s32 $0xFFFFFEF7, lr;
	s5 =	simm.s32 $0xFFFFFFFF;
	p2 =	slt.u32 s8, $0xFFFFF086  }
0x1c: {  	p1 =	slt.u32 s9, $0xF7A;
	s5 =	simm.s32 @!p2 $0x0  }
0x1d: {  	s5 =	simm.s32 @p1 $0x1;
	p0 =	seq.s32 s7, s2  }
0x1e: {  	s7 =	smul.u32 @!p0 $0xF7A, s2;
	p2 =	seq.s32 @!p0 s5, $0x0  }
0x1f: {  	s9 =	smul.u32 $0xF7A, s1;
	s8 =	simm.s32 @!p0 $0x1BF5;
	p2 =	por !p2, p0  }
0x20: {  	[sflag:s8] =	ssyncset.s32 @!p0 $0xFFFFF086;
	s6 =	sadd.s32 @!p0 s3, s7;
	s7 =	simm.s32 @!p0 $0x108  }
0x21: {  	s3 =	sadd.s32 s3, s9;
	s6 =	sadd.s32 @!p0 $0x88, s6;
	s7 =	simm.s32 @p2 $0x1082  }
0x22: {  	[simem:s7], [sflag:s8] =	dma.local @!p0 [hbm:s6], $0xF7A  }
0x23: {  	s9 =	sor.u32 $0xD0000000, s2;
	s6 =	simm.s32 $0x108;
	_ =	swait.ge @!p0 [sflag:s8], $0x0  }
0x24: {  	s3 =	sadd.s32 $0x88, s3;
	s6 =	simm.s32 @!p1 $0x1082;
	[sflag:s4] =	ssyncset.s32 $0xFFFFF086  }
0x25: {  	[simem:s6], [sflag:s4] =	dma.local [hbm:s3], $0xF7A  }
0x26: {  	[smem:$0x3F9C] =	sst s1;
	(tag) =	ssettag s2;
	_ =	strace s9  }
0x27: {  	s1 =	sld [smem:$0x3FAC]  }
0x28: {  	s2 =	sld [smem:$0x3FAD]  }
0x29: {  	s4 =	sld [smem:$0x3FAF]  }
0x2a: {  	p0 =	seq.s32 s5, $0x0;
	s5 =	sld [smem:$0x3FB0]  }
0x2b: {  	s6 =	sld [smem:$0x3FB1]  }
0x2c: {  	s7 =	sld [smem:$0x3FB2]  }
0x2d: {  	s3 =	simm.s32 $0x108;
	s8 =	sld [smem:$0x3FB3]  }
0x2e: {  	s3 =	simm.s32 @!p0 $0x1082;
	s9 =	sld [smem:$0x3FB4]  }
0x2f: {  	lr =	sadd.s32 s0, s3;
	s0 =	sld [smem:$0x3FAB]  }
0x30: {  	s3 =	sld [smem:$0x3FAE]  }
0x31: {  	[smem:$0x3FB7] =	sst s10  }
0x32: {  	s10 =	sld [smem:$0x3FB5];
	_ =	sdelay $0x3  }
0x33: {  	p0 =	seq.s32 s10, $0x1;
	s10 =	sld [smem:$0x3FB7];
	_ =	sdelay $0x3  }
0x34: {  	[smem:$0x3FB7] =	sst s10  }
0x35: {  	s10 =	sld [smem:$0x3FB6];
	_ =	sdelay $0x3  }
0x36: {  	p1 =	seq.s32 s10, $0x1;
	s10 =	sld [smem:$0x3FB7];
	_ =	sdelay $0x3  }
0x37: {  	[smem:$0x3FB7] =	sst s10  }
0x38: {  	s10 =	sld [smem:$0x3FB8]  }
0x39: {  	_ = 	snop;
	(pc) =	sbr.ind lr, $3  }
0x3a: {  	_ = 	snop  }
0x3b: {  	_ = 	snop  }
0x3c: {  	p2 =	seq.s32 s10, $0x1;
	s10 =	sld [smem:$0x3FB7]  }
0x3d: {  	_ =	shalt  }
0x3e: {  	_ =	shalt  }
0x3f: {  	_ =	shalt  }
0x40: {  	_ =	shalt  }
0x41: {  	_ =	shalt  }
0x42: {  	_ =	shalt  }
0x43: {  	_ =	shalt  }
0x44: {  	_ =	shalt  }
0x45: {  	_ =	shalt  }
0x46: {  	_ =	shalt  }
0x47: {  	_ =	shalt  }
0x48: {  	_ =	shalt  }
0x49: {  	_ =	shalt  }
0x4a: {  	_ =	shalt  }
0x4b: {  	_ =	shalt  }
0x4c: {  	_ =	shalt  }
0x4d: {  	_ =	shalt  }
0x4e: {  	_ =	shalt  }
0x4f: {  	_ =	shalt  }
0x50: {  	_ =	shalt  }
0x51: {  	_ =	shalt  }
0x52: {  	_ =	shalt  }
0x53: {  	_ =	shalt  }
0x54: {  	_ =	shalt  }
0x55: {  	_ =	shalt  }
0x56: {  	_ =	shalt  }
0x57: {  	_ =	shalt  }
0x58: {  	_ =	shalt  }
0x59: {  	_ =	shalt  }
0x5a: {  	_ =	shalt  }
0x5b: {  	_ =	shalt  }
0x5c: {  	_ =	shalt  }
0x5d: {  	_ =	shalt  }
0x5e: {  	_ =	shalt  }
0x5f: {  	_ =	shalt  }
0x60: {  	_ =	shalt  }
0x61: {  	_ =	shalt  }
0x62: {  	_ =	shalt  }
0x63: {  	_ =	shalt  }
0x64: {  	_ =	shalt  }
0x65: {  	_ =	shalt  }
0x66: {  	_ =	shalt  }
0x67: {  	_ =	shalt  }
0x68: {  	_ =	shalt  }
0x69: {  	_ =	shalt  }
0x6a: {  	_ =	shalt  }
0x6b: {  	_ =	shalt  }
0x6c: {  	_ =	shalt  }
0x6d: {  	_ =	shalt  }
0x6e: {  	_ =	shalt  }
0x6f: {  	_ =	shalt  }
0x70: {  	_ =	shalt  }
0x71: {  	_ =	shalt  }
0x72: {  	_ =	shalt  }
0x73: {  	_ =	shalt  }
0x74: {  	_ =	shalt  }
0x75: {  	_ =	shalt  }
0x76: {  	_ =	shalt  }
0x77: {  	_ =	shalt  }
0x78: {  	_ =	shalt  }
0x79: {  	_ =	shalt  }
0x7a: {  	_ =	shalt  }
0x7b: {  	_ =	shalt  }
0x7c: {  	_ =	shalt  }
0x7d: {  	_ =	shalt  }
0x7e: {  	_ =	shalt  }
0x7f: {  	_ =	shalt  }
0x80: {  	_ =	shalt  }
0x81: {  	_ =	shalt  }
0x82: {  	_ =	shalt  }
0x83: {  	_ =	shalt  }
0x84: {  	_ =	shalt  }
0x85: {  	_ =	shalt  }
0x86: {  	_ =	shalt  }
0x87: {  	_ =	shalt  }
.Lfunc_end0:
.L_simem_size_0:
called_computation_lowered:
.L_overlay_start_0:
0x88: {  	s2 =	sld [smem:$0x3FD9]  }
0x89: {  	s3 =	sld [smem:$0x3FFE];
	_ =	sdelay $0x1  }
0x8a: {  	s1 =	srdreg.scid  }
0x8b: {  	s0 =	sand.u32 $0x1, s1  }
0x8c: {  	s18 =	sshll.u32 s0, $0xA;
	s2 =	sadd.s32 s3, s2  }
0x8d: {  	s2 =	sadd.s32 s2, s18  }
0x8e: {  	[smem:$0x3FC3] =	sst s2  }
0x8f: {  	_ = 	snop  }
0x90: {  	s2 =	sld [smem:$0x3FC9]  }
0x91: {  	s19 =	sld [smem:$0x3FC8]  }
0x92: {  	s4 =	sld [smem:$0x3FC7]  }
0x93: {  	s5 =	sld [smem:$0x3FC6]  }
0x94: {  	s6 =	sld [smem:$0x3FC5]  }
0x95: {  	s7 =	sld [smem:$0x3FD0];
	(tm) =	ssettm $0x1  }
0x96: {  	s8 =	sld [smem:$0x3FFB];
	_ =	sdelay $0x3  }
0x97: {  	_ =	strace s8  }
0x98: {  	s8 =	sld [smem:$0x3FFC];
	_ =	sdelay $0x3  }
0x99: {  	_ =	strace s8  }
0x9a: {  	s8 =	sld [smem:$0x3FFD];
	_ =	sdelay $0x3  }
0x9b: {  	_ =	strace s8  }
0x9c: {  	_ =	strace $0x8FFFFFFF  }
0x9d: {  	s20 =	sld [smem:$0x3FDB];
	_ =	sdelay $0x1  }
0x9e: {  	s9 =	simm.s32 $_scs_section_size  }
0x9f: {  	s10 =	simm.s32 $_size__tile_overlayer_lowered;
	s11 =	simm.s32 $_tile_overlayer_lowered  }
0xa0: {  	s23 =	simm.s32 $0x1BFF;
	s22 =	sshll.u32 s11, $0x1;
	s8 =	sadd.s32 s9, s20  }
0xa1: {  	s12 =	simm.s32 $0x0;
	s21 =	sshll.u32 s10, $0x1;
	s10 =	sadd.s32 s22, s8  }
0xa2: {  	[timem:s12], [sflag:s23] =	dma.local [hbm:s10], s21  }
0xa3: {  	_ =	swait.ge [sflag:s23], s21  }
0xa4: {  	s9 =	ssub.s32 $0x0, s21;
	[sflag:s23] =	ssyncset.done $0x0  }
0xa5: {  	[sflag:s23] =	ssyncadd.s32 s9;
	_ =	sdelay $0x1  }
0xa6: {  	s24 =	simm.s32 $0x1B8B  }
0xa7: {  	_ =	swait.ge [sflag:s24], $0x1  }
0xa8: {  	[sflag:s24] =	ssyncset.done $0x0  }
0xa9: {  	s25 =	simm.s32 $0x1B8E;
	[sflag:s24] =	ssyncadd.s32 $0xFFFFFFFF  }
0xaa: {  	s26 =	simm.s32 $execute0_lowered;
	[smem:$0x3FD2] =	sst s25  }
0xab: {  	s9 =	sshll.u32 s26, $0x1;
	_ =	strace $0x80000046;
	[dreg:$0x1] =	wrdreg $0xFFFFFFFF  }
0xac: {  	s28 =	simm.s32 $_size_execute0_lowered;
	s8 =	sadd.s32 s8, s9;
	[dreg:$0x0] =	wrdreg $0x0  }
0xad: {  	s9 =	sshll.u32 s28, $0x1;
	[dreg:$0x2] =	wrdreg s8  }
0xae: {  	[dreg:$0x3] =	wrdreg s9  }
0xaf: {  	[dreg:$0x4] =	wrdreg $0xC0  }
0xb0: {  	_ =	task [dreg:s12], $0x5FFFF  }
0xb1: {  	[dreg:$0x1] =	wrdreg $0xFFFFFFFF  }
0xb2: {  	[dreg:$0x0] =	wrdreg $0x60  }
0xb3: {  	[dreg:$0x2] =	wrdreg s2  }
0xb4: {  	[dreg:$0x3] =	wrdreg s19  }
0xb5: {  	[dreg:$0x4] =	wrdreg s4  }
0xb6: {  	[dreg:$0x5] =	wrdreg s5  }
0xb7: {  	[dreg:$0x6] =	wrdreg s6  }
0xb8: {  	[dreg:$0x7] =	wrdreg s7  }
0xb9: {  	[dreg:$0x8] =	wrdreg $0xBC800  }
0xba: {  	[dreg:$0x9] =	wrdreg $0x9  }
0xbb: {  	_ =	task.clear_ibuf [dreg:s12], $0xAFFFF;
	_ =	strace $0x90000046  }
0xbc: {  	s29 =	simm.s32 $0x9;
	_ =	strace $0x80000048  }
0xbd: {  	_ =	swait.ge [sflag:s29], $0x1  }
0xbe: {  	[sflag:s29] =	ssyncadd.s32 $0xFFFFFFFF  }
0xbf: {  	_ =	strace $0x90000048  }
0xc0: {  	_ =	sfence  }
0xc1: {  	s30 =	sld [smem:$0x0];
	_ =	sdelay $0x2  }
0xc2: {  	s31 =	sshll.u32 s1, $0xD;
	s1 =	sshrl.u32 s1, $0x2  }
0xc3: {  	s3 =	sand.u32 $0x4000, s31;
	s1 =	sadd.s32 s1, s30  }
0xc4: {  	s0 =	sor.u32 s3, s0;
	s1 =	sshll.u32 s1, $0x11  }
0xc5: {  	s0 =	sor.u32 s1, s0  }
0xc6: {  	s0 =	sadd.s32 $0x8F2B, s0  }
0xc7: {  	[sflag:s0] =	ssyncadd.remote.s32 $0x1  }
0xc8: {  	_ =	sfence.sel $0xFFFF  }
0xc9: {  	[dreg:$0x0] =	wrdreg $0xFFFFFFFF;
	(pc) =	sbr.abs _section_cstart, $3  }
0xca: {  	[dreg:$0x1] =	wrdreg $0xFFFFFFFF  }
0xcb: {  	_ =	task.clear_ibuf [dreg:s12], $0x2FFFF;
	_ =	strace $0x9FFFFFFF  }
0xcc: {  	(tm) =	ssettm $0x7FFFFFFF  }
0xcd: {  	_ =	shalt  }
tec
execute0_lowered:
.L_overlay_start_1:
0x0: {  	(tag) =	ssettag $0x1  }
0x1: {  	s0 =	rddreg [dreg:$0x0]  }
0x2: {  	s1 =	rddreg [dreg:$0x1]  }
0x3: {  	s2 =	rddreg [dreg:$0x2]  }
0x4: {  	s4 =	rddreg [dreg:$0x3]  }
0x5: {  	s9 =	rddreg [dreg:$0x5]  }
0x6: {  	s3 =	rddreg [dreg:$0x6]  }
0x7: {  	s5 =	simm.s32 $0x0;
	s6 =	srdreg.scid;
	s20 =	stileid.u32  }
0x8: {  	s18 =	simm.s32 $0x3C00;
	s19 =	simm.s32 $0x3;
	s23 =	simm.s32 $0x40  }
0x9: {  	s28 =	simm.s32 $0x1;
	s29 =	simm.s32 $0x2;
	[smem:$0x7FF] =	sst s5  }
0xa: {  	s10 =	sand.u32 $0x1, s6;
	s8 =	smul.u32 $0x50000, s20;
	p0 =	seq.s32 s20, $0xF  }
0xb: {  	s17 =	smul.u32 $0x14000, s20;
	_ =	strace $0x80000047;
	s7 =	ssub.s32 $0x2, s10  }
0xc: {  	s6 =	sshll.u32 s10, $0x4;
	s14 =	smul.u32 $0x138800, s10;
	s11 =	sshrl.u32 s7, $0x1  }
0xd: {  	s12 =	sor.u32 s20, s6;
	s6 =	simm.s32 $0x6;
	s8 =	sshrl.u32 s8, $0x2  }
0xe: {  	s12 =	smul.u32 $0x2800, s12;
	s16 =	ssub.s32 s7, s11;
	s6 =	simm.s32 @!p0 $0xA  }
0xf: {  	s7 =	sadd.s32 s8, s3;
	s8 =	sadd.s32 $0x138000, s3;
	s30 =	sshrl.u32 s14, $0x3  }
0x10: {  	s31 =	sadd.s32 s17, s14;
	p0 =	sne.s32 s20, $0xF;
	s24 =	sshrl.u32 s12, $0x3  }
0x11: {  	s16 =	smax.u32 s16, $0x1;
	s25 =	sadd.s32 s1, s24;
	s15 =	sadd.s32 $0x280, s24  }
0x12: {  	s26 =	sadd.s32 s2, s24;
	s11 =	sadd.s32 s4, s24;
	[dreg:$0x8] =	wrdreg s25  }
0x13: {  	[dreg:$0x9] =	wrdreg s26;
	s12 =	sadd.s32 s1, s15;
	s13 =	sadd.s32 s2, s15  }
0x14: {  	s14 =	sadd.s32 s4, s15;
	s1 =	sadd.s32 s9, s30;
	s2 =	sshrl.u32 s31, $0x3  }
0x15: {  	v0 =	vimm.f32 $0.0e+00;
	s26 =	simm.s32 $0x7C00;
	s15 =	sadd.s32 $0x27000, s1;
	s17 =	sadd.s32 s2, s9  }
.LBB2_1:
0x16: {  	s1 =	simm.s32 $0x0;
	s2 =	simm.s32 $0x200  }
.LBB2_2:
0x17: {  	p1 =	sne.s32 s2, $0x7E00;
	[tilespmem:s1+$0x3C70] =	vst v0  }
0x18: {  	[tilespmem:s1+$0x3C00] =	vst v0  }
0x19: {  	[tilespmem:s1+$0x3C10] =	vst v0  }
.Ltmp0:
0x1a: {  	[tilespmem:s1+$0x3C20] =	vst v0;
	(pc) =	sbr.rel @p1 .LBB2_2-.Ltmp0, $4  }
0x1b: {  	[tilespmem:s1+$0x3C30] =	vst v0  }
0x1c: {  	[tilespmem:s1+$0x3C40] =	vst v0  }
0x1d: {  	[tilespmem:s1+$0x3C50] =	vst v0  }
0x1e: {  	[tilespmem:s1+$0x3C60] =	vst v0;
	s1 =	sshra.s32 s2, $0x2;
	s2 =	sadd.s32 $0x200, s2  }
0x1f: {  	[tilespmem:s1+$0x3C70] =	vst v0  }
0x20: {  	[tilespmem:s1+$0x3C00] =	vst v0  }
0x21: {  	[tilespmem:s1+$0x3C10] =	vst v0  }
0x22: {  	[tilespmem:s1+$0x3C20] =	vst v0  }
0x23: {  	[tilespmem:s1+$0x3C30] =	vst v0  }
0x24: {  	[tilespmem:s1+$0x3C40] =	vst v0;
	p1 =	sne.s32 s6, $0x1  }
.Ltmp1:
0x25: {  	[tilespmem:s1+$0x3C50] =	vst v0;
	(pc) =	sbr.rel @!p1 .LBB2_5-.Ltmp1, $4  }
0x26: {  	[tilespmem:s1+$0x3C60] =	vst v0  }
0x27: {  	[spmem:s7] =	stream.linear.scatter [tilespmem:s18], [sflag:$0x3], $0x2000, $0x38;
	[tilespmem:$0x1F500] =	vst v63  }
0x28: {  	_ =	swait.ge [sflag:s19], $0x2000  }
0x29: {  	s1 =	sadd.s32 $0xFFFFFFFF, s6;
	s2 =	smov.u32 s7;
	[sflag:s19] =	ssyncset.done $0x0  }
.LBB2_4:
0x2a: {  	p2 =	sne.s32 s1, $0x1;
	[sflag:s19] =	ssyncadd.s32 $0xFFFFE000;
	s2 =	sadd.s32 $0x2000, s2  }
.Ltmp2:
0x2b: {  	s1 =	sadd.s32 $0xFFFFFFFF, s1;
	(pc) =	sbr.rel @p2 .LBB2_4-.Ltmp2, $4  }
0x2c: {  	_ = 	snop  }
0x2d: {  	[spmem:s2] =	stream.linear.scatter [tilespmem:s18], [sflag:$0x3], $0x2000, $0x38;
	[tilespmem:$0x1F500] =	vst v63  }
0x2e: {  	_ =	swait.ge [sflag:s19], $0x2000  }
0x2f: {  	[sflag:s19] =	ssyncset.done $0x0  }
.LBB2_5:
0x30: {  	[sflag:s19] =	ssyncadd.s32 $0xFFFFE000;
	s1 =	simm.s32 @!p0 $0x3C00  }
0x31: {  	[spmem:s8] =	stream.linear.scatter @!p0 [tilespmem:s1], [sflag:$0x3], $0x800, $0x38;
	[tilespmem:$0x1F500] =	vst v63  }
0x32: {  	s1 =	simm.s32 @!p0 $0x3  }
0x33: {  	_ =	swait.ge @!p0 [sflag:s1], $0x800  }
0x34: {  	[sflag:s1] =	ssyncset.done @!p0 $0x0  }
0x35: {  	[sflag:s1] =	ssyncadd.s32 @!p0 $0xFFFFF800  }
0x36: {  	[bflag:$0x0] =	sbarrier.arrive $0xFFFF  }
0x37: {  	s30 =	simm.s32 $0x0;
	s2 =	simm.s32 $0xBC00;
	s9 =	rddreg [dreg:$0x4]  }
0x38: {  	[tilespmem:s2], [sflag:$0x3] =	stream.linear.gather [hbm4b:s9+s30], $0x80, $0x38;
	[tilespmem:$0x1F500] =	vst v63  }
0x39: {  	_ =	swait.ge [sflag:s19], $0x80  }
0x3a: {  	[sflag:s19] =	ssyncset.done $0x0  }
0x3b: {  	s10 =	rddreg [dreg:$0x8];
	[sflag:s19] =	ssyncadd.s32 $0xFFFFFF80  }
0x3c: {  	v1 =	vld [tilespmem:$0xBC00];
	[tilespmem:s30], [sflag:$0x3] =	stream.linear.gather [hbm4b:s10+s30], $0x1400, $0x38  }
0x3d: {  	_ =	swait.ge [sflag:s19], $0x1400  }
0x3e: {  	[sflag:s19] =	ssyncset.done $0x0  }
0x3f: {  	s21 =	simm.s32 $0x1400;
	s20 =	rddreg [dreg:$0x9];
	[sflag:s19] =	ssyncadd.s32 $0xFFFFEC00  }
0x40: {  	[tilespmem:s21], [sflag:$0x3] =	stream.linear.gather [hbm4b:s20+s30], $0x1400, $0x38;
	[tilespmem:$0x1F500] =	vst v63  }
0x41: {  	_ =	swait.ge [sflag:s19], $0x1400  }
0x42: {  	[sflag:s19] =	ssyncset.done $0x0  }
0x43: {  	s22 =	simm.s32 $0x2800;
	[sflag:s19] =	ssyncadd.s32 $0xFFFFEC00  }
0x44: {  	[tilespmem:s22], [sflag:$0x3] =	stream.linear.gather [hbm4b:s11+s30], $0x1400, $0x38;
	[tilespmem:$0x1F500] =	vst v63  }
0x45: {  	_ =	swait.ge [sflag:s19], $0x1400  }
0x46: {  	[sflag:s19] =	ssyncset.done $0x0  }
0x47: {  	[sflag:s19] =	ssyncadd.s32 $0xFFFFEC00  }
0x48: {  	[tilespmem:s18], [sflag:$0x1] =	stream.indirect.gather [hbm4b:s0+s23], $0x80, s30, s23, $0xb8;
	[tilespmem:$0x1F500] =	vst v63  }
0x49: {  	s24 =	simm.s32 $0x5C00  }
0x4a: {  	[tilespmem:s24], [sflag:$0x1] =	stream.indirect.gather [hbm4b:s0+s23], $0x80, s23, s23, $0xb8;
	[tilespmem:$0x1F500] =	vst v63  }
0x4b: {  	s25 =	simm.s32 $0x80;
	s31 =	simm.s32 $0x0;
	s1 =	simm.s32 $0x0  }
0x4c: {  	[tilespmem:s26], [sflag:$0x1] =	stream.indirect.gather [hbm4b:s0+s23], $0x80, s25, s23, $0xb8;
	[tilespmem:$0x1F500] =	vst v63  }
.LBB2_6:
0x4d: {  	_ =	swait.ge [sflag:s28], $0x2000  }
0x4e: {  	[sflag:s28] =	ssyncset.done $0x0  }
0x4f: {  	s2 =	sshll.u32 s1, $0x6;
	[sflag:s28] =	ssyncadd.s32 $0xFFFFE000  }
0x50: {  	v2 =	vld [tilespmem:s2+$0x2800]  }
0x51: {  	s4 =	sshll.u32 s31, $0xD  }
0x52: {  	s4 =	sand.u32 $0x6000, s4  }
0x53: {  	s25 =	sadd.s32 $0x3C80, s4  }
0x54: {  	v4 =	vld [tilespmem:s25+$0xFFFFFF80]  }
0x55: {  	v5 =	vld [tilespmem:s25+$0xFFFFFF90];
	v3 =	vmul.f32 v2, v1  }
0x56: {  	v6 =	vld [tilespmem:s25+$0xFFFFFFA0];
	v2 =	vmov s30  }
0x57: {  	v7 =	vld [tilespmem:s25+$0xFFFFFFB0];
	v2 =	vperm.xlane v3, v2  }
0x58: {  	v8 =	vld [tilespmem:s25+$0xFFFFFFC0]  }
0x59: {  	v9 =	vld [tilespmem:s25+$0xFFFFFFD0];
	v4 =	vmul.f32 v4, v2  }
0x5a: {  	v10 =	vld [tilespmem:s25+$0xFFFFFFE0];
	v5 =	vmul.f32 v5, v2  }
0x5b: {  	v11 =	vld [tilespmem:s25+$0x0];
	[tilespmem:s25+$0xFFFFFF80] =	vst v4;
	v4 =	vmul.f32 v6, v2  }
0x5c: {  	s9 =	simm.s32 $0x1;
	v12 =	vld [tilespmem:s25+$0x10];
	[tilespmem:s25+$0xFFFFFF90] =	vst v5;
	v5 =	vmul.f32 v7, v2  }
0x5d: {  	v13 =	vld [tilespmem:s25+$0x20];
	v6 =	vmul.f32 v8, v2;
	[tilespmem:s25+$0xFFFFFFA0] =	vst v4;
	v4 =	vmov s9  }
0x5e: {  	v7 =	vmul.f32 v9, v2;
	[tilespmem:s25+$0xFFFFFFB0] =	vst v5;
	v5 =	vld [tilespmem:s25+$0x30];
	v4 =	vperm.xlane v3, v4  }
0x5f: {  	v8 =	vmul.f32 v10, v2;
	[tilespmem:s25+$0xFFFFFFC0] =	vst v6;
	v6 =	vld [tilespmem:s25+$0x40]  }
0x60: {  	[tilespmem:s25+$0xFFFFFFD0] =	vst v7;
	v7 =	vld [tilespmem:s25+$0x50];
	v9 =	vmul.f32 v11, v4  }
0x61: {  	s24 =	simm.s32 $0x2;
	s20 =	sadd.s32 $0x54F0, s4;
	s21 =	sadd.s32 $0x4CF0, s4;
	[tilespmem:s25+$0xFFFFFFE0] =	vst v8;
	v8 =	vld [tilespmem:s25+$0x60];
	v11 =	vmul.f32 v12, v4  }
0x62: {  	s22 =	sadd.s32 $0x44F0, s4;
	s4 =	sand.u32 $0xC0, s2;
	s9 =	smov.u32 s25;
	v10 =	vmul.f32 v13, v4;
	[tilespmem:s25+$0x0] =	vst v9;
	v9 =	vld [tilespmem:s25+$0x70]  }
.LBB2_7:
0x63: {  	p2 =	sne.s32 s24, $0xE;
	v12 =	vld [tilespmem:s25+$0xFFFFFFF0];
	[tilespmem:s25+$0x10] =	vst v11;
	v5 =	vmul.f32 v5, v4;
	s9 =	sadd.s32 $0x100, s9  }
0x64: {  	v11 =	vld [tilespmem:s9+$0xFFFFFF80];
	[tilespmem:s25+$0x20] =	vst v10;
	v6 =	vmul.f32 v6, v4  }
0x65: {  	v10 =	vld [tilespmem:s9+$0xFFFFFF90];
	[tilespmem:s25+$0x30] =	vst v5;
	v5 =	vmul.f32 v7, v4  }
0x66: {  	v7 =	vmov s24;
	v13 =	vld [tilespmem:s9+$0xFFFFFFA0];
	[tilespmem:s25+$0x40] =	vst v6;
	v6 =	vmul.f32 v8, v4  }
0x67: {  	v7 =	vperm.xlane v3, v7;
	v8 =	vld [tilespmem:s9+$0xFFFFFFB0];
	[tilespmem:s25+$0x50] =	vst v5;
	v4 =	vmul.f32 v9, v4  }
0x68: {  	v5 =	vld [tilespmem:s9+$0xFFFFFFC0];
	v9 =	vmul.f32 v12, v2;
	[tilespmem:s25+$0x60] =	vst v6  }
0x69: {  	v2 =	vmov v7;
	v6 =	vmul.f32 v11, v7;
	v11 =	vld [tilespmem:s9+$0xFFFFFFD0];
	[tilespmem:s25+$0x70] =	vst v4  }
0x6a: {  	v4 =	vmul.f32 v10, v2;
	v7 =	vld [tilespmem:s9+$0xFFFFFFE0];
	[tilespmem:s25+$0xFFFFFFF0] =	vst v9;
	s25 =	smov.u32 s9  }
0x6b: {  	[tilespmem:s9+$0xFFFFFF80] =	vst v6;
	v6 =	vmul.f32 v13, v2;
	v9 =	vld [tilespmem:s9+$0x0]  }
0x6c: {  	s10 =	sadd.s32 $0x1, s24;
	[tilespmem:s9+$0xFFFFFF90] =	vst v4;
	v4 =	vmul.f32 v8, v2;
	v8 =	vld [tilespmem:s9+$0x10]  }
0x6d: {  	[tilespmem:s9+$0xFFFFFFA0] =	vst v6;
	v6 =	vmul.f32 v5, v2;
	v5 =	vmov s10;
	v10 =	vld [tilespmem:s9+$0x20]  }
.Ltmp3:
0x6e: {  	[tilespmem:s9+$0xFFFFFFB0] =	vst v4;
	v11 =	vmul.f32 v11, v2;
	v4 =	vperm.xlane v3, v5;
	v5 =	vld [tilespmem:s9+$0x30];
	(pc) =	sbr.rel @p2 .LBB2_7-.Ltmp3, $4  }
0x6f: {  	[tilespmem:s9+$0xFFFFFFC0] =	vst v6;
	v12 =	vmul.f32 v7, v2;
	v6 =	vld [tilespmem:s9+$0x40]  }
0x70: {  	[tilespmem:s9+$0xFFFFFFD0] =	vst v11;
	v9 =	vmul.f32 v9, v4;
	v7 =	vld [tilespmem:s9+$0x50]  }
0x71: {  	[tilespmem:s9+$0xFFFFFFE0] =	vst v12;
	v11 =	vmul.f32 v8, v4;
	v8 =	vld [tilespmem:s9+$0x60]  }
0x72: {  	s24 =	sadd.s32 $0x2, s24;
	[tilespmem:s9+$0x0] =	vst v9;
	v10 =	vmul.f32 v10, v4;
	v9 =	vld [tilespmem:s9+$0x70]  }
0x73: {  	v3 =	vld [tilespmem:s25+$0xFFFFFFF0];
	[tilespmem:s25+$0x10] =	vst v11;
	v5 =	vmul.f32 v5, v4  }
0x74: {  	[tilespmem:s25+$0x20] =	vst v10;
	v6 =	vmul.f32 v6, v4  }
0x75: {  	[tilespmem:s25+$0x30] =	vst v5;
	v5 =	vmul.f32 v7, v4  }
0x76: {  	[tilespmem:s25+$0x40] =	vst v6;
	v6 =	vmul.f32 v8, v4  }
0x77: {  	[tilespmem:s25+$0x50] =	vst v5;
	v4 =	vmul.f32 v9, v4  }
0x78: {  	v2 =	vmul.f32 v3, v2;
	[tilespmem:s25+$0x60] =	vst v6  }
0x79: {  	[tilespmem:s25+$0x70] =	vst v4  }
0x7a: {  	[tilespmem:s25+$0xFFFFFFF0] =	vst v2  }
0x7b: {  	v2 =	vld [tilespmem:s2+$0x2810];
	_ =	sdelay $0x3  }
0x7c: {  	v3 =	vld [tilespmem:s22+$0xFFFFFF10]  }
0x7d: {  	s9 =	simm.s32 $0x0;
	v4 =	vld [tilespmem:s22+$0xFFFFFF20];
	v2 =	vmul.f32 v2, v1  }
0x7e: {  	v5 =	vmov s9;
	v6 =	vld [tilespmem:s22+$0xFFFFFF30]  }
0x7f: {  	v7 =	vperm.xlane v2, v5;
	v5 =	vld [tilespmem:s22+$0xFFFFFF40]  }
0x80: {  	v8 =	vld [tilespmem:s22+$0xFFFFFF50]  }
0x81: {  	v9 =	vld [tilespmem:s22+$0xFFFFFF60];
	v3 =	vmul.f32 v3, v7  }
0x82: {  	v10 =	vld [tilespmem:s22+$0xFFFFFF70];
	v4 =	vmul.f32 v4, v7  }
0x83: {  	[tilespmem:s22+$0xFFFFFF10] =	vst v3;
	v3 =	vmul.f32 v6, v7;
	v6 =	vld [tilespmem:s22+$0xFFFFFF80]  }
0x84: {  	v11 =	vld [tilespmem:s22+$0xFFFFFF90];
	[tilespmem:s22+$0xFFFFFF20] =	vst v4;
	v4 =	vmul.f32 v5, v7  }
0x85: {  	s25 =	simm.s32 $0x1;
	[tilespmem:s22+$0xFFFFFF30] =	vst v3;
	v3 =	vmul.f32 v8, v7;
	v8 =	vld [tilespmem:s22+$0xFFFFFFA0]  }
0x86: {  	v12 =	vmov s25;
	v9 =	vmul.f32 v9, v7;
	[tilespmem:s22+$0xFFFFFF40] =	vst v4;
	v4 =	vld [tilespmem:s22+$0xFFFFFFB0]  }
0x87: {  	v10 =	vmul.f32 v10, v7;
	v5 =	vld [tilespmem:s22+$0xFFFFFFC0];
	[tilespmem:s22+$0xFFFFFF50] =	vst v3;
	v3 =	vperm.xlane v2, v12  }
0x88: {  	[tilespmem:s22+$0xFFFFFF60] =	vst v9;
	v9 =	vmul.f32 v6, v7;
	v7 =	vld [tilespmem:s22+$0xFFFFFFD0]  }
0x89: {  	[tilespmem:s22+$0xFFFFFF70] =	vst v10;
	v6 =	vld [tilespmem:s22+$0xFFFFFFE0];
	v10 =	vmul.f32 v11, v3  }
0x8a: {  	s24 =	smov.u32 s22;
	s9 =	simm.s32 $0x2;
	[tilespmem:s22+$0xFFFFFF80] =	vst v9;
	v9 =	vmul.f32 v8, v3;
	v8 =	vld [tilespmem:s22+$0x0]  }
.LBB2_9:
0x8b: {  	p2 =	sne.s32 s9, $0xE;
	[tilespmem:s22+$0xFFFFFF90] =	vst v10;
	v4 =	vmul.f32 v4, v3;
	v10 =	vld [tilespmem:s22+$0xFFFFFFF0];
	s24 =	sadd.s32 $0x100, s24  }
0x8c: {  	v11 =	vld [tilespmem:s24+$0xFFFFFF10];
	[tilespmem:s22+$0xFFFFFFA0] =	vst v9;
	v5 =	vmul.f32 v5, v3  }
0x8d: {  	v9 =	vld [tilespmem:s24+$0xFFFFFF20];
	[tilespmem:s22+$0xFFFFFFB0] =	vst v4;
	v4 =	vmul.f32 v7, v3  }
0x8e: {  	v7 =	vmov s9;
	v12 =	vld [tilespmem:s24+$0xFFFFFF30];
	[tilespmem:s22+$0xFFFFFFC0] =	vst v5;
	v5 =	vmul.f32 v6, v3  }
0x8f: {  	v6 =	vperm.xlane v2, v7;
	v7 =	vld [tilespmem:s24+$0xFFFFFF40];
	[tilespmem:s22+$0xFFFFFFD0] =	vst v4;
	v4 =	vmul.f32 v8, v3  }
0x90: {  	v8 =	vld [tilespmem:s24+$0xFFFFFF50];
	[tilespmem:s22+$0xFFFFFFE0] =	vst v5;
	v3 =	vmul.f32 v10, v3  }
0x91: {  	v5 =	vmul.f32 v11, v6;
	v10 =	vld [tilespmem:s24+$0xFFFFFF60];
	[tilespmem:s22+$0x0] =	vst v4  }
0x92: {  	v4 =	vmul.f32 v9, v6;
	v9 =	vld [tilespmem:s24+$0xFFFFFF70];
	[tilespmem:s22+$0xFFFFFFF0] =	vst v3;
	s22 =	smov.u32 s24  }
0x93: {  	[tilespmem:s24+$0xFFFFFF10] =	vst v5;
	v3 =	vmul.f32 v12, v6;
	v11 =	vld [tilespmem:s24+$0xFFFFFF80]  }
0x94: {  	[tilespmem:s24+$0xFFFFFF20] =	vst v4;
	v4 =	vmul.f32 v7, v6;
	v12 =	vld [tilespmem:s24+$0xFFFFFF90]  }
0x95: {  	s10 =	sadd.s32 $0x1, s9;
	[tilespmem:s24+$0xFFFFFF30] =	vst v3;
	v3 =	vmul.f32 v8, v6;
	v8 =	vld [tilespmem:s24+$0xFFFFFFA0]  }
.Ltmp4:
0x96: {  	v5 =	vmov s10;
	[tilespmem:s24+$0xFFFFFF40] =	vst v4;
	v7 =	vmul.f32 v10, v6;
	v4 =	vld [tilespmem:s24+$0xFFFFFFB0];
	(pc) =	sbr.rel @p2 .LBB2_9-.Ltmp4, $4  }
0x97: {  	[tilespmem:s24+$0xFFFFFF50] =	vst v3;
	v9 =	vmul.f32 v9, v6;
	v3 =	vperm.xlane v2, v5;
	v5 =	vld [tilespmem:s24+$0xFFFFFFC0]  }
0x98: {  	[tilespmem:s24+$0xFFFFFF60] =	vst v7;
	v11 =	vmul.f32 v11, v6;
	v7 =	vld [tilespmem:s24+$0xFFFFFFD0]  }
0x99: {  	[tilespmem:s24+$0xFFFFFF70] =	vst v9;
	v10 =	vmul.f32 v12, v3;
	v6 =	vld [tilespmem:s24+$0xFFFFFFE0]  }
0x9a: {  	s9 =	sadd.s32 $0x2, s9;
	[tilespmem:s24+$0xFFFFFF80] =	vst v11;
	v9 =	vmul.f32 v8, v3;
	v8 =	vld [tilespmem:s24+$0x0]  }
0x9b: {  	[tilespmem:s22+$0xFFFFFF90] =	vst v10;
	v2 =	vmul.f32 v4, v3;
	v4 =	vld [tilespmem:s22+$0xFFFFFFF0]  }
0x9c: {  	[tilespmem:s22+$0xFFFFFFA0] =	vst v9;
	v5 =	vmul.f32 v5, v3  }
0x9d: {  	[tilespmem:s22+$0xFFFFFFB0] =	vst v2;
	v2 =	vmul.f32 v7, v3  }
0x9e: {  	[tilespmem:s22+$0xFFFFFFC0] =	vst v5;
	v5 =	vmul.f32 v6, v3  }
0x9f: {  	[tilespmem:s22+$0xFFFFFFD0] =	vst v2;
	v2 =	vmul.f32 v8, v3  }
0xa0: {  	[tilespmem:s22+$0xFFFFFFE0] =	vst v5;
	v3 =	vmul.f32 v4, v3  }
0xa1: {  	[tilespmem:s22+$0x0] =	vst v2  }
0xa2: {  	[tilespmem:s22+$0xFFFFFFF0] =	vst v3  }
0xa3: {  	v2 =	vld [tilespmem:s2+$0x2820];
	_ =	sdelay $0x3  }
0xa4: {  	v3 =	vld [tilespmem:s21+$0xFFFFFF10]  }
0xa5: {  	s9 =	simm.s32 $0x0;
	v4 =	vld [tilespmem:s21+$0xFFFFFF20];
	v2 =	vmul.f32 v2, v1  }
0xa6: {  	v5 =	vmov s9;
	v6 =	vld [tilespmem:s21+$0xFFFFFF30]  }
0xa7: {  	v7 =	vperm.xlane v2, v5;
	v5 =	vld [tilespmem:s21+$0xFFFFFF40]  }
0xa8: {  	v8 =	vld [tilespmem:s21+$0xFFFFFF50]  }
0xa9: {  	v9 =	vld [tilespmem:s21+$0xFFFFFF60];
	v3 =	vmul.f32 v3, v7  }
0xaa: {  	v10 =	vld [tilespmem:s21+$0xFFFFFF70];
	v4 =	vmul.f32 v4, v7  }
0xab: {  	[tilespmem:s21+$0xFFFFFF10] =	vst v3;
	v3 =	vmul.f32 v6, v7;
	v6 =	vld [tilespmem:s21+$0xFFFFFF80]  }
0xac: {  	v11 =	vld [tilespmem:s21+$0xFFFFFF90];
	[tilespmem:s21+$0xFFFFFF20] =	vst v4;
	v4 =	vmul.f32 v5, v7  }
0xad: {  	s25 =	simm.s32 $0x1;
	[tilespmem:s21+$0xFFFFFF30] =	vst v3;
	v3 =	vmul.f32 v8, v7;
	v8 =	vld [tilespmem:s21+$0xFFFFFFA0]  }
0xae: {  	v12 =	vmov s25;
	v9 =	vmul.f32 v9, v7;
	[tilespmem:s21+$0xFFFFFF40] =	vst v4;
	v4 =	vld [tilespmem:s21+$0xFFFFFFB0]  }
0xaf: {  	v10 =	vmul.f32 v10, v7;
	v5 =	vld [tilespmem:s21+$0xFFFFFFC0];
	[tilespmem:s21+$0xFFFFFF50] =	vst v3;
	v3 =	vperm.xlane v2, v12  }
0xb0: {  	[tilespmem:s21+$0xFFFFFF60] =	vst v9;
	v9 =	vmul.f32 v6, v7;
	v7 =	vld [tilespmem:s21+$0xFFFFFFD0]  }
0xb1: {  	[tilespmem:s21+$0xFFFFFF70] =	vst v10;
	v6 =	vld [tilespmem:s21+$0xFFFFFFE0];
	v10 =	vmul.f32 v11, v3  }
0xb2: {  	s9 =	simm.s32 $0x2;
	s22 =	smov.u32 s21;
	[tilespmem:s21+$0xFFFFFF80] =	vst v9;
	v9 =	vmul.f32 v8, v3;
	v8 =	vld [tilespmem:s21+$0x0]  }
.LBB2_11:
0xb3: {  	p2 =	sne.s32 s9, $0xE;
	[tilespmem:s21+$0xFFFFFF90] =	vst v10;
	v4 =	vmul.f32 v4, v3;
	v10 =	vld [tilespmem:s21+$0xFFFFFFF0];
	s22 =	sadd.s32 $0x100, s22  }
0xb4: {  	v11 =	vld [tilespmem:s22+$0xFFFFFF10];
	[tilespmem:s21+$0xFFFFFFA0] =	vst v9;
	v5 =	vmul.f32 v5, v3  }
0xb5: {  	v9 =	vld [tilespmem:s22+$0xFFFFFF20];
	[tilespmem:s21+$0xFFFFFFB0] =	vst v4;
	v4 =	vmul.f32 v7, v3  }
0xb6: {  	v7 =	vmov s9;
	v12 =	vld [tilespmem:s22+$0xFFFFFF30];
	[tilespmem:s21+$0xFFFFFFC0] =	vst v5;
	v5 =	vmul.f32 v6, v3  }
0xb7: {  	v6 =	vperm.xlane v2, v7;
	v7 =	vld [tilespmem:s22+$0xFFFFFF40];
	[tilespmem:s21+$0xFFFFFFD0] =	vst v4;
	v4 =	vmul.f32 v8, v3  }
0xb8: {  	v8 =	vld [tilespmem:s22+$0xFFFFFF50];
	[tilespmem:s21+$0xFFFFFFE0] =	vst v5;
	v3 =	vmul.f32 v10, v3  }
0xb9: {  	v5 =	vmul.f32 v11, v6;
	v10 =	vld [tilespmem:s22+$0xFFFFFF60];
	[tilespmem:s21+$0x0] =	vst v4  }
0xba: {  	v4 =	vmul.f32 v9, v6;
	v9 =	vld [tilespmem:s22+$0xFFFFFF70];
	[tilespmem:s21+$0xFFFFFFF0] =	vst v3;
	s21 =	smov.u32 s22  }
0xbb: {  	[tilespmem:s22+$0xFFFFFF10] =	vst v5;
	v3 =	vmul.f32 v12, v6;
	v11 =	vld [tilespmem:s22+$0xFFFFFF80]  }
0xbc: {  	[tilespmem:s22+$0xFFFFFF20] =	vst v4;
	v4 =	vmul.f32 v7, v6;
	v12 =	vld [tilespmem:s22+$0xFFFFFF90]  }
0xbd: {  	s10 =	sadd.s32 $0x1, s9;
	[tilespmem:s22+$0xFFFFFF30] =	vst v3;
	v3 =	vmul.f32 v8, v6;
	v8 =	vld [tilespmem:s22+$0xFFFFFFA0]  }
.Ltmp5:
0xbe: {  	v5 =	vmov s10;
	[tilespmem:s22+$0xFFFFFF40] =	vst v4;
	v7 =	vmul.f32 v10, v6;
	v4 =	vld [tilespmem:s22+$0xFFFFFFB0];
	(pc) =	sbr.rel @p2 .LBB2_11-.Ltmp5, $4  }
0xbf: {  	[tilespmem:s22+$0xFFFFFF50] =	vst v3;
	v9 =	vmul.f32 v9, v6;
	v3 =	vperm.xlane v2, v5;
	v5 =	vld [tilespmem:s22+$0xFFFFFFC0]  }
0xc0: {  	[tilespmem:s22+$0xFFFFFF60] =	vst v7;
	v11 =	vmul.f32 v11, v6;
	v7 =	vld [tilespmem:s22+$0xFFFFFFD0]  }
0xc1: {  	[tilespmem:s22+$0xFFFFFF70] =	vst v9;
	v10 =	vmul.f32 v12, v3;
	v6 =	vld [tilespmem:s22+$0xFFFFFFE0]  }
0xc2: {  	s9 =	sadd.s32 $0x2, s9;
	[tilespmem:s22+$0xFFFFFF80] =	vst v11;
	v9 =	vmul.f32 v8, v3;
	v8 =	vld [tilespmem:s22+$0x0]  }
0xc3: {  	[tilespmem:s21+$0xFFFFFF90] =	vst v10;
	v2 =	vmul.f32 v4, v3;
	v4 =	vld [tilespmem:s21+$0xFFFFFFF0]  }
0xc4: {  	[tilespmem:s21+$0xFFFFFFA0] =	vst v9;
	v5 =	vmul.f32 v5, v3  }
0xc5: {  	[tilespmem:s21+$0xFFFFFFB0] =	vst v2;
	v2 =	vmul.f32 v7, v3  }
0xc6: {  	[tilespmem:s21+$0xFFFFFFC0] =	vst v5;
	v5 =	vmul.f32 v6, v3  }
0xc7: {  	[tilespmem:s21+$0xFFFFFFD0] =	vst v2;
	v2 =	vmul.f32 v8, v3  }
0xc8: {  	[tilespmem:s21+$0xFFFFFFE0] =	vst v5;
	v3 =	vmul.f32 v4, v3  }
0xc9: {  	[tilespmem:s21+$0x0] =	vst v2  }
0xca: {  	[tilespmem:s21+$0xFFFFFFF0] =	vst v3  }
0xcb: {  	v2 =	vld [tilespmem:s2+$0x2830];
	_ =	sdelay $0x3  }
0xcc: {  	v3 =	vld [tilespmem:s20+$0xFFFFFF10]  }
0xcd: {  	s9 =	simm.s32 $0x0;
	v4 =	vld [tilespmem:s20+$0xFFFFFF20];
	v2 =	vmul.f32 v2, v1  }
0xce: {  	v5 =	vmov s9;
	v6 =	vld [tilespmem:s20+$0xFFFFFF30]  }
0xcf: {  	v7 =	vperm.xlane v2, v5;
	v5 =	vld [tilespmem:s20+$0xFFFFFF40]  }
0xd0: {  	v8 =	vld [tilespmem:s20+$0xFFFFFF50]  }
0xd1: {  	v9 =	vld [tilespmem:s20+$0xFFFFFF60];
	v3 =	vmul.f32 v3, v7  }
0xd2: {  	v10 =	vld [tilespmem:s20+$0xFFFFFF70];
	v4 =	vmul.f32 v4, v7  }
0xd3: {  	[tilespmem:s20+$0xFFFFFF10] =	vst v3;
	v3 =	vmul.f32 v6, v7;
	v6 =	vld [tilespmem:s20+$0xFFFFFF80]  }
0xd4: {  	v11 =	vld [tilespmem:s20+$0xFFFFFF90];
	[tilespmem:s20+$0xFFFFFF20] =	vst v4;
	v4 =	vmul.f32 v5, v7  }
0xd5: {  	s25 =	simm.s32 $0x1;
	[tilespmem:s20+$0xFFFFFF30] =	vst v3;
	v3 =	vmul.f32 v8, v7;
	v8 =	vld [tilespmem:s20+$0xFFFFFFA0]  }
0xd6: {  	v12 =	vmov s25;
	v9 =	vmul.f32 v9, v7;
	[tilespmem:s20+$0xFFFFFF40] =	vst v4;
	v4 =	vld [tilespmem:s20+$0xFFFFFFB0]  }
0xd7: {  	v10 =	vmul.f32 v10, v7;
	v5 =	vld [tilespmem:s20+$0xFFFFFFC0];
	[tilespmem:s20+$0xFFFFFF50] =	vst v3;
	v3 =	vperm.xlane v2, v12  }
0xd8: {  	[tilespmem:s20+$0xFFFFFF60] =	vst v9;
	v9 =	vmul.f32 v6, v7;
	v7 =	vld [tilespmem:s20+$0xFFFFFFD0]  }
0xd9: {  	[tilespmem:s20+$0xFFFFFF70] =	vst v10;
	v6 =	vld [tilespmem:s20+$0xFFFFFFE0];
	v10 =	vmul.f32 v11, v3  }
0xda: {  	s9 =	simm.s32 $0x2;
	s21 =	smov.u32 s20;
	[tilespmem:s20+$0xFFFFFF80] =	vst v9;
	v9 =	vmul.f32 v8, v3;
	v8 =	vld [tilespmem:s20+$0x0]  }
.LBB2_13:
0xdb: {  	p2 =	sne.s32 s9, $0xE;
	[tilespmem:s20+$0xFFFFFF90] =	vst v10;
	v4 =	vmul.f32 v4, v3;
	v10 =	vld [tilespmem:s20+$0xFFFFFFF0];
	s21 =	sadd.s32 $0x100, s21  }
0xdc: {  	v11 =	vld [tilespmem:s21+$0xFFFFFF10];
	[tilespmem:s20+$0xFFFFFFA0] =	vst v9;
	v5 =	vmul.f32 v5, v3  }
0xdd: {  	v9 =	vld [tilespmem:s21+$0xFFFFFF20];
	[tilespmem:s20+$0xFFFFFFB0] =	vst v4;
	v4 =	vmul.f32 v7, v3  }
0xde: {  	v7 =	vmov s9;
	v12 =	vld [tilespmem:s21+$0xFFFFFF30];
	[tilespmem:s20+$0xFFFFFFC0] =	vst v5;
	v5 =	vmul.f32 v6, v3  }
0xdf: {  	v6 =	vperm.xlane v2, v7;
	v7 =	vld [tilespmem:s21+$0xFFFFFF40];
	[tilespmem:s20+$0xFFFFFFD0] =	vst v4;
	v4 =	vmul.f32 v8, v3  }
0xe0: {  	v8 =	vld [tilespmem:s21+$0xFFFFFF50];
	[tilespmem:s20+$0xFFFFFFE0] =	vst v5;
	v3 =	vmul.f32 v10, v3  }
0xe1: {  	v5 =	vmul.f32 v11, v6;
	v10 =	vld [tilespmem:s21+$0xFFFFFF60];
	[tilespmem:s20+$0x0] =	vst v4  }
0xe2: {  	v4 =	vmul.f32 v9, v6;
	v9 =	vld [tilespmem:s21+$0xFFFFFF70];
	[tilespmem:s20+$0xFFFFFFF0] =	vst v3;
	s20 =	smov.u32 s21  }
0xe3: {  	[tilespmem:s21+$0xFFFFFF10] =	vst v5;
	v3 =	vmul.f32 v12, v6;
	v11 =	vld [tilespmem:s21+$0xFFFFFF80]  }
0xe4: {  	[tilespmem:s21+$0xFFFFFF20] =	vst v4;
	v4 =	vmul.f32 v7, v6;
	v12 =	vld [tilespmem:s21+$0xFFFFFF90]  }
0xe5: {  	s10 =	sadd.s32 $0x1, s9;
	[tilespmem:s21+$0xFFFFFF30] =	vst v3;
	v3 =	vmul.f32 v8, v6;
	v8 =	vld [tilespmem:s21+$0xFFFFFFA0]  }
.Ltmp6:
0xe6: {  	v5 =	vmov s10;
	[tilespmem:s21+$0xFFFFFF40] =	vst v4;
	v7 =	vmul.f32 v10, v6;
	v4 =	vld [tilespmem:s21+$0xFFFFFFB0];
	(pc) =	sbr.rel @p2 .LBB2_13-.Ltmp6, $4  }
0xe7: {  	[tilespmem:s21+$0xFFFFFF50] =	vst v3;
	v9 =	vmul.f32 v9, v6;
	v3 =	vperm.xlane v2, v5;
	v5 =	vld [tilespmem:s21+$0xFFFFFFC0]  }
0xe8: {  	[tilespmem:s21+$0xFFFFFF60] =	vst v7;
	v11 =	vmul.f32 v11, v6;
	v7 =	vld [tilespmem:s21+$0xFFFFFFD0]  }
0xe9: {  	[tilespmem:s21+$0xFFFFFF70] =	vst v9;
	v10 =	vmul.f32 v12, v3;
	v6 =	vld [tilespmem:s21+$0xFFFFFFE0]  }
0xea: {  	s9 =	sadd.s32 $0x2, s9;
	[tilespmem:s21+$0xFFFFFF80] =	vst v11;
	v9 =	vmul.f32 v8, v3;
	v8 =	vld [tilespmem:s21+$0x0]  }
0xeb: {  	[tilespmem:s20+$0xFFFFFF90] =	vst v10;
	v2 =	vmul.f32 v4, v3;
	v62 =	vld [tilespmem:s20+$0xFFFFFFF0]  }
0xec: {  	[tilespmem:s20+$0xFFFFFFA0] =	vst v9;
	v5 =	vmul.f32 v5, v3  }
0xed: {  	[tilespmem:s20+$0xFFFFFFB0] =	vst v2;
	v2 =	vmul.f32 v7, v3  }
0xee: {  	[tilespmem:s20+$0xFFFFFFC0] =	vst v5;
	v63 =	vmul.f32 v6, v3  }
0xef: {  	[tilespmem:s20+$0xFFFFFFD0] =	vst v2;
	v2 =	vmul.f32 v8, v3  }
0xf0: {  	[tilespmem:s20+$0xFFFFFFE0] =	vst v63;
	v3 =	vmul.f32 v62, v3  }
0xf1: {  	s4 =	sshll.u32 s4, $0x7;
	[tilespmem:s20+$0x0] =	vst v2  }
0xf2: {  	s2 =	sadd.s32 $0x1400, s2;
	p2 =	seq.s32 s1, $0x0;
	s4 =	sadd.s32 $0x3C00, s4;
	[tilespmem:s20+$0xFFFFFFF0] =	vst v3  }
0xf3: {  	[spmem:s3] =	stream.indirect.scatter.add.f32 [tilespmem:s4], [sflag:$0x2], $0x80, s2, s23, $0xb8;
	[tilespmem:$0x1F500] =	vst v63  }
0xf4: {  	s2 =	simm.s32 @!p2 $0x2  }
0xf5: {  	p3 =	sgt.u32 @!p2 s1, $0x4C;
	_ =	swait.ge @!p2 [sflag:s2], $0x2000  }
0xf6: {  	p3 =	por p2, !p3;
	[sflag:s2] =	ssyncset.done @!p2 $0x0  }
0xf7: {  	[sflag:s2] =	ssyncadd.s32 @!p2 $0xFFFFE000;
	s2 =	sadd.s32 @p3 $0x3, s1;
	s1 =	sadd.s32 $0x1, s1  }
0xf8: {  	p2 =	sne.s32 s1, $0x50  }
.Ltmp7:
0xf9: {  	_ = 	snop;
	(pc) =	sbr.rel @p2 .LBB2_6-.Ltmp7, $4  }
0xfa: {  	s4 =	sshll.u32 @p3 s2, $0xD  }
0xfb: {  	s2 =	sshll.u32 @p3 s2, $0x6;
	s4 =	sand.u32 @p3 $0x6000, s4  }
0xfc: {  	s31 =	sadd.s32 $0x1, s31;
	s2 =	sand.u32 @p3 $0x3FFFFFC0, s2;
	s4 =	sadd.s32 @p3 $0x3C00, s4  }
0xfd: {  	[tilespmem:s4], [sflag:$0x1] =	stream.indirect.gather @p3 [hbm4b:s0+s23], $0x80, s2, s23, $0xb8;
	[tilespmem:$0x1F500] =	vst v63  }
0xfe: {  	_ =	swait.ge [sflag:s29], $0x2000  }
0xff: {  	[sflag:s29] =	ssyncset.done $0x0  }
0x100: {  	s30 =	simm.s32 $0x0;
	[sflag:s29] =	ssyncadd.s32 $0xFFFFE000  }
0x101: {  	[tilespmem:s30], [sflag:$0x3] =	stream.linear.gather [hbm4b:s12+s30], $0x1400, $0x38;
	[tilespmem:$0x1F500] =	vst v63  }
0x102: {  	_ =	swait.ge [sflag:s19], $0x1400  }
0x103: {  	[sflag:s19] =	ssyncset.done $0x0  }
0x104: {  	s1 =	simm.s32 $0x1400;
	[sflag:s19] =	ssyncadd.s32 $0xFFFFEC00  }
0x105: {  	[tilespmem:s1], [sflag:$0x3] =	stream.linear.gather [hbm4b:s13+s30], $0x1400, $0x38;
	[tilespmem:$0x1F500] =	vst v63  }
0x106: {  	_ =	swait.ge [sflag:s19], $0x1400  }
0x107: {  	[sflag:s19] =	ssyncset.done $0x0  }
0x108: {  	s22 =	simm.s32 $0x2800;
	[sflag:s19] =	ssyncadd.s32 $0xFFFFEC00  }
0x109: {  	[tilespmem:s22], [sflag:$0x3] =	stream.linear.gather [hbm4b:s14+s30], $0x1400, $0x38;
	[tilespmem:$0x1F500] =	vst v63  }
0x10a: {  	_ =	swait.ge [sflag:s19], $0x1400  }
0x10b: {  	[sflag:s19] =	ssyncset.done $0x0  }
0x10c: {  	[sflag:s19] =	ssyncadd.s32 $0xFFFFEC00  }
0x10d: {  	[tilespmem:s18], [sflag:$0x1] =	stream.indirect.gather [hbm4b:s0+s23], $0x80, s30, s23, $0xb8;
	[tilespmem:$0x1F500] =	vst v63  }
0x10e: {  	s24 =	simm.s32 $0x5C00  }
0x10f: {  	[tilespmem:s24], [sflag:$0x1] =	stream.indirect.gather [hbm4b:s0+s23], $0x80, s23, s23, $0xb8;
	[tilespmem:$0x1F500] =	vst v63  }
0x110: {  	s25 =	simm.s32 $0x80;
	s31 =	simm.s32 $0x0;
	s1 =	simm.s32 $0x0  }
0x111: {  	[tilespmem:s26], [sflag:$0x1] =	stream.indirect.gather [hbm4b:s0+s23], $0x80, s25, s23, $0xb8;
	[tilespmem:$0x1F500] =	vst v63  }
.LBB2_16:
0x112: {  	_ =	swait.ge [sflag:s28], $0x2000  }
0x113: {  	[sflag:s28] =	ssyncset.done $0x0  }
0x114: {  	s2 =	sshll.u32 s1, $0x6;
	[sflag:s28] =	ssyncadd.s32 $0xFFFFE000  }
0x115: {  	v2 =	vld [tilespmem:s2+$0x2800]  }
0x116: {  	s4 =	sshll.u32 s31, $0xD  }
0x117: {  	s4 =	sand.u32 $0x6000, s4  }
0x118: {  	s9 =	sadd.s32 $0x3C80, s4  }
0x119: {  	v4 =	vld [tilespmem:s9+$0xFFFFFF80]  }
0x11a: {  	v5 =	vld [tilespmem:s9+$0xFFFFFF90];
	v3 =	vmul.f32 v2, v1  }
0x11b: {  	v6 =	vld [tilespmem:s9+$0xFFFFFFA0];
	v2 =	vmov s30  }
0x11c: {  	v7 =	vld [tilespmem:s9+$0xFFFFFFB0];
	v2 =	vperm.xlane v3, v2  }
0x11d: {  	v8 =	vld [tilespmem:s9+$0xFFFFFFC0]  }
0x11e: {  	v9 =	vld [tilespmem:s9+$0xFFFFFFD0];
	v4 =	vmul.f32 v4, v2  }
0x11f: {  	v10 =	vld [tilespmem:s9+$0xFFFFFFE0];
	v5 =	vmul.f32 v5, v2  }
0x120: {  	v11 =	vld [tilespmem:s9+$0x0];
	[tilespmem:s9+$0xFFFFFF80] =	vst v4;
	v4 =	vmul.f32 v6, v2  }
0x121: {  	s10 =	simm.s32 $0x1;
	v12 =	vld [tilespmem:s9+$0x10];
	[tilespmem:s9+$0xFFFFFF90] =	vst v5;
	v5 =	vmul.f32 v7, v2  }
0x122: {  	v13 =	vld [tilespmem:s9+$0x20];
	v6 =	vmul.f32 v8, v2;
	[tilespmem:s9+$0xFFFFFFA0] =	vst v4;
	v4 =	vmov s10  }
0x123: {  	v7 =	vmul.f32 v9, v2;
	[tilespmem:s9+$0xFFFFFFB0] =	vst v5;
	v5 =	vld [tilespmem:s9+$0x30];
	v4 =	vperm.xlane v3, v4  }
0x124: {  	v8 =	vmul.f32 v10, v2;
	[tilespmem:s9+$0xFFFFFFC0] =	vst v6;
	v6 =	vld [tilespmem:s9+$0x40]  }
0x125: {  	[tilespmem:s9+$0xFFFFFFD0] =	vst v7;
	v7 =	vld [tilespmem:s9+$0x50];
	v9 =	vmul.f32 v11, v4  }
0x126: {  	s24 =	simm.s32 $0x2;
	s20 =	sadd.s32 $0x54F0, s4;
	s21 =	sadd.s32 $0x4CF0, s4;
	[tilespmem:s9+$0xFFFFFFE0] =	vst v8;
	v8 =	vld [tilespmem:s9+$0x60];
	v11 =	vmul.f32 v12, v4  }
0x127: {  	s22 =	sadd.s32 $0x44F0, s4;
	s4 =	sand.u32 $0xC0, s2;
	s25 =	smov.u32 s9;
	v10 =	vmul.f32 v13, v4;
	[tilespmem:s9+$0x0] =	vst v9;
	v9 =	vld [tilespmem:s9+$0x70]  }
.LBB2_17:
0x128: {  	p2 =	sne.s32 s24, $0xE;
	v12 =	vld [tilespmem:s9+$0xFFFFFFF0];
	[tilespmem:s9+$0x10] =	vst v11;
	v5 =	vmul.f32 v5, v4;
	s25 =	sadd.s32 $0x100, s25  }
0x129: {  	v11 =	vld [tilespmem:s25+$0xFFFFFF80];
	[tilespmem:s9+$0x20] =	vst v10;
	v6 =	vmul.f32 v6, v4  }
0x12a: {  	v10 =	vld [tilespmem:s25+$0xFFFFFF90];
	[tilespmem:s9+$0x30] =	vst v5;
	v5 =	vmul.f32 v7, v4  }
0x12b: {  	v7 =	vmov s24;
	v13 =	vld [tilespmem:s25+$0xFFFFFFA0];
	[tilespmem:s9+$0x40] =	vst v6;
	v6 =	vmul.f32 v8, v4  }
0x12c: {  	v7 =	vperm.xlane v3, v7;
	v8 =	vld [tilespmem:s25+$0xFFFFFFB0];
	[tilespmem:s9+$0x50] =	vst v5;
	v4 =	vmul.f32 v9, v4  }
0x12d: {  	v5 =	vld [tilespmem:s25+$0xFFFFFFC0];
	v9 =	vmul.f32 v12, v2;
	[tilespmem:s9+$0x60] =	vst v6  }
0x12e: {  	v2 =	vmov v7;
	v6 =	vmul.f32 v11, v7;
	v11 =	vld [tilespmem:s25+$0xFFFFFFD0];
	[tilespmem:s9+$0x70] =	vst v4  }
0x12f: {  	v4 =	vmul.f32 v10, v2;
	v7 =	vld [tilespmem:s25+$0xFFFFFFE0];
	[tilespmem:s9+$0xFFFFFFF0] =	vst v9;
	s9 =	smov.u32 s25  }
0x130: {  	[tilespmem:s25+$0xFFFFFF80] =	vst v6;
	v6 =	vmul.f32 v13, v2;
	v9 =	vld [tilespmem:s25+$0x0]  }
0x131: {  	s10 =	sadd.s32 $0x1, s24;
	[tilespmem:s25+$0xFFFFFF90] =	vst v4;
	v4 =	vmul.f32 v8, v2;
	v8 =	vld [tilespmem:s25+$0x10]  }
0x132: {  	[tilespmem:s25+$0xFFFFFFA0] =	vst v6;
	v6 =	vmul.f32 v5, v2;
	v5 =	vmov s10;
	v10 =	vld [tilespmem:s25+$0x20]  }
.Ltmp8:
0x133: {  	[tilespmem:s25+$0xFFFFFFB0] =	vst v4;
	v11 =	vmul.f32 v11, v2;
	v4 =	vperm.xlane v3, v5;
	v5 =	vld [tilespmem:s25+$0x30];
	(pc) =	sbr.rel @p2 .LBB2_17-.Ltmp8, $4  }
0x134: {  	[tilespmem:s25+$0xFFFFFFC0] =	vst v6;
	v12 =	vmul.f32 v7, v2;
	v6 =	vld [tilespmem:s25+$0x40]  }
0x135: {  	[tilespmem:s25+$0xFFFFFFD0] =	vst v11;
	v9 =	vmul.f32 v9, v4;
	v7 =	vld [tilespmem:s25+$0x50]  }
0x136: {  	[tilespmem:s25+$0xFFFFFFE0] =	vst v12;
	v11 =	vmul.f32 v8, v4;
	v8 =	vld [tilespmem:s25+$0x60]  }
0x137: {  	s24 =	sadd.s32 $0x2, s24;
	[tilespmem:s25+$0x0] =	vst v9;
	v10 =	vmul.f32 v10, v4;
	v9 =	vld [tilespmem:s25+$0x70]  }
0x138: {  	v3 =	vld [tilespmem:s9+$0xFFFFFFF0];
	[tilespmem:s9+$0x10] =	vst v11;
	v5 =	vmul.f32 v5, v4  }
0x139: {  	[tilespmem:s9+$0x20] =	vst v10;
	v6 =	vmul.f32 v6, v4  }
0x13a: {  	[tilespmem:s9+$0x30] =	vst v5;
	v5 =	vmul.f32 v7, v4  }
0x13b: {  	[tilespmem:s9+$0x40] =	vst v6;
	v6 =	vmul.f32 v8, v4  }
0x13c: {  	[tilespmem:s9+$0x50] =	vst v5;
	v4 =	vmul.f32 v9, v4  }
0x13d: {  	v2 =	vmul.f32 v3, v2;
	[tilespmem:s9+$0x60] =	vst v6  }
0x13e: {  	[tilespmem:s9+$0x70] =	vst v4  }
0x13f: {  	[tilespmem:s9+$0xFFFFFFF0] =	vst v2  }
0x140: {  	v2 =	vld [tilespmem:s2+$0x2810];
	_ =	sdelay $0x3  }
0x141: {  	v3 =	vld [tilespmem:s22+$0xFFFFFF10]  }
0x142: {  	s24 =	simm.s32 $0x0;
	v4 =	vld [tilespmem:s22+$0xFFFFFF20];
	v2 =	vmul.f32 v2, v1  }
0x143: {  	v5 =	vmov s24;
	v6 =	vld [tilespmem:s22+$0xFFFFFF30]  }
0x144: {  	v7 =	vperm.xlane v2, v5;
	v5 =	vld [tilespmem:s22+$0xFFFFFF40]  }
0x145: {  	v8 =	vld [tilespmem:s22+$0xFFFFFF50]  }
0x146: {  	v9 =	vld [tilespmem:s22+$0xFFFFFF60];
	v3 =	vmul.f32 v3, v7  }
0x147: {  	v10 =	vld [tilespmem:s22+$0xFFFFFF70];
	v4 =	vmul.f32 v4, v7  }
0x148: {  	[tilespmem:s22+$0xFFFFFF10] =	vst v3;
	v3 =	vmul.f32 v6, v7;
	v6 =	vld [tilespmem:s22+$0xFFFFFF80]  }
0x149: {  	v11 =	vld [tilespmem:s22+$0xFFFFFF90];
	[tilespmem:s22+$0xFFFFFF20] =	vst v4;
	v4 =	vmul.f32 v5, v7  }
0x14a: {  	s25 =	simm.s32 $0x1;
	[tilespmem:s22+$0xFFFFFF30] =	vst v3;
	v3 =	vmul.f32 v8, v7;
	v8 =	vld [tilespmem:s22+$0xFFFFFFA0]  }
0x14b: {  	v12 =	vmov s25;
	v9 =	vmul.f32 v9, v7;
	[tilespmem:s22+$0xFFFFFF40] =	vst v4;
	v4 =	vld [tilespmem:s22+$0xFFFFFFB0]  }
0x14c: {  	v10 =	vmul.f32 v10, v7;
	v5 =	vld [tilespmem:s22+$0xFFFFFFC0];
	[tilespmem:s22+$0xFFFFFF50] =	vst v3;
	v3 =	vperm.xlane v2, v12  }
0x14d: {  	[tilespmem:s22+$0xFFFFFF60] =	vst v9;
	v9 =	vmul.f32 v6, v7;
	v7 =	vld [tilespmem:s22+$0xFFFFFFD0]  }
0x14e: {  	[tilespmem:s22+$0xFFFFFF70] =	vst v10;
	v6 =	vld [tilespmem:s22+$0xFFFFFFE0];
	v10 =	vmul.f32 v11, v3  }
0x14f: {  	s24 =	smov.u32 s22;
	s9 =	simm.s32 $0x2;
	[tilespmem:s22+$0xFFFFFF80] =	vst v9;
	v9 =	vmul.f32 v8, v3;
	v8 =	vld [tilespmem:s22+$0x0]  }
.LBB2_19:
0x150: {  	p2 =	sne.s32 s9, $0xE;
	[tilespmem:s22+$0xFFFFFF90] =	vst v10;
	v4 =	vmul.f32 v4, v3;
	v10 =	vld [tilespmem:s22+$0xFFFFFFF0];
	s24 =	sadd.s32 $0x100, s24  }
0x151: {  	v11 =	vld [tilespmem:s24+$0xFFFFFF10];
	[tilespmem:s22+$0xFFFFFFA0] =	vst v9;
	v5 =	vmul.f32 v5, v3  }
0x152: {  	v9 =	vld [tilespmem:s24+$0xFFFFFF20];
	[tilespmem:s22+$0xFFFFFFB0] =	vst v4;
	v4 =	vmul.f32 v7, v3  }
0x153: {  	v7 =	vmov s9;
	v12 =	vld [tilespmem:s24+$0xFFFFFF30];
	[tilespmem:s22+$0xFFFFFFC0] =	vst v5;
	v5 =	vmul.f32 v6, v3  }
0x154: {  	v6 =	vperm.xlane v2, v7;
	v7 =	vld [tilespmem:s24+$0xFFFFFF40];
	[tilespmem:s22+$0xFFFFFFD0] =	vst v4;
	v4 =	vmul.f32 v8, v3  }
0x155: {  	v8 =	vld [tilespmem:s24+$0xFFFFFF50];
	[tilespmem:s22+$0xFFFFFFE0] =	vst v5;
	v3 =	vmul.f32 v10, v3  }
0x156: {  	v5 =	vmul.f32 v11, v6;
	v10 =	vld [tilespmem:s24+$0xFFFFFF60];
	[tilespmem:s22+$0x0] =	vst v4  }
0x157: {  	v4 =	vmul.f32 v9, v6;
	v9 =	vld [tilespmem:s24+$0xFFFFFF70];
	[tilespmem:s22+$0xFFFFFFF0] =	vst v3;
	s22 =	smov.u32 s24  }
0x158: {  	[tilespmem:s24+$0xFFFFFF10] =	vst v5;
	v3 =	vmul.f32 v12, v6;
	v11 =	vld [tilespmem:s24+$0xFFFFFF80]  }
0x159: {  	[tilespmem:s24+$0xFFFFFF20] =	vst v4;
	v4 =	vmul.f32 v7, v6;
	v12 =	vld [tilespmem:s24+$0xFFFFFF90]  }
0x15a: {  	s10 =	sadd.s32 $0x1, s9;
	[tilespmem:s24+$0xFFFFFF30] =	vst v3;
	v3 =	vmul.f32 v8, v6;
	v8 =	vld [tilespmem:s24+$0xFFFFFFA0]  }
.Ltmp9:
0x15b: {  	v5 =	vmov s10;
	[tilespmem:s24+$0xFFFFFF40] =	vst v4;
	v7 =	vmul.f32 v10, v6;
	v4 =	vld [tilespmem:s24+$0xFFFFFFB0];
	(pc) =	sbr.rel @p2 .LBB2_19-.Ltmp9, $4  }
0x15c: {  	[tilespmem:s24+$0xFFFFFF50] =	vst v3;
	v9 =	vmul.f32 v9, v6;
	v3 =	vperm.xlane v2, v5;
	v5 =	vld [tilespmem:s24+$0xFFFFFFC0]  }
0x15d: {  	[tilespmem:s24+$0xFFFFFF60] =	vst v7;
	v11 =	vmul.f32 v11, v6;
	v7 =	vld [tilespmem:s24+$0xFFFFFFD0]  }
0x15e: {  	[tilespmem:s24+$0xFFFFFF70] =	vst v9;
	v10 =	vmul.f32 v12, v3;
	v6 =	vld [tilespmem:s24+$0xFFFFFFE0]  }
0x15f: {  	s9 =	sadd.s32 $0x2, s9;
	[tilespmem:s24+$0xFFFFFF80] =	vst v11;
	v9 =	vmul.f32 v8, v3;
	v8 =	vld [tilespmem:s24+$0x0]  }
0x160: {  	[tilespmem:s22+$0xFFFFFF90] =	vst v10;
	v2 =	vmul.f32 v4, v3;
	v4 =	vld [tilespmem:s22+$0xFFFFFFF0]  }
0x161: {  	[tilespmem:s22+$0xFFFFFFA0] =	vst v9;
	v5 =	vmul.f32 v5, v3  }
0x162: {  	[tilespmem:s22+$0xFFFFFFB0] =	vst v2;
	v2 =	vmul.f32 v7, v3  }
0x163: {  	[tilespmem:s22+$0xFFFFFFC0] =	vst v5;
	v5 =	vmul.f32 v6, v3  }
0x164: {  	[tilespmem:s22+$0xFFFFFFD0] =	vst v2;
	v2 =	vmul.f32 v8, v3  }
0x165: {  	[tilespmem:s22+$0xFFFFFFE0] =	vst v5;
	v3 =	vmul.f32 v4, v3  }
0x166: {  	[tilespmem:s22+$0x0] =	vst v2  }
0x167: {  	[tilespmem:s22+$0xFFFFFFF0] =	vst v3  }
0x168: {  	v2 =	vld [tilespmem:s2+$0x2820];
	_ =	sdelay $0x3  }
0x169: {  	v3 =	vld [tilespmem:s21+$0xFFFFFF10]  }
0x16a: {  	s9 =	simm.s32 $0x0;
	v4 =	vld [tilespmem:s21+$0xFFFFFF20];
	v2 =	vmul.f32 v2, v1  }
0x16b: {  	v5 =	vmov s9;
	v6 =	vld [tilespmem:s21+$0xFFFFFF30]  }
0x16c: {  	v7 =	vperm.xlane v2, v5;
	v5 =	vld [tilespmem:s21+$0xFFFFFF40]  }
0x16d: {  	v8 =	vld [tilespmem:s21+$0xFFFFFF50]  }
0x16e: {  	v9 =	vld [tilespmem:s21+$0xFFFFFF60];
	v3 =	vmul.f32 v3, v7  }
0x16f: {  	v10 =	vld [tilespmem:s21+$0xFFFFFF70];
	v4 =	vmul.f32 v4, v7  }
0x170: {  	[tilespmem:s21+$0xFFFFFF10] =	vst v3;
	v3 =	vmul.f32 v6, v7;
	v6 =	vld [tilespmem:s21+$0xFFFFFF80]  }
0x171: {  	v11 =	vld [tilespmem:s21+$0xFFFFFF90];
	[tilespmem:s21+$0xFFFFFF20] =	vst v4;
	v4 =	vmul.f32 v5, v7  }
0x172: {  	s25 =	simm.s32 $0x1;
	[tilespmem:s21+$0xFFFFFF30] =	vst v3;
	v3 =	vmul.f32 v8, v7;
	v8 =	vld [tilespmem:s21+$0xFFFFFFA0]  }
0x173: {  	v12 =	vmov s25;
	v9 =	vmul.f32 v9, v7;
	[tilespmem:s21+$0xFFFFFF40] =	vst v4;
	v4 =	vld [tilespmem:s21+$0xFFFFFFB0]  }
0x174: {  	v10 =	vmul.f32 v10, v7;
	v5 =	vld [tilespmem:s21+$0xFFFFFFC0];
	[tilespmem:s21+$0xFFFFFF50] =	vst v3;
	v3 =	vperm.xlane v2, v12  }
0x175: {  	[tilespmem:s21+$0xFFFFFF60] =	vst v9;
	v9 =	vmul.f32 v6, v7;
	v7 =	vld [tilespmem:s21+$0xFFFFFFD0]  }
0x176: {  	[tilespmem:s21+$0xFFFFFF70] =	vst v10;
	v6 =	vld [tilespmem:s21+$0xFFFFFFE0];
	v10 =	vmul.f32 v11, v3  }
0x177: {  	s9 =	simm.s32 $0x2;
	s22 =	smov.u32 s21;
	[tilespmem:s21+$0xFFFFFF80] =	vst v9;
	v9 =	vmul.f32 v8, v3;
	v8 =	vld [tilespmem:s21+$0x0]  }
.LBB2_21:
0x178: {  	p2 =	sne.s32 s9, $0xE;
	[tilespmem:s21+$0xFFFFFF90] =	vst v10;
	v4 =	vmul.f32 v4, v3;
	v10 =	vld [tilespmem:s21+$0xFFFFFFF0];
	s22 =	sadd.s32 $0x100, s22  }
0x179: {  	v11 =	vld [tilespmem:s22+$0xFFFFFF10];
	[tilespmem:s21+$0xFFFFFFA0] =	vst v9;
	v5 =	vmul.f32 v5, v3  }
0x17a: {  	v9 =	vld [tilespmem:s22+$0xFFFFFF20];
	[tilespmem:s21+$0xFFFFFFB0] =	vst v4;
	v4 =	vmul.f32 v7, v3  }
0x17b: {  	v7 =	vmov s9;
	v12 =	vld [tilespmem:s22+$0xFFFFFF30];
	[tilespmem:s21+$0xFFFFFFC0] =	vst v5;
	v5 =	vmul.f32 v6, v3  }
0x17c: {  	v6 =	vperm.xlane v2, v7;
	v7 =	vld [tilespmem:s22+$0xFFFFFF40];
	[tilespmem:s21+$0xFFFFFFD0] =	vst v4;
	v4 =	vmul.f32 v8, v3  }
0x17d: {  	v8 =	vld [tilespmem:s22+$0xFFFFFF50];
	[tilespmem:s21+$0xFFFFFFE0] =	vst v5;
	v3 =	vmul.f32 v10, v3  }
0x17e: {  	v5 =	vmul.f32 v11, v6;
	v10 =	vld [tilespmem:s22+$0xFFFFFF60];
	[tilespmem:s21+$0x0] =	vst v4  }
0x17f: {  	v4 =	vmul.f32 v9, v6;
	v9 =	vld [tilespmem:s22+$0xFFFFFF70];
	[tilespmem:s21+$0xFFFFFFF0] =	vst v3;
	s21 =	smov.u32 s22  }
0x180: {  	[tilespmem:s22+$0xFFFFFF10] =	vst v5;
	v3 =	vmul.f32 v12, v6;
	v11 =	vld [tilespmem:s22+$0xFFFFFF80]  }
0x181: {  	[tilespmem:s22+$0xFFFFFF20] =	vst v4;
	v4 =	vmul.f32 v7, v6;
	v12 =	vld [tilespmem:s22+$0xFFFFFF90]  }
0x182: {  	s10 =	sadd.s32 $0x1, s9;
	[tilespmem:s22+$0xFFFFFF30] =	vst v3;
	v3 =	vmul.f32 v8, v6;
	v8 =	vld [tilespmem:s22+$0xFFFFFFA0]  }
.Ltmp10:
0x183: {  	v5 =	vmov s10;
	[tilespmem:s22+$0xFFFFFF40] =	vst v4;
	v7 =	vmul.f32 v10, v6;
	v4 =	vld [tilespmem:s22+$0xFFFFFFB0];
	(pc) =	sbr.rel @p2 .LBB2_21-.Ltmp10, $4  }
0x184: {  	[tilespmem:s22+$0xFFFFFF50] =	vst v3;
	v9 =	vmul.f32 v9, v6;
	v3 =	vperm.xlane v2, v5;
	v5 =	vld [tilespmem:s22+$0xFFFFFFC0]  }
0x185: {  	[tilespmem:s22+$0xFFFFFF60] =	vst v7;
	v11 =	vmul.f32 v11, v6;
	v7 =	vld [tilespmem:s22+$0xFFFFFFD0]  }
0x186: {  	[tilespmem:s22+$0xFFFFFF70] =	vst v9;
	v10 =	vmul.f32 v12, v3;
	v6 =	vld [tilespmem:s22+$0xFFFFFFE0]  }
0x187: {  	s9 =	sadd.s32 $0x2, s9;
	[tilespmem:s22+$0xFFFFFF80] =	vst v11;
	v9 =	vmul.f32 v8, v3;
	v8 =	vld [tilespmem:s22+$0x0]  }
0x188: {  	[tilespmem:s21+$0xFFFFFF90] =	vst v10;
	v2 =	vmul.f32 v4, v3;
	v4 =	vld [tilespmem:s21+$0xFFFFFFF0]  }
0x189: {  	[tilespmem:s21+$0xFFFFFFA0] =	vst v9;
	v5 =	vmul.f32 v5, v3  }
0x18a: {  	[tilespmem:s21+$0xFFFFFFB0] =	vst v2;
	v2 =	vmul.f32 v7, v3  }
0x18b: {  	[tilespmem:s21+$0xFFFFFFC0] =	vst v5;
	v5 =	vmul.f32 v6, v3  }
0x18c: {  	[tilespmem:s21+$0xFFFFFFD0] =	vst v2;
	v2 =	vmul.f32 v8, v3  }
0x18d: {  	[tilespmem:s21+$0xFFFFFFE0] =	vst v5;
	v3 =	vmul.f32 v4, v3  }
0x18e: {  	[tilespmem:s21+$0x0] =	vst v2  }
0x18f: {  	[tilespmem:s21+$0xFFFFFFF0] =	vst v3  }
0x190: {  	v2 =	vld [tilespmem:s2+$0x2830];
	_ =	sdelay $0x3  }
0x191: {  	v3 =	vld [tilespmem:s20+$0xFFFFFF10]  }
0x192: {  	s9 =	simm.s32 $0x0;
	v4 =	vld [tilespmem:s20+$0xFFFFFF20];
	v2 =	vmul.f32 v2, v1  }
0x193: {  	v5 =	vmov s9;
	v6 =	vld [tilespmem:s20+$0xFFFFFF30]  }
0x194: {  	v7 =	vperm.xlane v2, v5;
	v5 =	vld [tilespmem:s20+$0xFFFFFF40]  }
0x195: {  	v8 =	vld [tilespmem:s20+$0xFFFFFF50]  }
0x196: {  	v9 =	vld [tilespmem:s20+$0xFFFFFF60];
	v3 =	vmul.f32 v3, v7  }
0x197: {  	v10 =	vld [tilespmem:s20+$0xFFFFFF70];
	v4 =	vmul.f32 v4, v7  }
0x198: {  	[tilespmem:s20+$0xFFFFFF10] =	vst v3;
	v3 =	vmul.f32 v6, v7;
	v6 =	vld [tilespmem:s20+$0xFFFFFF80]  }
0x199: {  	v11 =	vld [tilespmem:s20+$0xFFFFFF90];
	[tilespmem:s20+$0xFFFFFF20] =	vst v4;
	v4 =	vmul.f32 v5, v7  }
0x19a: {  	s25 =	simm.s32 $0x1;
	[tilespmem:s20+$0xFFFFFF30] =	vst v3;
	v3 =	vmul.f32 v8, v7;
	v8 =	vld [tilespmem:s20+$0xFFFFFFA0]  }
0x19b: {  	v12 =	vmov s25;
	v9 =	vmul.f32 v9, v7;
	[tilespmem:s20+$0xFFFFFF40] =	vst v4;
	v4 =	vld [tilespmem:s20+$0xFFFFFFB0]  }
0x19c: {  	v10 =	vmul.f32 v10, v7;
	v5 =	vld [tilespmem:s20+$0xFFFFFFC0];
	[tilespmem:s20+$0xFFFFFF50] =	vst v3;
	v3 =	vperm.xlane v2, v12  }
0x19d: {  	[tilespmem:s20+$0xFFFFFF60] =	vst v9;
	v9 =	vmul.f32 v6, v7;
	v7 =	vld [tilespmem:s20+$0xFFFFFFD0]  }
0x19e: {  	[tilespmem:s20+$0xFFFFFF70] =	vst v10;
	v6 =	vld [tilespmem:s20+$0xFFFFFFE0];
	v10 =	vmul.f32 v11, v3  }
0x19f: {  	s9 =	simm.s32 $0x2;
	s21 =	smov.u32 s20;
	[tilespmem:s20+$0xFFFFFF80] =	vst v9;
	v9 =	vmul.f32 v8, v3;
	v8 =	vld [tilespmem:s20+$0x0]  }
.LBB2_23:
0x1a0: {  	p2 =	sne.s32 s9, $0xE;
	[tilespmem:s20+$0xFFFFFF90] =	vst v10;
	v4 =	vmul.f32 v4, v3;
	v10 =	vld [tilespmem:s20+$0xFFFFFFF0];
	s21 =	sadd.s32 $0x100, s21  }
0x1a1: {  	v11 =	vld [tilespmem:s21+$0xFFFFFF10];
	[tilespmem:s20+$0xFFFFFFA0] =	vst v9;
	v5 =	vmul.f32 v5, v3  }
0x1a2: {  	v9 =	vld [tilespmem:s21+$0xFFFFFF20];
	[tilespmem:s20+$0xFFFFFFB0] =	vst v4;
	v4 =	vmul.f32 v7, v3  }
0x1a3: {  	v7 =	vmov s9;
	v12 =	vld [tilespmem:s21+$0xFFFFFF30];
	[tilespmem:s20+$0xFFFFFFC0] =	vst v5;
	v5 =	vmul.f32 v6, v3  }
0x1a4: {  	v6 =	vperm.xlane v2, v7;
	v7 =	vld [tilespmem:s21+$0xFFFFFF40];
	[tilespmem:s20+$0xFFFFFFD0] =	vst v4;
	v4 =	vmul.f32 v8, v3  }
0x1a5: {  	v8 =	vld [tilespmem:s21+$0xFFFFFF50];
	[tilespmem:s20+$0xFFFFFFE0] =	vst v5;
	v3 =	vmul.f32 v10, v3  }
0x1a6: {  	v5 =	vmul.f32 v11, v6;
	v10 =	vld [tilespmem:s21+$0xFFFFFF60];
	[tilespmem:s20+$0x0] =	vst v4  }
0x1a7: {  	v4 =	vmul.f32 v9, v6;
	v9 =	vld [tilespmem:s21+$0xFFFFFF70];
	[tilespmem:s20+$0xFFFFFFF0] =	vst v3;
	s20 =	smov.u32 s21  }
0x1a8: {  	[tilespmem:s21+$0xFFFFFF10] =	vst v5;
	v3 =	vmul.f32 v12, v6;
	v11 =	vld [tilespmem:s21+$0xFFFFFF80]  }
0x1a9: {  	[tilespmem:s21+$0xFFFFFF20] =	vst v4;
	v4 =	vmul.f32 v7, v6;
	v12 =	vld [tilespmem:s21+$0xFFFFFF90]  }
0x1aa: {  	s10 =	sadd.s32 $0x1, s9;
	[tilespmem:s21+$0xFFFFFF30] =	vst v3;
	v3 =	vmul.f32 v8, v6;
	v8 =	vld [tilespmem:s21+$0xFFFFFFA0]  }
.Ltmp11:
0x1ab: {  	v5 =	vmov s10;
	[tilespmem:s21+$0xFFFFFF40] =	vst v4;
	v7 =	vmul.f32 v10, v6;
	v4 =	vld [tilespmem:s21+$0xFFFFFFB0];
	(pc) =	sbr.rel @p2 .LBB2_23-.Ltmp11, $4  }
0x1ac: {  	[tilespmem:s21+$0xFFFFFF50] =	vst v3;
	v9 =	vmul.f32 v9, v6;
	v3 =	vperm.xlane v2, v5;
	v5 =	vld [tilespmem:s21+$0xFFFFFFC0]  }
0x1ad: {  	[tilespmem:s21+$0xFFFFFF60] =	vst v7;
	v11 =	vmul.f32 v11, v6;
	v7 =	vld [tilespmem:s21+$0xFFFFFFD0]  }
0x1ae: {  	[tilespmem:s21+$0xFFFFFF70] =	vst v9;
	v10 =	vmul.f32 v12, v3;
	v6 =	vld [tilespmem:s21+$0xFFFFFFE0]  }
0x1af: {  	s9 =	sadd.s32 $0x2, s9;
	[tilespmem:s21+$0xFFFFFF80] =	vst v11;
	v9 =	vmul.f32 v8, v3;
	v8 =	vld [tilespmem:s21+$0x0]  }
0x1b0: {  	[tilespmem:s20+$0xFFFFFF90] =	vst v10;
	v2 =	vmul.f32 v4, v3;
	v62 =	vld [tilespmem:s20+$0xFFFFFFF0]  }
0x1b1: {  	[tilespmem:s20+$0xFFFFFFA0] =	vst v9;
	v5 =	vmul.f32 v5, v3  }
0x1b2: {  	[tilespmem:s20+$0xFFFFFFB0] =	vst v2;
	v2 =	vmul.f32 v7, v3  }
0x1b3: {  	[tilespmem:s20+$0xFFFFFFC0] =	vst v5;
	v63 =	vmul.f32 v6, v3  }
0x1b4: {  	[tilespmem:s20+$0xFFFFFFD0] =	vst v2;
	v2 =	vmul.f32 v8, v3  }
0x1b5: {  	[tilespmem:s20+$0xFFFFFFE0] =	vst v63;
	v3 =	vmul.f32 v62, v3  }
0x1b6: {  	s4 =	sshll.u32 s4, $0x7;
	[tilespmem:s20+$0x0] =	vst v2  }
0x1b7: {  	s2 =	sadd.s32 $0x1400, s2;
	p2 =	seq.s32 s1, $0x0;
	s4 =	sadd.s32 $0x3C00, s4;
	[tilespmem:s20+$0xFFFFFFF0] =	vst v3  }
0x1b8: {  	[spmem:s3] =	stream.indirect.scatter.add.f32 [tilespmem:s4], [sflag:$0x2], $0x80, s2, s23, $0xb8;
	[tilespmem:$0x1F500] =	vst v63  }
0x1b9: {  	s2 =	simm.s32 @!p2 $0x2  }
0x1ba: {  	p3 =	sgt.u32 @!p2 s1, $0x4C;
	_ =	swait.ge @!p2 [sflag:s2], $0x2000  }
0x1bb: {  	p3 =	por p2, !p3;
	[sflag:s2] =	ssyncset.done @!p2 $0x0  }
0x1bc: {  	[sflag:s2] =	ssyncadd.s32 @!p2 $0xFFFFE000;
	s2 =	sadd.s32 @p3 $0x3, s1;
	s1 =	sadd.s32 $0x1, s1  }
0x1bd: {  	p2 =	sne.s32 s1, $0x50  }
.Ltmp12:
0x1be: {  	_ = 	snop;
	(pc) =	sbr.rel @p2 .LBB2_16-.Ltmp12, $4  }
0x1bf: {  	s4 =	sshll.u32 @p3 s2, $0xD  }
0x1c0: {  	s2 =	sshll.u32 @p3 s2, $0x6;
	s4 =	sand.u32 @p3 $0x6000, s4  }
0x1c1: {  	s31 =	sadd.s32 $0x1, s31;
	s2 =	sand.u32 @p3 $0x3FFFFFC0, s2;
	s4 =	sadd.s32 @p3 $0x3C00, s4  }
0x1c2: {  	[tilespmem:s4], [sflag:$0x1] =	stream.indirect.gather @p3 [hbm4b:s0+s23], $0x80, s2, s23, $0xb8;
	[tilespmem:$0x1F500] =	vst v63  }
0x1c3: {  	_ =	swait.ge [sflag:s29], $0x2000  }
.Ltmp13:
0x1c4: {  	s1 =	stileid.u32;
	[sflag:s29] =	ssyncset.done $0x0;
	(pc) =	sbr.rel @!p1 .LBB2_27-.Ltmp13, $4  }
0x1c5: {  	s2 =	sshrl.u32 s7, $0x3;
	s1 =	sshll.u32 s1, $0x6;
	[sflag:s29] =	ssyncadd.s32 $0xFFFFE000  }
0x1c6: {  	s4 =	sadd.s32 $0x400, s17;
	s1 =	sor.u32 $0x1C03, s1;
	[bflag:$0x0] =	sbarrier.arrive $0xFFFF  }
0x1c7: {  	[hbm:s17], [sflag:s1] =	dma.local [spmem:s2], $0x400  }
0x1c8: {  	s9 =	smov.u32 s7;
	s2 =	sadd.s32 $0xFFFFFFFF, s6;
	_ =	swait.ge [sflag:s19], $0x400  }
.LBB2_26:
0x1c9: {  	[sflag:s19] =	ssyncset.done $0x0;
	s9 =	sadd.s32 $0x2000, s9;
	p1 =	sne.s32 s2, $0x1  }
.Ltmp14:
0x1ca: {  	s10 =	sshrl.u32 s9, $0x3;
	[sflag:s19] =	ssyncadd.s32 $0xFFFFFC00;
	(pc) =	sbr.rel @p1 .LBB2_26-.Ltmp14, $3  }
0x1cb: {  	[hbm:s4], [sflag:s1] =	dma.local [spmem:s10], $0x400  }
0x1cc: {  	s2 =	sadd.s32 $0xFFFFFFFF, s2;
	_ =	sdelay $0x1  }
0x1cd: {  	s4 =	sadd.s32 $0x400, s4;
	_ =	swait.ge [sflag:s19], $0x400  }
.LBB2_27:
0x1ce: {  	[sflag:s19] =	ssyncset.done $0x0;
	s1 =	sshrl.u32 @!p0 s8, $0x3;
	s5 =	sadd.s32 $0x1, s5  }
0x1cf: {  	s2 =	simm.s32 @!p0 $0x1FC3;
	[sflag:s19] =	ssyncadd.s32 $0xFFFFFC00;
	p1 =	sne.s32 s5, s16  }
0x1d0: {  	[hbm:s15], [sflag:s2] =	dma.local @!p0 [spmem:s1], $0x100  }
.Ltmp15:
0x1d1: {  	_ = 	snop;
	(pc) =	sbr.rel @p1 .LBB2_1-.Ltmp15, $4  }
0x1d2: {  	s1 =	simm.s32 @!p0 $0x3  }
0x1d3: {  	_ =	swait.ge @!p0 [sflag:s1], $0x100  }
0x1d4: {  	[sflag:s1] =	ssyncset.done @!p0 $0x0  }
0x1d5: {  	[sflag:s1] =	ssyncadd.s32 @!p0 $0xFFFFFF00  }
0x1d6: {  	_ =	sfence.sel $0x180000  }
0x1d7: {  	[bflag:$0x0] =	sbarrier.arrive $0xFFFF  }
0x1d8: {  	_ =	strace $0x90000047  }
0x1d9: {  	s0 =	stileid.u32;
	[bflag:$0x2] =	sbarrier.arrive $0xFFFF  }
0x1da: {  	p0 =	sne.s32 s0, $0x0;
	s0 =	rddreg [dreg:$0x7]  }
0x1db: {  	s0 =	sadd.s32 @!p0 $0x100000, s0  }
0x1dc: {  	[sflag:s0] =	ssyncadd.tile.s32 @!p0 $0x1;
	_ =	shalt  }
.Lfunc_end2:
_tile_overlayer_lowered:
.L_overlay_start_2:
0x1dd: {  	(tag) =	ssettag $0x2  }
0x1de: {  	s0 =	rddreg [dreg:$0x0];
	s2 =	stileid.u32  }
0x1df: {  	s1 =	rddreg [dreg:$0x1];
	p0 =	sne.s32 s2, $0x0  }
0x1e0: {  	s3 =	rddreg [dreg:$0x2];
	[bflag:$0x3] =	sbarrier.arrive $0xFFFF;
	s2 =	simm.s32 @!p0 $0x1C03  }
0x1e1: {  	[timem:s3], [sflag:s2] =	dma.local @!p0 [hbm:s0], s1  }
0x1e2: {  	s0 =	simm.s32 @!p0 $0x3  }
0x1e3: {  	_ =	swait.ge @!p0 [sflag:s0], s1  }
0x1e4: {  	s1 =	ssub.s32 @!p0 $0x0, s1;
	[sflag:s0] =	ssyncset.done @!p0 $0x0  }
0x1e5: {  	[sflag:s0] =	ssyncadd.s32 @!p0 s1  }
0x1e6: {  	[bflag:$0x3] =	sbarrier.arrive $0xFFFF  }
0x1e7: {  	_ =	shalt  }

</sc_bundles>
